<compile_context>
chip_gen: v7x
topology: tpu7x:2x2x1
jax: 0.10.2.dev20260603
libtpu: 0.0.44.dev20260713+nightly
codegen_flags: <defaults>
</compile_context>

<pallas_src>
import functools

import jax
import jax.numpy as jnp
from jax import lax
from jax.experimental import pallas as pl
from jax.experimental.pallas import tpu as pltpu
from jax.experimental.pallas import tpu_sc as plsc

N = 10000
E = 160000
F = 128
FD = 128
CHUNK = 80
NCHUNKS = E // CHUNK
NB = 1000
NBLK = N // NB
WB = 624

_mesh = lambda: plsc.VectorSubcoreMesh(
    core_axis_name="c", subcore_axis_name="s", num_cores=2, num_subcores=16)


def _copy_n_rows(src_of, dst_of, s):
    @pl.when(s < 15)
    def _():
        pltpu.sync_copy(src_of(s * WB, WB), dst_of(s * WB, WB))

    @pl.when(s == 15)
    def _():
        pltpu.sync_copy(src_of(15 * WB, N - 15 * WB),
                        dst_of(15 * WB, N - 15 * WB))


def _make_prop(split_edges):

    @functools.partial(
        pl.kernel,
        out_type=jax.ShapeDtypeStruct((2, N, F), jnp.float32),
        mesh=_mesh(),
        scratch_types=[
            pltpu.VMEM((CHUNK,), jnp.int32),
            pltpu.VMEM((CHUNK,), jnp.int32),
            pltpu.VMEM((CHUNK,), jnp.int32),
            pltpu.VMEM((CHUNK, F), jnp.float32),
            pltpu.VMEM_SHARED((N, F), jnp.float32),
            pltpu.SemaphoreType.DMA,
        ],
    )
    def prop(xs_hbm, src_hbm, dst_hbm, zeros_hbm, out_hbm,
             srcv, dstv, gi, rows, acc, sem):
        c = lax.axis_index("c")
        s = lax.axis_index("s")
        _copy_n_rows(lambda o, n: zeros_hbm.at[pl.ds(0, n)],
                     lambda o, n: acc.at[pl.ds(o, n)], s)
        plsc.subcore_barrier()

        def do_chunk(chunk_id, goff):
            base = chunk_id * CHUNK
            pltpu.sync_copy(src_hbm.at[pl.ds(base, CHUNK)], srcv)
            pltpu.sync_copy(dst_hbm.at[pl.ds(base, CHUNK)], dstv)
            if goff is None:
                pltpu.async_copy(xs_hbm.at[srcv], rows, sem).wait()
            else:
                for j in range(CHUNK // 16):
                    sl = pl.ds(16 * j, 16)
                    gi[sl] = srcv[sl] + goff
                pltpu.async_copy(xs_hbm.at[gi], rows, sem).wait()
            pltpu.sync_copy(rows, acc.at[dstv], add=True)

        if not split_edges:
            goff = c * N

            def body(i, carry):
                do_chunk(s + 16 * i, goff)
                return carry

            lax.fori_loop(0, NCHUNKS // 16, body, 0)
        else:
            wid = c * 16 + s

            def body(i, carry):
                do_chunk(wid + 32 * i, None)
                return carry

            lax.fori_loop(0, NCHUNKS // 32, body, 0)

            @pl.when(wid < NCHUNKS - 32 * (NCHUNKS // 32))
            def _():
                do_chunk(32 * (NCHUNKS // 32) + wid, None)

        plsc.subcore_barrier()
        _copy_n_rows(lambda o, n: acc.at[pl.ds(o, n)],
                     lambda o, n: out_hbm.at[c, pl.ds(o, n)], s)

    return prop


_prop2 = _make_prop(split_edges=False)
_prop1 = _make_prop(split_edges=True)


@functools.partial(
    pl.kernel,
    out_type=jax.ShapeDtypeStruct((2, N, FD), jnp.float32),
    mesh=_mesh(),
    scratch_types=[
        pltpu.VMEM((CHUNK,), jnp.int32),
        pltpu.VMEM((CHUNK, FD), jnp.float32),
        pltpu.VMEM_SHARED((N, FD), jnp.float32),
    ],
)
def _deg_kernel(dst_hbm, ones_hbm, zeros_hbm, out_hbm, dstv, rows, acc):
    c = lax.axis_index("c")
    s = lax.axis_index("s")
    pltpu.sync_copy(ones_hbm, rows)
    _copy_n_rows(lambda o, n: zeros_hbm.at[pl.ds(0, n)],
                 lambda o, n: acc.at[pl.ds(o, n)], s)
    plsc.subcore_barrier()
    wid = c * 16 + s

    def do_chunk(chunk_id):
        pltpu.sync_copy(dst_hbm.at[pl.ds(chunk_id * CHUNK, CHUNK)], dstv)
        pltpu.sync_copy(rows, acc.at[dstv], add=True)

    def body(i, carry):
        do_chunk(wid + 32 * i)
        return carry

    lax.fori_loop(0, NCHUNKS // 32, body, 0)

    @pl.when(wid < NCHUNKS - 32 * (NCHUNKS // 32))
    def _():
        do_chunk(32 * (NCHUNKS // 32) + wid)

    plsc.subcore_barrier()
    _copy_n_rows(lambda o, n: acc.at[pl.ds(o, n)],
                 lambda o, n: out_hbm.at[c, pl.ds(o, n)], s)


def _tc_pre_body(x_ref, degp_ref, xs0_ref, dinv16_ref):
    deg = degp_ref[0, :, 0] + degp_ref[1, :, 0] + 1.0
    dinv = lax.rsqrt(deg)
    dinv16_ref[...] = jnp.broadcast_to(dinv[:, None], (NB, 16))
    xs = x_ref[...] * dinv[:, None]
    for j in range(2):
        xs0_ref[j] = xs[:, F * j:F * (j + 1)]


def _tc1_body(s0_ref, xs0_ref, dinv16_ref, w1_ref, b1_ref, wm_ref,
              xs1a_ref, xs1b_ref):
    dinv = dinv16_ref[:, 0:1]
    z0 = jnp.concatenate(
        [s0_ref[j] + xs0_ref[j] for j in range(2)], axis=1) * dinv
    h = jnp.maximum(
        jnp.dot(z0, w1_ref[...], preferred_element_type=jnp.float32)
        + b1_ref[...], 0.0)
    m = jnp.dot(h, wm_ref[...], preferred_element_type=jnp.float32)
    xs1 = m * dinv
    for j in range(2):
        xs1a_ref[j] = xs1[:, F * j:F * (j + 1)]
        xs1b_ref[j] = xs1[:, 256 + F * j:256 + F * (j + 1)]


def _tc2_body(s1a_ref, s1b_ref, xs1a_ref, xs1b_ref, dinv16_ref, bm_ref,
              w2p_ref, xs2_ref):
    dinv = dinv16_ref[:, 0:1]
    scat = jnp.concatenate(
        [s1a_ref[j] for j in range(2)] + [s1b_ref[j] for j in range(2)],
        axis=1)
    xcat = jnp.concatenate(
        [xs1a_ref[j] for j in range(2)] + [xs1b_ref[j] for j in range(2)],
        axis=1)
    z1 = (scat + xcat) * dinv + bm_ref[...]
    h2 = jnp.maximum(z1, 0.0)
    c2 = jnp.dot(h2, w2p_ref[...], preferred_element_type=jnp.float32)
    xs2_ref[...] = c2 * dinv


def _tc3_body(s2p_ref, xs2_ref, dinv16_ref, b2_ref, out_ref):
    dinv = dinv16_ref[:, 0:1]
    z = (s2p_ref[0] + s2p_ref[1] + xs2_ref[...]) * dinv
    out_ref[...] = z[:, :64] + b2_ref[...]


def _row3(d0, d2):
    return pl.BlockSpec((d0, NB, d2), lambda i: (0, i, 0))


def _row2(d1):
    return pl.BlockSpec((NB, d1), lambda i: (i, 0))


def _full(shape):
    return pl.BlockSpec(shape, lambda i: tuple(0 for _ in shape))


def kernel(x, adj, W1, b1, Wm, bm, W2, b2):
    src32 = adj[0].astype(jnp.int32)
    dst32 = adj[1].astype(jnp.int32)
    zerosF = jnp.zeros((N - 15 * WB, F), jnp.float32)
    onesD = jnp.ones((CHUNK, FD), jnp.float32)
    W2p = jnp.pad(W2, ((0, 0), (0, F - 64)))

    degp = _deg_kernel(dst32, onesD, zerosF)

    xs0, dinv16 = pl.pallas_call(
        _tc_pre_body,
        grid=(NBLK,),
        in_specs=[_row2(256), _row3(2, FD)],
        out_specs=[_row3(2, F), _row2(16)],
        out_shape=[jax.ShapeDtypeStruct((2, N, F), jnp.float32),
                   jax.ShapeDtypeStruct((N, 16), jnp.float32)],
    )(x, degp)

    s0 = _prop2(xs0.reshape(2 * N, F), src32, dst32, zerosF)

    xs1a, xs1b = pl.pallas_call(
        _tc1_body,
        grid=(NBLK,),
        in_specs=[_row3(2, F), _row3(2, F), _row2(16), _full((256, 512)),
                  _full((1, 512)), _full((512, 512))],
        out_specs=[_row3(2, F), _row3(2, F)],
        out_shape=[jax.ShapeDtypeStruct((2, N, F), jnp.float32),
                   jax.ShapeDtypeStruct((2, N, F), jnp.float32)],
    )(s0, xs0, dinv16, W1, b1.reshape(1, 512), Wm)

    s1a = _prop2(xs1a.reshape(2 * N, F), src32, dst32, zerosF)
    s1b = _prop2(xs1b.reshape(2 * N, F), src32, dst32, zerosF)

    xs2 = pl.pallas_call(
        _tc2_body,
        grid=(NBLK,),
        in_specs=[_row3(2, F), _row3(2, F), _row3(2, F), _row3(2, F),
                  _row2(16), _full((1, 512)), _full((512, F))],
        out_specs=_row2(F),
        out_shape=jax.ShapeDtypeStruct((N, F), jnp.float32),
    )(s1a, s1b, xs1a, xs1b, dinv16, bm.reshape(1, 512), W2p)

    s2p = _prop1(xs2, src32, dst32, zerosF)

    out = pl.pallas_call(
        _tc3_body,
        grid=(NBLK,),
        in_specs=[_row3(2, F), _row2(F), _row2(16), _full((1, 64))],
        out_specs=_row2(64),
        out_shape=jax.ShapeDtypeStruct((N, 64), jnp.float32),
    )(s2p, xs2, dinv16, b2.reshape(1, 64))

    return out

# --- scband reference (transcript-rebuilt; emitter-appended) ---
"""Pipeline reference for scband-stand-gcnxbn-17214228922585 (READ-ONLY COPY).

The authoritative reference and input builder live on the scoring server;
editing this copy changes nothing except your own understanding.
"""

import jax, jax.numpy as jnp
import numpy as np

N = 10000
E = 160000
NFEAT = 256
NHID = 512
NCLASS = 64


def gcn_conv(x, W, b, src, dst, num_nodes):
    # GCNConv: linear (no bias) -> symmetric-normalized propagation -> + bias
    x = x @ W
    # add self loops (First_self_loop=True)
    loop = jnp.arange(num_nodes, dtype=src.dtype)
    src_f = jnp.concatenate([src, loop])
    dst_f = jnp.concatenate([dst, loop])
    # gcn_norm: deg over incoming edges (row sums of adj_t)
    deg = jnp.zeros((num_nodes,), dtype=x.dtype).at[dst_f].add(1.0)
    dinv = jnp.where(deg > 0, jax.lax.rsqrt(deg), 0.0)
    norm = dinv[dst_f] * dinv[src_f]
    msgs = jnp.take(x, src_f, axis=0) * norm[:, None]
    out = jax.ops.segment_sum(msgs, dst_f, num_segments=num_nodes)
    return out + b


def setup_inputs(seed: int = 0) -> dict:
    key = jax.random.key(seed)
    ks = jax.random.split(key, 9)
    x = jax.random.normal(ks[0], (N, NFEAT), dtype=jnp.float32)
    adj = jax.random.randint(ks[1], (2, E), 0, N).astype(jnp.int64)
    W1 = jax.random.normal(ks[2], (NFEAT, NHID), dtype=jnp.float32) * (1.0 / np.sqrt(NFEAT))
    b1 = jnp.zeros((NHID,), dtype=jnp.float32)
    Wm = jax.random.normal(ks[3], (NHID, NHID), dtype=jnp.float32) * (1.0 / np.sqrt(NHID))
    bm = jnp.zeros((NHID,), dtype=jnp.float32)
    W2 = jax.random.normal(ks[4], (NHID, NCLASS), dtype=jnp.float32) * (1.0 / np.sqrt(NHID))
    b2 = jnp.zeros((NCLASS,), dtype=jnp.float32)
    return {"x": x, "adj": adj, "W1": W1, "b1": b1, "Wm": Wm, "bm": bm, "W2": W2, "b2": b2}


def reference(x, adj, W1, b1, Wm, bm, W2, b2):
    # StandGCNXBN.forward with layer=3: conv1 -> relu -> convx[0] -> relu -> conv2
    # (batch norms / mlp1 are defined but unused in forward)
    src = adj[0]
    dst = adj[1]
    h = gcn_conv(x, W1, b1, src, dst, N)
    h = jax.nn.relu(h)
    h = gcn_conv(h, Wm, bm, src, dst, N)
    h = jax.nn.relu(h)
    out = gcn_conv(h, W2, b2, src, dst, N)
    return out

if __name__ == "__main__":
    import jax
    _d = setup_inputs()
    print(jax.jit(kernel)(*tuple(_d.values())))

</pallas_src>

<mosaic_0001>
#map = affine_map<(d0, d1) -> (0, 0)>
#map1 = affine_map<(d0, d1) -> (0)>
#map2 = affine_map<(d0, d1) -> (0, 0, 0)>
module attributes {stable_mosaic.version = 14 : i64} {
  func.func @prop(%arg0: i32, %arg1: i32, %arg2: memref<20000x128xf32, #tpu.memory_space<hbm>>, %arg3: memref<160000xi32, #tpu.memory_space<hbm>>, %arg4: memref<160000xi32, #tpu.memory_space<hbm>>, %arg5: memref<640x128xf32, #tpu.memory_space<hbm>>, %arg6: memref<2x10000x128xf32, #tpu.memory_space<hbm>>, %arg7: memref<80xi32, #tpu.memory_space<vmem>>, %arg8: memref<80xi32, #tpu.memory_space<vmem>>, %arg9: memref<80xi32, #tpu.memory_space<vmem>>, %arg10: memref<80x128xf32, #tpu.memory_space<vmem>>, %arg11: memref<10000x128xf32, #tpu.memory_space<vmem_shared>>, %arg12: memref<!tpu.dma_semaphore, #tpu.memory_space<semaphore_mem>>) attributes {dimension_semantics = [#tpu.dimension_semantics<core_parallel>, #tpu.dimension_semantics<subcore_parallel>], iteration_bounds = array<i64: 2, 16>, scalar_prefetch = 0 : i64, scratch_operands = 6 : i64, tpu.core_type = #tpu.core_type<sc_vector_subcore>, window_params = [{transform_indices = #map}, {transform_indices = #map1}, {transform_indices = #map1}, {transform_indices = #map}, {transform_indices = #map2}]} {
    %lt3A = arith.constant 15 : i32
    %lt3A_0 = arith.cmpi slt, %arg1, %lt3A : i32
    %convert_element_type3A = arith.extui %lt3A_0 : i1 to i32
    %cond3A = arith.constant 0 : i32
    %cond3A_1 = arith.cmpi ne, %convert_element_type3A, %cond3A : i32
    scf.if %cond3A_1 {
      %mul3A_23 = arith.constant 624 : i32
      %mul3A_24 = arith.muli %arg1, %mul3A_23 : i32
      %mul3A_25 = arith.constant 624 : i32
      %mul3A_26 = arith.muli %arg1, %mul3A_25 : i32
      "tpu.region"() ({
        %run_scoped3A = tpu.sem_alloc : memref<!tpu.dma_semaphore, #tpu.memory_space<semaphore_mem>>
        %dma_start3A = arith.constant 0 : i32
        %dma_start3A_27 = tpu.memref_slice %arg11[%mul3A_26, %dma_start3A] : memref<10000x128xf32, #tpu.memory_space<vmem_shared>> -> memref<624x128xf32, #tpu.memory_space<vmem_shared>>
        %dma_start3A_28 = arith.constant 0 : i32
        %dma_start3A_29 = arith.constant 0 : i32
        %dma_start3A_30 = tpu.memref_slice %arg5[%dma_start3A_28, %dma_start3A_29] : memref<640x128xf32, #tpu.memory_space<hbm>> -> memref<624x128xf32, #tpu.memory_space<hbm>>
        tpu.enqueue_dma source(%dma_start3A_30 : memref<624x128xf32, #tpu.memory_space<hbm>>) target(%dma_start3A_27 : memref<624x128xf32, #tpu.memory_space<vmem_shared>>) target_semaphore(%run_scoped3A : memref<!tpu.dma_semaphore, #tpu.memory_space<semaphore_mem>>)
        %dma_wait3A = arith.constant 0 : i32
        %dma_wait3A_31 = tpu.memref_slice %arg11[%mul3A_26, %dma_wait3A] : memref<10000x128xf32, #tpu.memory_space<vmem_shared>> -> memref<624x128xf32, #tpu.memory_space<vmem_shared>>
        %dma_wait3A_32 = arith.constant 0 : i32
        %dma_wait3A_33 = arith.constant 0 : i32
        %dma_wait3A_34 = tpu.memref_slice %arg5[%dma_wait3A_32, %dma_wait3A_33] : memref<640x128xf32, #tpu.memory_space<hbm>> -> memref<624x128xf32, #tpu.memory_space<hbm>>
        tpu.wait_dma2 semaphore(%run_scoped3A : memref<!tpu.dma_semaphore, #tpu.memory_space<semaphore_mem>>) src(%dma_wait3A_34 : memref<624x128xf32, #tpu.memory_space<hbm>>) dst(%dma_wait3A_31 : memref<624x128xf32, #tpu.memory_space<vmem_shared>>)
        tpu.yield
      }) : () -> ()
    } else {
    }
    %eq3A = arith.constant 15 : i32
    %eq3A_2 = arith.cmpi eq, %arg1, %eq3A : i32
    %convert_element_type3A_3 = arith.extui %eq3A_2 : i1 to i32
    %cond3A_4 = arith.constant 0 : i32
    %cond3A_5 = arith.cmpi ne, %convert_element_type3A_3, %cond3A_4 : i32
    scf.if %cond3A_5 {
      "tpu.region"() ({
        %run_scoped3A = tpu.sem_alloc : memref<!tpu.dma_semaphore, #tpu.memory_space<semaphore_mem>>
        %dma_start3A = arith.constant 9360 : i32
        %dma_start3A_23 = arith.constant 0 : i32
        %dma_start3A_24 = tpu.memref_slice %arg11[%dma_start3A, %dma_start3A_23] : memref<10000x128xf32, #tpu.memory_space<vmem_shared>> -> memref<640x128xf32, #tpu.memory_space<vmem_shared>>
        %dma_start3A_25 = arith.constant 0 : i32
        %dma_start3A_26 = arith.constant 0 : i32
        %dma_start3A_27 = tpu.memref_slice %arg5[%dma_start3A_25, %dma_start3A_26] : memref<640x128xf32, #tpu.memory_space<hbm>> -> memref<640x128xf32, #tpu.memory_space<hbm>>
        tpu.enqueue_dma source(%dma_start3A_27 : memref<640x128xf32, #tpu.memory_space<hbm>>) target(%dma_start3A_24 : memref<640x128xf32, #tpu.memory_space<vmem_shared>>) target_semaphore(%run_scoped3A : memref<!tpu.dma_semaphore, #tpu.memory_space<semaphore_mem>>)
        %dma_wait3A = arith.constant 9360 : i32
        %dma_wait3A_28 = arith.constant 0 : i32
        %dma_wait3A_29 = tpu.memref_slice %arg11[%dma_wait3A, %dma_wait3A_28] : memref<10000x128xf32, #tpu.memory_space<vmem_shared>> -> memref<640x128xf32, #tpu.memory_space<vmem_shared>>
        %dma_wait3A_30 = arith.constant 0 : i32
        %dma_wait3A_31 = arith.constant 0 : i32
        %dma_wait3A_32 = tpu.memref_slice %arg5[%dma_wait3A_30, %dma_wait3A_31] : memref<640x128xf32, #tpu.memory_space<hbm>> -> memref<640x128xf32, #tpu.memory_space<hbm>>
        tpu.wait_dma2 semaphore(%run_scoped3A : memref<!tpu.dma_semaphore, #tpu.memory_space<semaphore_mem>>) src(%dma_wait3A_32 : memref<640x128xf32, #tpu.memory_space<hbm>>) dst(%dma_wait3A_29 : memref<640x128xf32, #tpu.memory_space<vmem_shared>>)
        tpu.yield
      }) : () -> ()
    } else {
    }
    %barrier3A = arith.constant 0 : index
    tpu.barrier barrier_id(%barrier3A)
    %mul3A = arith.constant 10000 : i32
    %mul3A_6 = arith.muli %arg0, %mul3A : i32
    %scan3A = arith.constant 0 : i32
    %scan3A_7 = arith.constant 0 : i32
    %scan3A_8 = arith.constant 125 : i32
    %scan3A_9 = arith.addi %scan3A_7, %scan3A_8 : i32
    %scan3A_10 = arith.constant 1 : i32
    scf.for %scan3A_23 = %scan3A_7 to %scan3A_9 step %scan3A_10  : i32 {
      %mul3A_24 = arith.constant 16 : i32
      %mul3A_25 = arith.muli %mul3A_24, %scan3A_23 : i32
      %add3A = arith.addi %arg1, %mul3A_25 : i32
      %mul3A_26 = arith.constant 80 : i32
      %mul3A_27 = arith.muli %add3A, %mul3A_26 : i32
      "tpu.region"() ({
        %run_scoped3A = tpu.sem_alloc : memref<!tpu.dma_semaphore, #tpu.memory_space<semaphore_mem>>
        %dma_start3A_75 = tpu.memref_slice %arg3[%mul3A_27] : memref<160000xi32, #tpu.memory_space<hbm>> -> memref<80xi32, #tpu.memory_space<hbm>>
        %dma_start3A_76 = tpu.memref_slice %arg3[%mul3A_27] : memref<160000xi32, #tpu.memory_space<hbm>> -> memref<80xi32, #tpu.memory_space<hbm>>
        tpu.enqueue_dma source(%dma_start3A_76 : memref<80xi32, #tpu.memory_space<hbm>>) target(%arg7 : memref<80xi32, #tpu.memory_space<vmem>>) target_semaphore(%run_scoped3A : memref<!tpu.dma_semaphore, #tpu.memory_space<semaphore_mem>>)
        %dma_wait3A_77 = tpu.memref_slice %arg3[%mul3A_27] : memref<160000xi32, #tpu.memory_space<hbm>> -> memref<80xi32, #tpu.memory_space<hbm>>
        %dma_wait3A_78 = tpu.memref_slice %arg3[%mul3A_27] : memref<160000xi32, #tpu.memory_space<hbm>> -> memref<80xi32, #tpu.memory_space<hbm>>
        tpu.wait_dma2 semaphore(%run_scoped3A : memref<!tpu.dma_semaphore, #tpu.memory_space<semaphore_mem>>) src(%dma_wait3A_78 : memref<80xi32, #tpu.memory_space<hbm>>) dst(%arg7 : memref<80xi32, #tpu.memory_space<vmem>>)
        tpu.yield
      }) : () -> ()
      "tpu.region"() ({
        %run_scoped3A = tpu.sem_alloc : memref<!tpu.dma_semaphore, #tpu.memory_space<semaphore_mem>>
        %dma_start3A_75 = tpu.memref_slice %arg4[%mul3A_27] : memref<160000xi32, #tpu.memory_space<hbm>> -> memref<80xi32, #tpu.memory_space<hbm>>
        %dma_start3A_76 = tpu.memref_slice %arg4[%mul3A_27] : memref<160000xi32, #tpu.memory_space<hbm>> -> memref<80xi32, #tpu.memory_space<hbm>>
        tpu.enqueue_dma source(%dma_start3A_76 : memref<80xi32, #tpu.memory_space<hbm>>) target(%arg8 : memref<80xi32, #tpu.memory_space<vmem>>) target_semaphore(%run_scoped3A : memref<!tpu.dma_semaphore, #tpu.memory_space<semaphore_mem>>)
        %dma_wait3A_77 = tpu.memref_slice %arg4[%mul3A_27] : memref<160000xi32, #tpu.memory_space<hbm>> -> memref<80xi32, #tpu.memory_space<hbm>>
        %dma_wait3A_78 = tpu.memref_slice %arg4[%mul3A_27] : memref<160000xi32, #tpu.memory_space<hbm>> -> memref<80xi32, #tpu.memory_space<hbm>>
        tpu.wait_dma2 semaphore(%run_scoped3A : memref<!tpu.dma_semaphore, #tpu.memory_space<semaphore_mem>>) src(%dma_wait3A_78 : memref<80xi32, #tpu.memory_space<hbm>>) dst(%arg8 : memref<80xi32, #tpu.memory_space<vmem>>)
        tpu.yield
      }) : () -> ()
      %get3A = arith.constant 0 : index
      %get3A_28 = tpu.vector_load %arg7[%get3A] {strides = array<i32>} : memref<80xi32, #tpu.memory_space<vmem>>, vector<16xi32>,
      %get3A_29 = vector.shape_cast %get3A_28 : vector<16xi32> to vector<16xi32>
      %add3A_30 = vector.broadcast %mul3A_6 : i32 to vector<16xi32>
      %add3A_31 = arith.addi %get3A_29, %add3A_30 : vector<16xi32>
      %swap3A = arith.constant 0 : index
      %swap3A_32 = tpu.vector_load %arg9[%swap3A] {strides = array<i32>} : memref<80xi32, #tpu.memory_space<vmem>>, vector<16xi32>,
      %swap3A_33 = vector.shape_cast %swap3A_32 : vector<16xi32> to vector<16xi32>
      %swap3A_34 = vector.shape_cast %add3A_31 : vector<16xi32> to vector<16xi32>
      tpu.vector_store %arg9[%swap3A], %swap3A_34 {strides = array<i32>} : memref<80xi32, #tpu.memory_space<vmem>>, vector<16xi32>,
      %get3A_35 = arith.constant 16 : index
      %get3A_36 = tpu.vector_load %arg7[%get3A_35] {strides = array<i32>} : memref<80xi32, #tpu.memory_space<vmem>>, vector<16xi32>,
      %get3A_37 = vector.shape_cast %get3A_36 : vector<16xi32> to vector<16xi32>
      %add3A_38 = vector.broadcast %mul3A_6 : i32 to vector<16xi32>
      %add3A_39 = arith.addi %get3A_37, %add3A_38 : vector<16xi32>
      %swap3A_40 = arith.constant 16 : index
      %swap3A_41 = tpu.vector_load %arg9[%swap3A_40] {strides = array<i32>} : memref<80xi32, #tpu.memory_space<vmem>>, vector<16xi32>,
      %swap3A_42 = vector.shape_cast %swap3A_41 : vector<16xi32> to vector<16xi32>
      %swap3A_43 = vector.shape_cast %add3A_39 : vector<16xi32> to vector<16xi32>
      tpu.vector_store %arg9[%swap3A_40], %swap3A_43 {strides = array<i32>} : memref<80xi32, #tpu.memory_space<vmem>>, vector<16xi32>,
      %get3A_44 = arith.constant 32 : index
      %get3A_45 = tpu.vector_load %arg7[%get3A_44] {strides = array<i32>} : memref<80xi32, #tpu.memory_space<vmem>>, vector<16xi32>,
      %get3A_46 = vector.shape_cast %get3A_45 : vector<16xi32> to vector<16xi32>
      %add3A_47 = vector.broadcast %mul3A_6 : i32 to vector<16xi32>
      %add3A_48 = arith.addi %get3A_46, %add3A_47 : vector<16xi32>
      %swap3A_49 = arith.constant 32 : index
      %swap3A_50 = tpu.vector_load %arg9[%swap3A_49] {strides = array<i32>} : memref<80xi32, #tpu.memory_space<vmem>>, vector<16xi32>,
      %swap3A_51 = vector.shape_cast %swap3A_50 : vector<16xi32> to vector<16xi32>
      %swap3A_52 = vector.shape_cast %add3A_48 : vector<16xi32> to vector<16xi32>
      tpu.vector_store %arg9[%swap3A_49], %swap3A_52 {strides = array<i32>} : memref<80xi32, #tpu.memory_space<vmem>>, vector<16xi32>,
      %get3A_53 = arith.constant 48 : index
      %get3A_54 = tpu.vector_load %arg7[%get3A_53] {strides = array<i32>} : memref<80xi32, #tpu.memory_space<vmem>>, vector<16xi32>,
      %get3A_55 = vector.shape_cast %get3A_54 : vector<16xi32> to vector<16xi32>
      %add3A_56 = vector.broadcast %mul3A_6 : i32 to vector<16xi32>
      %add3A_57 = arith.addi %get3A_55, %add3A_56 : vector<16xi32>
      %swap3A_58 = arith.constant 48 : index
      %swap3A_59 = tpu.vector_load %arg9[%swap3A_58] {strides = array<i32>} : memref<80xi32, #tpu.memory_space<vmem>>, vector<16xi32>,
      %swap3A_60 = vector.shape_cast %swap3A_59 : vector<16xi32> to vector<16xi32>
      %swap3A_61 = vector.shape_cast %add3A_57 : vector<16xi32> to vector<16xi32>
      tpu.vector_store %arg9[%swap3A_58], %swap3A_61 {strides = array<i32>} : memref<80xi32, #tpu.memory_space<vmem>>, vector<16xi32>,
      %get3A_62 = arith.constant 64 : index
      %get3A_63 = tpu.vector_load %arg7[%get3A_62] {strides = array<i32>} : memref<80xi32, #tpu.memory_space<vmem>>, vector<16xi32>,
      %get3A_64 = vector.shape_cast %get3A_63 : vector<16xi32> to vector<16xi32>
      %add3A_65 = vector.broadcast %mul3A_6 : i32 to vector<16xi32>
      %add3A_66 = arith.addi %get3A_64, %add3A_65 : vector<16xi32>
      %swap3A_67 = arith.constant 64 : index
      %swap3A_68 = tpu.vector_load %arg9[%swap3A_67] {strides = array<i32>} : memref<80xi32, #tpu.memory_space<vmem>>, vector<16xi32>,
      %swap3A_69 = vector.shape_cast %swap3A_68 : vector<16xi32> to vector<16xi32>
      %swap3A_70 = vector.shape_cast %add3A_66 : vector<16xi32> to vector<16xi32>
      tpu.vector_store %arg9[%swap3A_67], %swap3A_70 {strides = array<i32>} : memref<80xi32, #tpu.memory_space<vmem>>, vector<16xi32>,
      %dma_start3A = arith.constant 0 : i32
      %dma_start3A_71 = arith.constant 0 : i32
      %dma_start3A_72 = tpu.memref_slice %arg2[%dma_start3A, %dma_start3A_71] : memref<20000x128xf32, #tpu.memory_space<hbm>> -> memref<20000x128xf32, #tpu.memory_space<hbm>>
      tpu.enqueue_indirect_dma source(%dma_start3A_72 : memref<20000x128xf32, #tpu.memory_space<hbm>>) target(%arg10 : memref<80x128xf32, #tpu.memory_space<vmem>>) offsets(%arg9 : memref<80xi32, #tpu.memory_space<vmem>>) semaphore(%arg12 : memref<!tpu.dma_semaphore, #tpu.memory_space<semaphore_mem>>)
      %dma_wait3A = arith.constant 0 : i32
      %dma_wait3A_73 = arith.constant 0 : i32
      %dma_wait3A_74 = tpu.memref_slice %arg2[%dma_wait3A, %dma_wait3A_73] : memref<20000x128xf32, #tpu.memory_space<hbm>> -> memref<20000x128xf32, #tpu.memory_space<hbm>>
      tpu.wait_indirect_dma semaphore(%arg12 : memref<!tpu.dma_semaphore, #tpu.memory_space<semaphore_mem>>) src(%dma_wait3A_74 : memref<20000x128xf32, #tpu.memory_space<hbm>>) dst(%arg10 : memref<80x128xf32, #tpu.memory_space<vmem>>)
      "tpu.region"() ({
        %run_scoped3A = tpu.sem_alloc : memref<!tpu.dma_semaphore, #tpu.memory_space<semaphore_mem>>
        %dma_start3A_75 = arith.constant 0 : i32
        %dma_start3A_76 = arith.constant 0 : i32
        %dma_start3A_77 = tpu.memref_slice %arg11[%dma_start3A_75, %dma_start3A_76] : memref<10000x128xf32, #tpu.memory_space<vmem_shared>> -> memref<10000x128xf32, #tpu.memory_space<vmem_shared>>
        tpu.enqueue_indirect_dma source(%arg10 : memref<80x128xf32, #tpu.memory_space<vmem>>) target(%dma_start3A_77 : memref<10000x128xf32, #tpu.memory_space<vmem_shared>>) offsets(%arg8 : memref<80xi32, #tpu.memory_space<vmem>>) semaphore(%run_scoped3A : memref<!tpu.dma_semaphore, #tpu.memory_space<semaphore_mem>>) {add = true}
        %dma_wait3A_78 = arith.constant 0 : i32
        %dma_wait3A_79 = arith.constant 0 : i32
        %dma_wait3A_80 = tpu.memref_slice %arg11[%dma_wait3A_78, %dma_wait3A_79] : memref<10000x128xf32, #tpu.memory_space<vmem_shared>> -> memref<10000x128xf32, #tpu.memory_space<vmem_shared>>
        tpu.wait_indirect_dma semaphore(%run_scoped3A : memref<!tpu.dma_semaphore, #tpu.memory_space<semaphore_mem>>) src(%arg10 : memref<80x128xf32, #tpu.memory_space<vmem>>) dst(%dma_wait3A_80 : memref<10000x128xf32, #tpu.memory_space<vmem_shared>>)
        tpu.yield
      }) : () -> ()
    }
    %scan3A_11 = arith.constant 125 : i32
    %barrier3A_12 = arith.constant 0 : index
    tpu.barrier barrier_id(%barrier3A_12)
    %lt3A_13 = arith.constant 15 : i32
    %lt3A_14 = arith.cmpi slt, %arg1, %lt3A_13 : i32
    %convert_element_type3A_15 = arith.extui %lt3A_14 : i1 to i32
    %cond3A_16 = arith.constant 0 : i32
    %cond3A_17 = arith.cmpi ne, %convert_element_type3A_15, %cond3A_16 : i32
    scf.if %cond3A_17 {
      %mul3A_23 = arith.constant 624 : i32
      %mul3A_24 = arith.muli %arg1, %mul3A_23 : i32
      %mul3A_25 = arith.constant 624 : i32
      %mul3A_26 = arith.muli %arg1, %mul3A_25 : i32
      "tpu.region"() ({
        %run_scoped3A = tpu.sem_alloc : memref<!tpu.dma_semaphore, #tpu.memory_space<semaphore_mem>>
        %dma_start3A = arith.constant 0 : i32
        %dma_start3A_27 = tpu.memref_slice %arg6[%arg0, %mul3A_26, %dma_start3A] : memref<2x10000x128xf32, #tpu.memory_space<hbm>> -> memref<1x624x128xf32, #tpu.memory_space<hbm>>
        %dma_start3A_28 = tpu.memref_squeeze %dma_start3A_27 : memref<1x624x128xf32, #tpu.memory_space<hbm>> -> memref<624x128xf32, #tpu.memory_space<hbm>>
        %dma_start3A_29 = arith.constant 0 : i32
        %dma_start3A_30 = tpu.memref_slice %arg11[%mul3A_24, %dma_start3A_29] : memref<10000x128xf32, #tpu.memory_space<vmem_shared>> -> memref<624x128xf32, #tpu.memory_space<vmem_shared>>
        tpu.enqueue_dma source(%dma_start3A_30 : memref<624x128xf32, #tpu.memory_space<vmem_shared>>) target(%dma_start3A_28 : memref<624x128xf32, #tpu.memory_space<hbm>>) target_semaphore(%run_scoped3A : memref<!tpu.dma_semaphore, #tpu.memory_space<semaphore_mem>>)
        %dma_wait3A = arith.constant 0 : i32
        %dma_wait3A_31 = tpu.memref_slice %arg6[%arg0, %mul3A_26, %dma_wait3A] : memref<2x10000x128xf32, #tpu.memory_space<hbm>> -> memref<1x624x128xf32, #tpu.memory_space<hbm>>
        %dma_wait3A_32 = tpu.memref_squeeze %dma_wait3A_31 : memref<1x624x128xf32, #tpu.memory_space<hbm>> -> memref<624x128xf32, #tpu.memory_space<hbm>>
        %dma_wait3A_33 = arith.constant 0 : i32
        %dma_wait3A_34 = tpu.memref_slice %arg11[%mul3A_24, %dma_wait3A_33] : memref<10000x128xf32, #tpu.memory_space<vmem_shared>> -> memref<624x128xf32, #tpu.memory_space<vmem_shared>>
        tpu.wait_dma2 semaphore(%run_scoped3A : memref<!tpu.dma_semaphore, #tpu.memory_space<semaphore_mem>>) src(%dma_wait3A_34 : memref<624x128xf32, #tpu.memory_space<vmem_shared>>) dst(%dma_wait3A_32 : memref<624x128xf32, #tpu.memory_space<hbm>>)
        tpu.yield
      }) : () -> ()
    } else {
    }
    %eq3A_18 = arith.constant 15 : i32
    %eq3A_19 = arith.cmpi eq, %arg1, %eq3A_18 : i32
    %convert_element_type3A_20 = arith.extui %eq3A_19 : i1 to i32
    %cond3A_21 = arith.constant 0 : i32
    %cond3A_22 = arith.cmpi ne, %convert_element_type3A_20, %cond3A_21 : i32
    scf.if %cond3A_22 {
      "tpu.region"() ({
        %run_scoped3A = tpu.sem_alloc : memref<!tpu.dma_semaphore, #tpu.memory_space<semaphore_mem>>
        %dma_start3A = arith.constant 9360 : i32
        %dma_start3A_23 = arith.constant 0 : i32
        %dma_start3A_24 = tpu.memref_slice %arg6[%arg0, %dma_start3A, %dma_start3A_23] : memref<2x10000x128xf32, #tpu.memory_space<hbm>> -> memref<1x640x128xf32, #tpu.memory_space<hbm>>
        %dma_start3A_25 = tpu.memref_squeeze %dma_start3A_24 : memref<1x640x128xf32, #tpu.memory_space<hbm>> -> memref<640x128xf32, #tpu.memory_space<hbm>>
        %dma_start3A_26 = arith.constant 9360 : i32
        %dma_start3A_27 = arith.constant 0 : i32
        %dma_start3A_28 = tpu.memref_slice %arg11[%dma_start3A_26, %dma_start3A_27] : memref<10000x128xf32, #tpu.memory_space<vmem_shared>> -> memref<640x128xf32, #tpu.memory_space<vmem_shared>>
        tpu.enqueue_dma source(%dma_start3A_28 : memref<640x128xf32, #tpu.memory_space<vmem_shared>>) target(%dma_start3A_25 : memref<640x128xf32, #tpu.memory_space<hbm>>) target_semaphore(%run_scoped3A : memref<!tpu.dma_semaphore, #tpu.memory_space<semaphore_mem>>)
        %dma_wait3A = arith.constant 9360 : i32
        %dma_wait3A_29 = arith.constant 0 : i32
        %dma_wait3A_30 = tpu.memref_slice %arg6[%arg0, %dma_wait3A, %dma_wait3A_29] : memref<2x10000x128xf32, #tpu.memory_space<hbm>> -> memref<1x640x128xf32, #tpu.memory_space<hbm>>
        %dma_wait3A_31 = tpu.memref_squeeze %dma_wait3A_30 : memref<1x640x128xf32, #tpu.memory_space<hbm>> -> memref<640x128xf32, #tpu.memory_space<hbm>>
        %dma_wait3A_32 = arith.constant 9360 : i32
        %dma_wait3A_33 = arith.constant 0 : i32
        %dma_wait3A_34 = tpu.memref_slice %arg11[%dma_wait3A_32, %dma_wait3A_33] : memref<10000x128xf32, #tpu.memory_space<vmem_shared>> -> memref<640x128xf32, #tpu.memory_space<vmem_shared>>
        tpu.wait_dma2 semaphore(%run_scoped3A : memref<!tpu.dma_semaphore, #tpu.memory_space<semaphore_mem>>) src(%dma_wait3A_34 : memref<640x128xf32, #tpu.memory_space<vmem_shared>>) dst(%dma_wait3A_31 : memref<640x128xf32, #tpu.memory_space<hbm>>)
        tpu.yield
      }) : () -> ()
    } else {
    }
    return
  }
}

#map = affine_map<(d0, d1) -> (0)>
#map1 = affine_map<(d0, d1) -> (0, 0)>
#map2 = affine_map<(d0, d1) -> (0, 0, 0)>
module attributes {stable_mosaic.version = 14 : i64} {
  func.func @_deg_kernel(%arg0: i32, %arg1: i32, %arg2: memref<160000xi32, #tpu.memory_space<hbm>>, %arg3: memref<80x128xf32, #tpu.memory_space<hbm>>, %arg4: memref<640x128xf32, #tpu.memory_space<hbm>>, %arg5: memref<2x10000x128xf32, #tpu.memory_space<hbm>>, %arg6: memref<80xi32, #tpu.memory_space<vmem>>, %arg7: memref<80x128xf32, #tpu.memory_space<vmem>>, %arg8: memref<10000x128xf32, #tpu.memory_space<vmem_shared>>) attributes {dimension_semantics = [#tpu.dimension_semantics<core_parallel>, #tpu.dimension_semantics<subcore_parallel>], iteration_bounds = array<i64: 2, 16>, scalar_prefetch = 0 : i64, scratch_operands = 3 : i64, tpu.core_type = #tpu.core_type<sc_vector_subcore>, window_params = [{transform_indices = #map}, {transform_indices = #map1}, {transform_indices = #map1}, {transform_indices = #map2}]} {
    "tpu.region"() ({
      %run_scoped3A = tpu.sem_alloc : memref<!tpu.dma_semaphore, #tpu.memory_space<semaphore_mem>>
      tpu.enqueue_dma source(%arg3 : memref<80x128xf32, #tpu.memory_space<hbm>>) target(%arg7 : memref<80x128xf32, #tpu.memory_space<vmem>>) target_semaphore(%run_scoped3A : memref<!tpu.dma_semaphore, #tpu.memory_space<semaphore_mem>>)
      tpu.wait_dma2 semaphore(%run_scoped3A : memref<!tpu.dma_semaphore, #tpu.memory_space<semaphore_mem>>) src(%arg3 : memref<80x128xf32, #tpu.memory_space<hbm>>) dst(%arg7 : memref<80x128xf32, #tpu.memory_space<vmem>>)
      tpu.yield
    }) : () -> ()
    %lt3A = arith.constant 15 : i32
    %lt3A_0 = arith.cmpi slt, %arg1, %lt3A : i32
    %convert_element_type3A = arith.extui %lt3A_0 : i1 to i32
    %cond3A = arith.constant 0 : i32
    %cond3A_1 = arith.cmpi ne, %convert_element_type3A, %cond3A : i32
    scf.if %cond3A_1 {
      %mul3A_28 = arith.constant 624 : i32
      %mul3A_29 = arith.muli %arg1, %mul3A_28 : i32
      %mul3A_30 = arith.constant 624 : i32
      %mul3A_31 = arith.muli %arg1, %mul3A_30 : i32
      "tpu.region"() ({
        %run_scoped3A = tpu.sem_alloc : memref<!tpu.dma_semaphore, #tpu.memory_space<semaphore_mem>>
        %dma_start3A = arith.constant 0 : i32
        %dma_start3A_32 = tpu.memref_slice %arg8[%mul3A_31, %dma_start3A] : memref<10000x128xf32, #tpu.memory_space<vmem_shared>> -> memref<624x128xf32, #tpu.memory_space<vmem_shared>>
        %dma_start3A_33 = arith.constant 0 : i32
        %dma_start3A_34 = arith.constant 0 : i32
        %dma_start3A_35 = tpu.memref_slice %arg4[%dma_start3A_33, %dma_start3A_34] : memref<640x128xf32, #tpu.memory_space<hbm>> -> memref<624x128xf32, #tpu.memory_space<hbm>>
        tpu.enqueue_dma source(%dma_start3A_35 : memref<624x128xf32, #tpu.memory_space<hbm>>) target(%dma_start3A_32 : memref<624x128xf32, #tpu.memory_space<vmem_shared>>) target_semaphore(%run_scoped3A : memref<!tpu.dma_semaphore, #tpu.memory_space<semaphore_mem>>)
        %dma_wait3A = arith.constant 0 : i32
        %dma_wait3A_36 = tpu.memref_slice %arg8[%mul3A_31, %dma_wait3A] : memref<10000x128xf32, #tpu.memory_space<vmem_shared>> -> memref<624x128xf32, #tpu.memory_space<vmem_shared>>
        %dma_wait3A_37 = arith.constant 0 : i32
        %dma_wait3A_38 = arith.constant 0 : i32
        %dma_wait3A_39 = tpu.memref_slice %arg4[%dma_wait3A_37, %dma_wait3A_38] : memref<640x128xf32, #tpu.memory_space<hbm>> -> memref<624x128xf32, #tpu.memory_space<hbm>>
        tpu.wait_dma2 semaphore(%run_scoped3A : memref<!tpu.dma_semaphore, #tpu.memory_space<semaphore_mem>>) src(%dma_wait3A_39 : memref<624x128xf32, #tpu.memory_space<hbm>>) dst(%dma_wait3A_36 : memref<624x128xf32, #tpu.memory_space<vmem_shared>>)
        tpu.yield
      }) : () -> ()
    } else {
    }
    %eq3A = arith.constant 15 : i32
    %eq3A_2 = arith.cmpi eq, %arg1, %eq3A : i32
    %convert_element_type3A_3 = arith.extui %eq3A_2 : i1 to i32
    %cond3A_4 = arith.constant 0 : i32
    %cond3A_5 = arith.cmpi ne, %convert_element_type3A_3, %cond3A_4 : i32
    scf.if %cond3A_5 {
      "tpu.region"() ({
        %run_scoped3A = tpu.sem_alloc : memref<!tpu.dma_semaphore, #tpu.memory_space<semaphore_mem>>
        %dma_start3A = arith.constant 9360 : i32
        %dma_start3A_28 = arith.constant 0 : i32
        %dma_start3A_29 = tpu.memref_slice %arg8[%dma_start3A, %dma_start3A_28] : memref<10000x128xf32, #tpu.memory_space<vmem_shared>> -> memref<640x128xf32, #tpu.memory_space<vmem_shared>>
        %dma_start3A_30 = arith.constant 0 : i32
        %dma_start3A_31 = arith.constant 0 : i32
        %dma_start3A_32 = tpu.memref_slice %arg4[%dma_start3A_30, %dma_start3A_31] : memref<640x128xf32, #tpu.memory_space<hbm>> -> memref<640x128xf32, #tpu.memory_space<hbm>>
        tpu.enqueue_dma source(%dma_start3A_32 : memref<640x128xf32, #tpu.memory_space<hbm>>) target(%dma_start3A_29 : memref<640x128xf32, #tpu.memory_space<vmem_shared>>) target_semaphore(%run_scoped3A : memref<!tpu.dma_semaphore, #tpu.memory_space<semaphore_mem>>)
        %dma_wait3A = arith.constant 9360 : i32
        %dma_wait3A_33 = arith.constant 0 : i32
        %dma_wait3A_34 = tpu.memref_slice %arg8[%dma_wait3A, %dma_wait3A_33] : memref<10000x128xf32, #tpu.memory_space<vmem_shared>> -> memref<640x128xf32, #tpu.memory_space<vmem_shared>>
        %dma_wait3A_35 = arith.constant 0 : i32
        %dma_wait3A_36 = arith.constant 0 : i32
        %dma_wait3A_37 = tpu.memref_slice %arg4[%dma_wait3A_35, %dma_wait3A_36] : memref<640x128xf32, #tpu.memory_space<hbm>> -> memref<640x128xf32, #tpu.memory_space<hbm>>
        tpu.wait_dma2 semaphore(%run_scoped3A : memref<!tpu.dma_semaphore, #tpu.memory_space<semaphore_mem>>) src(%dma_wait3A_37 : memref<640x128xf32, #tpu.memory_space<hbm>>) dst(%dma_wait3A_34 : memref<640x128xf32, #tpu.memory_space<vmem_shared>>)
        tpu.yield
      }) : () -> ()
    } else {
    }
    %barrier3A = arith.constant 0 : index
    tpu.barrier barrier_id(%barrier3A)
    %mul3A = arith.constant 16 : i32
    %mul3A_6 = arith.muli %arg0, %mul3A : i32
    %add3A = arith.addi %mul3A_6, %arg1 : i32
    %scan3A = arith.constant 0 : i32
    %scan3A_7 = arith.constant 0 : i32
    %scan3A_8 = arith.constant 62 : i32
    %scan3A_9 = arith.addi %scan3A_7, %scan3A_8 : i32
    %scan3A_10 = arith.constant 1 : i32
    scf.for %scan3A_28 = %scan3A_7 to %scan3A_9 step %scan3A_10  : i32 {
      %mul3A_29 = arith.constant 32 : i32
      %mul3A_30 = arith.muli %mul3A_29, %scan3A_28 : i32
      %add3A_31 = arith.addi %add3A, %mul3A_30 : i32
      %mul3A_32 = arith.constant 80 : i32
      %mul3A_33 = arith.muli %add3A_31, %mul3A_32 : i32
      "tpu.region"() ({
        %run_scoped3A = tpu.sem_alloc : memref<!tpu.dma_semaphore, #tpu.memory_space<semaphore_mem>>
        %dma_start3A = tpu.memref_slice %arg2[%mul3A_33] : memref<160000xi32, #tpu.memory_space<hbm>> -> memref<80xi32, #tpu.memory_space<hbm>>
        %dma_start3A_34 = tpu.memref_slice %arg2[%mul3A_33] : memref<160000xi32, #tpu.memory_space<hbm>> -> memref<80xi32, #tpu.memory_space<hbm>>
        tpu.enqueue_dma source(%dma_start3A_34 : memref<80xi32, #tpu.memory_space<hbm>>) target(%arg6 : memref<80xi32, #tpu.memory_space<vmem>>) target_semaphore(%run_scoped3A : memref<!tpu.dma_semaphore, #tpu.memory_space<semaphore_mem>>)
        %dma_wait3A = tpu.memref_slice %arg2[%mul3A_33] : memref<160000xi32, #tpu.memory_space<hbm>> -> memref<80xi32, #tpu.memory_space<hbm>>
        %dma_wait3A_35 = tpu.memref_slice %arg2[%mul3A_33] : memref<160000xi32, #tpu.memory_space<hbm>> -> memref<80xi32, #tpu.memory_space<hbm>>
        tpu.wait_dma2 semaphore(%run_scoped3A : memref<!tpu.dma_semaphore, #tpu.memory_space<semaphore_mem>>) src(%dma_wait3A_35 : memref<80xi32, #tpu.memory_space<hbm>>) dst(%arg6 : memref<80xi32, #tpu.memory_space<vmem>>)
        tpu.yield
      }) : () -> ()
      "tpu.region"() ({
        %run_scoped3A = tpu.sem_alloc : memref<!tpu.dma_semaphore, #tpu.memory_space<semaphore_mem>>
        %dma_start3A = arith.constant 0 : i32
        %dma_start3A_34 = arith.constant 0 : i32
        %dma_start3A_35 = tpu.memref_slice %arg8[%dma_start3A, %dma_start3A_34] : memref<10000x128xf32, #tpu.memory_space<vmem_shared>> -> memref<10000x128xf32, #tpu.memory_space<vmem_shared>>
        tpu.enqueue_indirect_dma source(%arg7 : memref<80x128xf32, #tpu.memory_space<vmem>>) target(%dma_start3A_35 : memref<10000x128xf32, #tpu.memory_space<vmem_shared>>) offsets(%arg6 : memref<80xi32, #tpu.memory_space<vmem>>) semaphore(%run_scoped3A : memref<!tpu.dma_semaphore, #tpu.memory_space<semaphore_mem>>) {add = true}
        %dma_wait3A = arith.constant 0 : i32
        %dma_wait3A_36 = arith.constant 0 : i32
        %dma_wait3A_37 = tpu.memref_slice %arg8[%dma_wait3A, %dma_wait3A_36] : memref<10000x128xf32, #tpu.memory_space<vmem_shared>> -> memref<10000x128xf32, #tpu.memory_space<vmem_shared>>
        tpu.wait_indirect_dma semaphore(%run_scoped3A : memref<!tpu.dma_semaphore, #tpu.memory_space<semaphore_mem>>) src(%arg7 : memref<80x128xf32, #tpu.memory_space<vmem>>) dst(%dma_wait3A_37 : memref<10000x128xf32, #tpu.memory_space<vmem_shared>>)
        tpu.yield
      }) : () -> ()
    }
    %scan3A_11 = arith.constant 62 : i32
    %lt3A_12 = arith.constant 16 : i32
    %lt3A_13 = arith.cmpi slt, %add3A, %lt3A_12 : i32
    %convert_element_type3A_14 = arith.extui %lt3A_13 : i1 to i32
    %cond3A_15 = arith.constant 0 : i32
    %cond3A_16 = arith.cmpi ne, %convert_element_type3A_14, %cond3A_15 : i32
    scf.if %cond3A_16 {
      %add3A_28 = arith.constant 1984 : i32
      %add3A_29 = arith.addi %add3A_28, %add3A : i32
      %mul3A_30 = arith.constant 80 : i32
      %mul3A_31 = arith.muli %add3A_29, %mul3A_30 : i32
      "tpu.region"() ({
        %run_scoped3A = tpu.sem_alloc : memref<!tpu.dma_semaphore, #tpu.memory_space<semaphore_mem>>
        %dma_start3A = tpu.memref_slice %arg2[%mul3A_31] : memref<160000xi32, #tpu.memory_space<hbm>> -> memref<80xi32, #tpu.memory_space<hbm>>
        %dma_start3A_32 = tpu.memref_slice %arg2[%mul3A_31] : memref<160000xi32, #tpu.memory_space<hbm>> -> memref<80xi32, #tpu.memory_space<hbm>>
        tpu.enqueue_dma source(%dma_start3A_32 : memref<80xi32, #tpu.memory_space<hbm>>) target(%arg6 : memref<80xi32, #tpu.memory_space<vmem>>) target_semaphore(%run_scoped3A : memref<!tpu.dma_semaphore, #tpu.memory_space<semaphore_mem>>)
        %dma_wait3A = tpu.memref_slice %arg2[%mul3A_31] : memref<160000xi32, #tpu.memory_space<hbm>> -> memref<80xi32, #tpu.memory_space<hbm>>
        %dma_wait3A_33 = tpu.memref_slice %arg2[%mul3A_31] : memref<160000xi32, #tpu.memory_space<hbm>> -> memref<80xi32, #tpu.memory_space<hbm>>
        tpu.wait_dma2 semaphore(%run_scoped3A : memref<!tpu.dma_semaphore, #tpu.memory_space<semaphore_mem>>) src(%dma_wait3A_33 : memref<80xi32, #tpu.memory_space<hbm>>) dst(%arg6 : memref<80xi32, #tpu.memory_space<vmem>>)
        tpu.yield
      }) : () -> ()
      "tpu.region"() ({
        %run_scoped3A = tpu.sem_alloc : memref<!tpu.dma_semaphore, #tpu.memory_space<semaphore_mem>>
        %dma_start3A = arith.constant 0 : i32
        %dma_start3A_32 = arith.constant 0 : i32
        %dma_start3A_33 = tpu.memref_slice %arg8[%dma_start3A, %dma_start3A_32] : memref<10000x128xf32, #tpu.memory_space<vmem_shared>> -> memref<10000x128xf32, #tpu.memory_space<vmem_shared>>
        tpu.enqueue_indirect_dma source(%arg7 : memref<80x128xf32, #tpu.memory_space<vmem>>) target(%dma_start3A_33 : memref<10000x128xf32, #tpu.memory_space<vmem_shared>>) offsets(%arg6 : memref<80xi32, #tpu.memory_space<vmem>>) semaphore(%run_scoped3A : memref<!tpu.dma_semaphore, #tpu.memory_space<semaphore_mem>>) {add = true}
        %dma_wait3A = arith.constant 0 : i32
        %dma_wait3A_34 = arith.constant 0 : i32
        %dma_wait3A_35 = tpu.memref_slice %arg8[%dma_wait3A, %dma_wait3A_34] : memref<10000x128xf32, #tpu.memory_space<vmem_shared>> -> memref<10000x128xf32, #tpu.memory_space<vmem_shared>>
        tpu.wait_indirect_dma semaphore(%run_scoped3A : memref<!tpu.dma_semaphore, #tpu.memory_space<semaphore_mem>>) src(%arg7 : memref<80x128xf32, #tpu.memory_space<vmem>>) dst(%dma_wait3A_35 : memref<10000x128xf32, #tpu.memory_space<vmem_shared>>)
        tpu.yield
      }) : () -> ()
    } else {
    }
    %barrier3A_17 = arith.constant 0 : index
    tpu.barrier barrier_id(%barrier3A_17)
    %lt3A_18 = arith.constant 15 : i32
    %lt3A_19 = arith.cmpi slt, %arg1, %lt3A_18 : i32
    %convert_element_type3A_20 = arith.extui %lt3A_19 : i1 to i32
    %cond3A_21 = arith.constant 0 : i32
    %cond3A_22 = arith.cmpi ne, %convert_element_type3A_20, %cond3A_21 : i32
    scf.if %cond3A_22 {
      %mul3A_28 = arith.constant 624 : i32
      %mul3A_29 = arith.muli %arg1, %mul3A_28 : i32
      %mul3A_30 = arith.constant 624 : i32
      %mul3A_31 = arith.muli %arg1, %mul3A_30 : i32
      "tpu.region"() ({
        %run_scoped3A = tpu.sem_alloc : memref<!tpu.dma_semaphore, #tpu.memory_space<semaphore_mem>>
        %dma_start3A = arith.constant 0 : i32
        %dma_start3A_32 = tpu.memref_slice %arg5[%arg0, %mul3A_31, %dma_start3A] : memref<2x10000x128xf32, #tpu.memory_space<hbm>> -> memref<1x624x128xf32, #tpu.memory_space<hbm>>
        %dma_start3A_33 = tpu.memref_squeeze %dma_start3A_32 : memref<1x624x128xf32, #tpu.memory_space<hbm>> -> memref<624x128xf32, #tpu.memory_space<hbm>>
        %dma_start3A_34 = arith.constant 0 : i32
        %dma_start3A_35 = tpu.memref_slice %arg8[%mul3A_29, %dma_start3A_34] : memref<10000x128xf32, #tpu.memory_space<vmem_shared>> -> memref<624x128xf32, #tpu.memory_space<vmem_shared>>
        tpu.enqueue_dma source(%dma_start3A_35 : memref<624x128xf32, #tpu.memory_space<vmem_shared>>) target(%dma_start3A_33 : memref<624x128xf32, #tpu.memory_space<hbm>>) target_semaphore(%run_scoped3A : memref<!tpu.dma_semaphore, #tpu.memory_space<semaphore_mem>>)
        %dma_wait3A = arith.constant 0 : i32
        %dma_wait3A_36 = tpu.memref_slice %arg5[%arg0, %mul3A_31, %dma_wait3A] : memref<2x10000x128xf32, #tpu.memory_space<hbm>> -> memref<1x624x128xf32, #tpu.memory_space<hbm>>
        %dma_wait3A_37 = tpu.memref_squeeze %dma_wait3A_36 : memref<1x624x128xf32, #tpu.memory_space<hbm>> -> memref<624x128xf32, #tpu.memory_space<hbm>>
        %dma_wait3A_38 = arith.constant 0 : i32
        %dma_wait3A_39 = tpu.memref_slice %arg8[%mul3A_29, %dma_wait3A_38] : memref<10000x128xf32, #tpu.memory_space<vmem_shared>> -> memref<624x128xf32, #tpu.memory_space<vmem_shared>>
        tpu.wait_dma2 semaphore(%run_scoped3A : memref<!tpu.dma_semaphore, #tpu.memory_space<semaphore_mem>>) src(%dma_wait3A_39 : memref<624x128xf32, #tpu.memory_space<vmem_shared>>) dst(%dma_wait3A_37 : memref<624x128xf32, #tpu.memory_space<hbm>>)
        tpu.yield
      }) : () -> ()
    } else {
    }
    %eq3A_23 = arith.constant 15 : i32
    %eq3A_24 = arith.cmpi eq, %arg1, %eq3A_23 : i32
    %convert_element_type3A_25 = arith.extui %eq3A_24 : i1 to i32
    %cond3A_26 = arith.constant 0 : i32
    %cond3A_27 = arith.cmpi ne, %convert_element_type3A_25, %cond3A_26 : i32
    scf.if %cond3A_27 {
      "tpu.region"() ({
        %run_scoped3A = tpu.sem_alloc : memref<!tpu.dma_semaphore, #tpu.memory_space<semaphore_mem>>
        %dma_start3A = arith.constant 9360 : i32
        %dma_start3A_28 = arith.constant 0 : i32
        %dma_start3A_29 = tpu.memref_slice %arg5[%arg0, %dma_start3A, %dma_start3A_28] : memref<2x10000x128xf32, #tpu.memory_space<hbm>> -> memref<1x640x128xf32, #tpu.memory_space<hbm>>
        %dma_start3A_30 = tpu.memref_squeeze %dma_start3A_29 : memref<1x640x128xf32, #tpu.memory_space<hbm>> -> memref<640x128xf32, #tpu.memory_space<hbm>>
        %dma_start3A_31 = arith.constant 9360 : i32
        %dma_start3A_32 = arith.constant 0 : i32
        %dma_start3A_33 = tpu.memref_slice %arg8[%dma_start3A_31, %dma_start3A_32] : memref<10000x128xf32, #tpu.memory_space<vmem_shared>> -> memref<640x128xf32, #tpu.memory_space<vmem_shared>>
        tpu.enqueue_dma source(%dma_start3A_33 : memref<640x128xf32, #tpu.memory_space<vmem_shared>>) target(%dma_start3A_30 : memref<640x128xf32, #tpu.memory_space<hbm>>) target_semaphore(%run_scoped3A : memref<!tpu.dma_semaphore, #tpu.memory_space<semaphore_mem>>)
        %dma_wait3A = arith.constant 9360 : i32
        %dma_wait3A_34 = arith.constant 0 : i32
        %dma_wait3A_35 = tpu.memref_slice %arg5[%arg0, %dma_wait3A, %dma_wait3A_34] : memref<2x10000x128xf32, #tpu.memory_space<hbm>> -> memref<1x640x128xf32, #tpu.memory_space<hbm>>
        %dma_wait3A_36 = tpu.memref_squeeze %dma_wait3A_35 : memref<1x640x128xf32, #tpu.memory_space<hbm>> -> memref<640x128xf32, #tpu.memory_space<hbm>>
        %dma_wait3A_37 = arith.constant 9360 : i32
        %dma_wait3A_38 = arith.constant 0 : i32
        %dma_wait3A_39 = tpu.memref_slice %arg8[%dma_wait3A_37, %dma_wait3A_38] : memref<10000x128xf32, #tpu.memory_space<vmem_shared>> -> memref<640x128xf32, #tpu.memory_space<vmem_shared>>
        tpu.wait_dma2 semaphore(%run_scoped3A : memref<!tpu.dma_semaphore, #tpu.memory_space<semaphore_mem>>) src(%dma_wait3A_39 : memref<640x128xf32, #tpu.memory_space<vmem_shared>>) dst(%dma_wait3A_36 : memref<640x128xf32, #tpu.memory_space<hbm>>)
        tpu.yield
      }) : () -> ()
    } else {
    }
    return
  }
}

#map = affine_map<(d0, d1) -> (0, 0)>
#map1 = affine_map<(d0, d1) -> (0)>
#map2 = affine_map<(d0, d1) -> (0, 0, 0)>
module attributes {stable_mosaic.version = 14 : i64} {
  func.func @prop(%arg0: i32, %arg1: i32, %arg2: memref<20000x128xf32, #tpu.memory_space<hbm>>, %arg3: memref<160000xi32, #tpu.memory_space<hbm>>, %arg4: memref<160000xi32, #tpu.memory_space<hbm>>, %arg5: memref<640x128xf32, #tpu.memory_space<hbm>>, %arg6: memref<2x10000x128xf32, #tpu.memory_space<hbm>>, %arg7: memref<80xi32, #tpu.memory_space<vmem>>, %arg8: memref<80xi32, #tpu.memory_space<vmem>>, %arg9: memref<80xi32, #tpu.memory_space<vmem>>, %arg10: memref<80x128xf32, #tpu.memory_space<vmem>>, %arg11: memref<10000x128xf32, #tpu.memory_space<vmem_shared>>, %arg12: memref<!tpu.dma_semaphore, #tpu.memory_space<semaphore_mem>>) attributes {dimension_semantics = [#tpu.dimension_semantics<core_parallel>, #tpu.dimension_semantics<subcore_parallel>], iteration_bounds = array<i64: 2, 16>, scalar_prefetch = 0 : i64, scratch_operands = 6 : i64, tpu.core_type = #tpu.core_type<sc_vector_subcore>, window_params = [{transform_indices = #map}, {transform_indices = #map1}, {transform_indices = #map1}, {transform_indices = #map}, {transform_indices = #map2}]} {
    %lt3A = arith.constant 15 : i32
    %lt3A_0 = arith.cmpi slt, %arg1, %lt3A : i32
    %convert_element_type3A = arith.extui %lt3A_0 : i1 to i32
    %cond3A = arith.constant 0 : i32
    %cond3A_1 = arith.cmpi ne, %convert_element_type3A, %cond3A : i32
    scf.if %cond3A_1 {
      %mul3A_23 = arith.constant 624 : i32
      %mul3A_24 = arith.muli %arg1, %mul3A_23 : i32
      %mul3A_25 = arith.constant 624 : i32
      %mul3A_26 = arith.muli %arg1, %mul3A_25 : i32
      "tpu.region"() ({
        %run_scoped3A = tpu.sem_alloc : memref<!tpu.dma_semaphore, #tpu.memory_space<semaphore_mem>>
        %dma_start3A = arith.constant 0 : i32
        %dma_start3A_27 = tpu.memref_slice %arg11[%mul3A_26, %dma_start3A] : memref<10000x128xf32, #tpu.memory_space<vmem_shared>> -> memref<624x128xf32, #tpu.memory_space<vmem_shared>>
        %dma_start3A_28 = arith.constant 0 : i32
        %dma_start3A_29 = arith.constant 0 : i32
        %dma_start3A_30 = tpu.memref_slice %arg5[%dma_start3A_28, %dma_start3A_29] : memref<640x128xf32, #tpu.memory_space<hbm>> -> memref<624x128xf32, #tpu.memory_space<hbm>>
        tpu.enqueue_dma source(%dma_start3A_30 : memref<624x128xf32, #tpu.memory_space<hbm>>) target(%dma_start3A_27 : memref<624x128xf32, #tpu.memory_space<vmem_shared>>) target_semaphore(%run_scoped3A : memref<!tpu.dma_semaphore, #tpu.memory_space<semaphore_mem>>)
        %dma_wait3A = arith.constant 0 : i32
        %dma_wait3A_31 = tpu.memref_slice %arg11[%mul3A_26, %dma_wait3A] : memref<10000x128xf32, #tpu.memory_space<vmem_shared>> -> memref<624x128xf32, #tpu.memory_space<vmem_shared>>
        %dma_wait3A_32 = arith.constant 0 : i32
        %dma_wait3A_33 = arith.constant 0 : i32
        %dma_wait3A_34 = tpu.memref_slice %arg5[%dma_wait3A_32, %dma_wait3A_33] : memref<640x128xf32, #tpu.memory_space<hbm>> -> memref<624x128xf32, #tpu.memory_space<hbm>>
        tpu.wait_dma2 semaphore(%run_scoped3A : memref<!tpu.dma_semaphore, #tpu.memory_space<semaphore_mem>>) src(%dma_wait3A_34 : memref<624x128xf32, #tpu.memory_space<hbm>>) dst(%dma_wait3A_31 : memref<624x128xf32, #tpu.memory_space<vmem_shared>>)
        tpu.yield
      }) : () -> ()
    } else {
    }
    %eq3A = arith.constant 15 : i32
    %eq3A_2 = arith.cmpi eq, %arg1, %eq3A : i32
    %convert_element_type3A_3 = arith.extui %eq3A_2 : i1 to i32
    %cond3A_4 = arith.constant 0 : i32
    %cond3A_5 = arith.cmpi ne, %convert_element_type3A_3, %cond3A_4 : i32
    scf.if %cond3A_5 {
      "tpu.region"() ({
        %run_scoped3A = tpu.sem_alloc : memref<!tpu.dma_semaphore, #tpu.memory_space<semaphore_mem>>
        %dma_start3A = arith.constant 9360 : i32
        %dma_start3A_23 = arith.constant 0 : i32
        %dma_start3A_24 = tpu.memref_slice %arg11[%dma_start3A, %dma_start3A_23] : memref<10000x128xf32, #tpu.memory_space<vmem_shared>> -> memref<640x128xf32, #tpu.memory_space<vmem_shared>>
        %dma_start3A_25 = arith.constant 0 : i32
        %dma_start3A_26 = arith.constant 0 : i32
        %dma_start3A_27 = tpu.memref_slice %arg5[%dma_start3A_25, %dma_start3A_26] : memref<640x128xf32, #tpu.memory_space<hbm>> -> memref<640x128xf32, #tpu.memory_space<hbm>>
        tpu.enqueue_dma source(%dma_start3A_27 : memref<640x128xf32, #tpu.memory_space<hbm>>) target(%dma_start3A_24 : memref<640x128xf32, #tpu.memory_space<vmem_shared>>) target_semaphore(%run_scoped3A : memref<!tpu.dma_semaphore, #tpu.memory_space<semaphore_mem>>)
        %dma_wait3A = arith.constant 9360 : i32
        %dma_wait3A_28 = arith.constant 0 : i32
        %dma_wait3A_29 = tpu.memref_slice %arg11[%dma_wait3A, %dma_wait3A_28] : memref<10000x128xf32, #tpu.memory_space<vmem_shared>> -> memref<640x128xf32, #tpu.memory_space<vmem_shared>>
        %dma_wait3A_30 = arith.constant 0 : i32
        %dma_wait3A_31 = arith.constant 0 : i32
        %dma_wait3A_32 = tpu.memref_slice %arg5[%dma_wait3A_30, %dma_wait3A_31] : memref<640x128xf32, #tpu.memory_space<hbm>> -> memref<640x128xf32, #tpu.memory_space<hbm>>
        tpu.wait_dma2 semaphore(%run_scoped3A : memref<!tpu.dma_semaphore, #tpu.memory_space<semaphore_mem>>) src(%dma_wait3A_32 : memref<640x128xf32, #tpu.memory_space<hbm>>) dst(%dma_wait3A_29 : memref<640x128xf32, #tpu.memory_space<vmem_shared>>)
        tpu.yield
      }) : () -> ()
    } else {
    }
    %barrier3A = arith.constant 0 : index
    tpu.barrier barrier_id(%barrier3A)
    %mul3A = arith.constant 10000 : i32
    %mul3A_6 = arith.muli %arg0, %mul3A : i32
    %scan3A = arith.constant 0 : i32
    %scan3A_7 = arith.constant 0 : i32
    %scan3A_8 = arith.constant 125 : i32
    %scan3A_9 = arith.addi %scan3A_7, %scan3A_8 : i32
    %scan3A_10 = arith.constant 1 : i32
    scf.for %scan3A_23 = %scan3A_7 to %scan3A_9 step %scan3A_10  : i32 {
      %mul3A_24 = arith.constant 16 : i32
      %mul3A_25 = arith.muli %mul3A_24, %scan3A_23 : i32
      %add3A = arith.addi %arg1, %mul3A_25 : i32
      %mul3A_26 = arith.constant 80 : i32
      %mul3A_27 = arith.muli %add3A, %mul3A_26 : i32
      "tpu.region"() ({
        %run_scoped3A = tpu.sem_alloc : memref<!tpu.dma_semaphore, #tpu.memory_space<semaphore_mem>>
        %dma_start3A_75 = tpu.memref_slice %arg3[%mul3A_27] : memref<160000xi32, #tpu.memory_space<hbm>> -> memref<80xi32, #tpu.memory_space<hbm>>
        %dma_start3A_76 = tpu.memref_slice %arg3[%mul3A_27] : memref<160000xi32, #tpu.memory_space<hbm>> -> memref<80xi32, #tpu.memory_space<hbm>>
        tpu.enqueue_dma source(%dma_start3A_76 : memref<80xi32, #tpu.memory_space<hbm>>) target(%arg7 : memref<80xi32, #tpu.memory_space<vmem>>) target_semaphore(%run_scoped3A : memref<!tpu.dma_semaphore, #tpu.memory_space<semaphore_mem>>)
        %dma_wait3A_77 = tpu.memref_slice %arg3[%mul3A_27] : memref<160000xi32, #tpu.memory_space<hbm>> -> memref<80xi32, #tpu.memory_space<hbm>>
        %dma_wait3A_78 = tpu.memref_slice %arg3[%mul3A_27] : memref<160000xi32, #tpu.memory_space<hbm>> -> memref<80xi32, #tpu.memory_space<hbm>>
        tpu.wait_dma2 semaphore(%run_scoped3A : memref<!tpu.dma_semaphore, #tpu.memory_space<semaphore_mem>>) src(%dma_wait3A_78 : memref<80xi32, #tpu.memory_space<hbm>>) dst(%arg7 : memref<80xi32, #tpu.memory_space<vmem>>)
        tpu.yield
      }) : () -> ()
      "tpu.region"() ({
        %run_scoped3A = tpu.sem_alloc : memref<!tpu.dma_semaphore, #tpu.memory_space<semaphore_mem>>
        %dma_start3A_75 = tpu.memref_slice %arg4[%mul3A_27] : memref<160000xi32, #tpu.memory_space<hbm>> -> memref<80xi32, #tpu.memory_space<hbm>>
        %dma_start3A_76 = tpu.memref_slice %arg4[%mul3A_27] : memref<160000xi32, #tpu.memory_space<hbm>> -> memref<80xi32, #tpu.memory_space<hbm>>
        tpu.enqueue_dma source(%dma_start3A_76 : memref<80xi32, #tpu.memory_space<hbm>>) target(%arg8 : memref<80xi32, #tpu.memory_space<vmem>>) target_semaphore(%run_scoped3A : memref<!tpu.dma_semaphore, #tpu.memory_space<semaphore_mem>>)
        %dma_wait3A_77 = tpu.memref_slice %arg4[%mul3A_27] : memref<160000xi32, #tpu.memory_space<hbm>> -> memref<80xi32, #tpu.memory_space<hbm>>
        %dma_wait3A_78 = tpu.memref_slice %arg4[%mul3A_27] : memref<160000xi32, #tpu.memory_space<hbm>> -> memref<80xi32, #tpu.memory_space<hbm>>
        tpu.wait_dma2 semaphore(%run_scoped3A : memref<!tpu.dma_semaphore, #tpu.memory_space<semaphore_mem>>) src(%dma_wait3A_78 : memref<80xi32, #tpu.memory_space<hbm>>) dst(%arg8 : memref<80xi32, #tpu.memory_space<vmem>>)
        tpu.yield
      }) : () -> ()
      %get3A = arith.constant 0 : index
      %get3A_28 = tpu.vector_load %arg7[%get3A] {strides = array<i32>} : memref<80xi32, #tpu.memory_space<vmem>>, vector<16xi32>,
      %get3A_29 = vector.shape_cast %get3A_28 : vector<16xi32> to vector<16xi32>
      %add3A_30 = vector.broadcast %mul3A_6 : i32 to vector<16xi32>
      %add3A_31 = arith.addi %get3A_29, %add3A_30 : vector<16xi32>
      %swap3A = arith.constant 0 : index
      %swap3A_32 = tpu.vector_load %arg9[%swap3A] {strides = array<i32>} : memref<80xi32, #tpu.memory_space<vmem>>, vector<16xi32>,
      %swap3A_33 = vector.shape_cast %swap3A_32 : vector<16xi32> to vector<16xi32>
      %swap3A_34 = vector.shape_cast %add3A_31 : vector<16xi32> to vector<16xi32>
      tpu.vector_store %arg9[%swap3A], %swap3A_34 {strides = array<i32>} : memref<80xi32, #tpu.memory_space<vmem>>, vector<16xi32>,
      %get3A_35 = arith.constant 16 : index
      %get3A_36 = tpu.vector_load %arg7[%get3A_35] {strides = array<i32>} : memref<80xi32, #tpu.memory_space<vmem>>, vector<16xi32>,
      %get3A_37 = vector.shape_cast %get3A_36 : vector<16xi32> to vector<16xi32>
      %add3A_38 = vector.broadcast %mul3A_6 : i32 to vector<16xi32>
      %add3A_39 = arith.addi %get3A_37, %add3A_38 : vector<16xi32>
      %swap3A_40 = arith.constant 16 : index
      %swap3A_41 = tpu.vector_load %arg9[%swap3A_40] {strides = array<i32>} : memref<80xi32, #tpu.memory_space<vmem>>, vector<16xi32>,
      %swap3A_42 = vector.shape_cast %swap3A_41 : vector<16xi32> to vector<16xi32>
      %swap3A_43 = vector.shape_cast %add3A_39 : vector<16xi32> to vector<16xi32>
      tpu.vector_store %arg9[%swap3A_40], %swap3A_43 {strides = array<i32>} : memref<80xi32, #tpu.memory_space<vmem>>, vector<16xi32>,
      %get3A_44 = arith.constant 32 : index
      %get3A_45 = tpu.vector_load %arg7[%get3A_44] {strides = array<i32>} : memref<80xi32, #tpu.memory_space<vmem>>, vector<16xi32>,
      %get3A_46 = vector.shape_cast %get3A_45 : vector<16xi32> to vector<16xi32>
      %add3A_47 = vector.broadcast %mul3A_6 : i32 to vector<16xi32>
      %add3A_48 = arith.addi %get3A_46, %add3A_47 : vector<16xi32>
      %swap3A_49 = arith.constant 32 : index
      %swap3A_50 = tpu.vector_load %arg9[%swap3A_49] {strides = array<i32>} : memref<80xi32, #tpu.memory_space<vmem>>, vector<16xi32>,
      %swap3A_51 = vector.shape_cast %swap3A_50 : vector<16xi32> to vector<16xi32>
      %swap3A_52 = vector.shape_cast %add3A_48 : vector<16xi32> to vector<16xi32>
      tpu.vector_store %arg9[%swap3A_49], %swap3A_52 {strides = array<i32>} : memref<80xi32, #tpu.memory_space<vmem>>, vector<16xi32>,
      %get3A_53 = arith.constant 48 : index
      %get3A_54 = tpu.vector_load %arg7[%get3A_53] {strides = array<i32>} : memref<80xi32, #tpu.memory_space<vmem>>, vector<16xi32>,
      %get3A_55 = vector.shape_cast %get3A_54 : vector<16xi32> to vector<16xi32>
      %add3A_56 = vector.broadcast %mul3A_6 : i32 to vector<16xi32>
      %add3A_57 = arith.addi %get3A_55, %add3A_56 : vector<16xi32>
      %swap3A_58 = arith.constant 48 : index
      %swap3A_59 = tpu.vector_load %arg9[%swap3A_58] {strides = array<i32>} : memref<80xi32, #tpu.memory_space<vmem>>, vector<16xi32>,
      %swap3A_60 = vector.shape_cast %swap3A_59 : vector<16xi32> to vector<16xi32>
      %swap3A_61 = vector.shape_cast %add3A_57 : vector<16xi32> to vector<16xi32>
      tpu.vector_store %arg9[%swap3A_58], %swap3A_61 {strides = array<i32>} : memref<80xi32, #tpu.memory_space<vmem>>, vector<16xi32>,
      %get3A_62 = arith.constant 64 : index
      %get3A_63 = tpu.vector_load %arg7[%get3A_62] {strides = array<i32>} : memref<80xi32, #tpu.memory_space<vmem>>, vector<16xi32>,
      %get3A_64 = vector.shape_cast %get3A_63 : vector<16xi32> to vector<16xi32>
      %add3A_65 = vector.broadcast %mul3A_6 : i32 to vector<16xi32>
      %add3A_66 = arith.addi %get3A_64, %add3A_65 : vector<16xi32>
      %swap3A_67 = arith.constant 64 : index
      %swap3A_68 = tpu.vector_load %arg9[%swap3A_67] {strides = array<i32>} : memref<80xi32, #tpu.memory_space<vmem>>, vector<16xi32>,
      %swap3A_69 = vector.shape_cast %swap3A_68 : vector<16xi32> to vector<16xi32>
      %swap3A_70 = vector.shape_cast %add3A_66 : vector<16xi32> to vector<16xi32>
      tpu.vector_store %arg9[%swap3A_67], %swap3A_70 {strides = array<i32>} : memref<80xi32, #tpu.memory_space<vmem>>, vector<16xi32>,
      %dma_start3A = arith.constant 0 : i32
      %dma_start3A_71 = arith.constant 0 : i32
      %dma_start3A_72 = tpu.memref_slice %arg2[%dma_start3A, %dma_start3A_71] : memref<20000x128xf32, #tpu.memory_space<hbm>> -> memref<20000x128xf32, #tpu.memory_space<hbm>>
      tpu.enqueue_indirect_dma source(%dma_start3A_72 : memref<20000x128xf32, #tpu.memory_space<hbm>>) target(%arg10 : memref<80x128xf32, #tpu.memory_space<vmem>>) offsets(%arg9 : memref<80xi32, #tpu.memory_space<vmem>>) semaphore(%arg12 : memref<!tpu.dma_semaphore, #tpu.memory_space<semaphore_mem>>)
      %dma_wait3A = arith.constant 0 : i32
      %dma_wait3A_73 = arith.constant 0 : i32
      %dma_wait3A_74 = tpu.memref_slice %arg2[%dma_wait3A, %dma_wait3A_73] : memref<20000x128xf32, #tpu.memory_space<hbm>> -> memref<20000x128xf32, #tpu.memory_space<hbm>>
      tpu.wait_indirect_dma semaphore(%arg12 : memref<!tpu.dma_semaphore, #tpu.memory_space<semaphore_mem>>) src(%dma_wait3A_74 : memref<20000x128xf32, #tpu.memory_space<hbm>>) dst(%arg10 : memref<80x128xf32, #tpu.memory_space<vmem>>)
      "tpu.region"() ({
        %run_scoped3A = tpu.sem_alloc : memref<!tpu.dma_semaphore, #tpu.memory_space<semaphore_mem>>
        %dma_start3A_75 = arith.constant 0 : i32
        %dma_start3A_76 = arith.constant 0 : i32
        %dma_start3A_77 = tpu.memref_slice %arg11[%dma_start3A_75, %dma_start3A_76] : memref<10000x128xf32, #tpu.memory_space<vmem_shared>> -> memref<10000x128xf32, #tpu.memory_space<vmem_shared>>
        tpu.enqueue_indirect_dma source(%arg10 : memref<80x128xf32, #tpu.memory_space<vmem>>) target(%dma_start3A_77 : memref<10000x128xf32, #tpu.memory_space<vmem_shared>>) offsets(%arg8 : memref<80xi32, #tpu.memory_space<vmem>>) semaphore(%run_scoped3A : memref<!tpu.dma_semaphore, #tpu.memory_space<semaphore_mem>>) {add = true}
        %dma_wait3A_78 = arith.constant 0 : i32
        %dma_wait3A_79 = arith.constant 0 : i32
        %dma_wait3A_80 = tpu.memref_slice %arg11[%dma_wait3A_78, %dma_wait3A_79] : memref<10000x128xf32, #tpu.memory_space<vmem_shared>> -> memref<10000x128xf32, #tpu.memory_space<vmem_shared>>
        tpu.wait_indirect_dma semaphore(%run_scoped3A : memref<!tpu.dma_semaphore, #tpu.memory_space<semaphore_mem>>) src(%arg10 : memref<80x128xf32, #tpu.memory_space<vmem>>) dst(%dma_wait3A_80 : memref<10000x128xf32, #tpu.memory_space<vmem_shared>>)
        tpu.yield
      }) : () -> ()
    }
    %scan3A_11 = arith.constant 125 : i32
    %barrier3A_12 = arith.constant 0 : index
    tpu.barrier barrier_id(%barrier3A_12)
    %lt3A_13 = arith.constant 15 : i32
    %lt3A_14 = arith.cmpi slt, %arg1, %lt3A_13 : i32
    %convert_element_type3A_15 = arith.extui %lt3A_14 : i1 to i32
    %cond3A_16 = arith.constant 0 : i32
    %cond3A_17 = arith.cmpi ne, %convert_element_type3A_15, %cond3A_16 : i32
    scf.if %cond3A_17 {
      %mul3A_23 = arith.constant 624 : i32
      %mul3A_24 = arith.muli %arg1, %mul3A_23 : i32
      %mul3A_25 = arith.constant 624 : i32
      %mul3A_26 = arith.muli %arg1, %mul3A_25 : i32
      "tpu.region"() ({
        %run_scoped3A = tpu.sem_alloc : memref<!tpu.dma_semaphore, #tpu.memory_space<semaphore_mem>>
        %dma_start3A = arith.constant 0 : i32
        %dma_start3A_27 = tpu.memref_slice %arg6[%arg0, %mul3A_26, %dma_start3A] : memref<2x10000x128xf32, #tpu.memory_space<hbm>> -> memref<1x624x128xf32, #tpu.memory_space<hbm>>
        %dma_start3A_28 = tpu.memref_squeeze %dma_start3A_27 : memref<1x624x128xf32, #tpu.memory_space<hbm>> -> memref<624x128xf32, #tpu.memory_space<hbm>>
        %dma_start3A_29 = arith.constant 0 : i32
        %dma_start3A_30 = tpu.memref_slice %arg11[%mul3A_24, %dma_start3A_29] : memref<10000x128xf32, #tpu.memory_space<vmem_shared>> -> memref<624x128xf32, #tpu.memory_space<vmem_shared>>
        tpu.enqueue_dma source(%dma_start3A_30 : memref<624x128xf32, #tpu.memory_space<vmem_shared>>) target(%dma_start3A_28 : memref<624x128xf32, #tpu.memory_space<hbm>>) target_semaphore(%run_scoped3A : memref<!tpu.dma_semaphore, #tpu.memory_space<semaphore_mem>>)
        %dma_wait3A = arith.constant 0 : i32
        %dma_wait3A_31 = tpu.memref_slice %arg6[%arg0, %mul3A_26, %dma_wait3A] : memref<2x10000x128xf32, #tpu.memory_space<hbm>> -> memref<1x624x128xf32, #tpu.memory_space<hbm>>
        %dma_wait3A_32 = tpu.memref_squeeze %dma_wait3A_31 : memref<1x624x128xf32, #tpu.memory_space<hbm>> -> memref<624x128xf32, #tpu.memory_space<hbm>>
        %dma_wait3A_33 = arith.constant 0 : i32
        %dma_wait3A_34 = tpu.memref_slice %arg11[%mul3A_24, %dma_wait3A_33] : memref<10000x128xf32, #tpu.memory_space<vmem_shared>> -> memref<624x128xf32, #tpu.memory_space<vmem_shared>>
        tpu.wait_dma2 semaphore(%run_scoped3A : memref<!tpu.dma_semaphore, #tpu.memory_space<semaphore_mem>>) src(%dma_wait3A_34 : memref<624x128xf32, #tpu.memory_space<vmem_shared>>) dst(%dma_wait3A_32 : memref<624x128xf32, #tpu.memory_space<hbm>>)
        tpu.yield
      }) : () -> ()
    } else {
    }
    %eq3A_18 = arith.constant 15 : i32
    %eq3A_19 = arith.cmpi eq, %arg1, %eq3A_18 : i32
    %convert_element_type3A_20 = arith.extui %eq3A_19 : i1 to i32
    %cond3A_21 = arith.constant 0 : i32
    %cond3A_22 = arith.cmpi ne, %convert_element_type3A_20, %cond3A_21 : i32
    scf.if %cond3A_22 {
      "tpu.region"() ({
        %run_scoped3A = tpu.sem_alloc : memref<!tpu.dma_semaphore, #tpu.memory_space<semaphore_mem>>
        %dma_start3A = arith.constant 9360 : i32
        %dma_start3A_23 = arith.constant 0 : i32
        %dma_start3A_24 = tpu.memref_slice %arg6[%arg0, %dma_start3A, %dma_start3A_23] : memref<2x10000x128xf32, #tpu.memory_space<hbm>> -> memref<1x640x128xf32, #tpu.memory_space<hbm>>
        %dma_start3A_25 = tpu.memref_squeeze %dma_start3A_24 : memref<1x640x128xf32, #tpu.memory_space<hbm>> -> memref<640x128xf32, #tpu.memory_space<hbm>>
        %dma_start3A_26 = arith.constant 9360 : i32
        %dma_start3A_27 = arith.constant 0 : i32
        %dma_start3A_28 = tpu.memref_slice %arg11[%dma_start3A_26, %dma_start3A_27] : memref<10000x128xf32, #tpu.memory_space<vmem_shared>> -> memref<640x128xf32, #tpu.memory_space<vmem_shared>>
        tpu.enqueue_dma source(%dma_start3A_28 : memref<640x128xf32, #tpu.memory_space<vmem_shared>>) target(%dma_start3A_25 : memref<640x128xf32, #tpu.memory_space<hbm>>) target_semaphore(%run_scoped3A : memref<!tpu.dma_semaphore, #tpu.memory_space<semaphore_mem>>)
        %dma_wait3A = arith.constant 9360 : i32
        %dma_wait3A_29 = arith.constant 0 : i32
        %dma_wait3A_30 = tpu.memref_slice %arg6[%arg0, %dma_wait3A, %dma_wait3A_29] : memref<2x10000x128xf32, #tpu.memory_space<hbm>> -> memref<1x640x128xf32, #tpu.memory_space<hbm>>
        %dma_wait3A_31 = tpu.memref_squeeze %dma_wait3A_30 : memref<1x640x128xf32, #tpu.memory_space<hbm>> -> memref<640x128xf32, #tpu.memory_space<hbm>>
        %dma_wait3A_32 = arith.constant 9360 : i32
        %dma_wait3A_33 = arith.constant 0 : i32
        %dma_wait3A_34 = tpu.memref_slice %arg11[%dma_wait3A_32, %dma_wait3A_33] : memref<10000x128xf32, #tpu.memory_space<vmem_shared>> -> memref<640x128xf32, #tpu.memory_space<vmem_shared>>
        tpu.wait_dma2 semaphore(%run_scoped3A : memref<!tpu.dma_semaphore, #tpu.memory_space<semaphore_mem>>) src(%dma_wait3A_34 : memref<640x128xf32, #tpu.memory_space<vmem_shared>>) dst(%dma_wait3A_31 : memref<640x128xf32, #tpu.memory_space<hbm>>)
        tpu.yield
      }) : () -> ()
    } else {
    }
    return
  }
}

#map = affine_map<(d0, d1) -> (0, 0)>
#map1 = affine_map<(d0, d1) -> (0)>
#map2 = affine_map<(d0, d1) -> (0, 0, 0)>
module attributes {stable_mosaic.version = 14 : i64} {
  func.func @prop(%arg0: i32, %arg1: i32, %arg2: memref<20000x128xf32, #tpu.memory_space<hbm>>, %arg3: memref<160000xi32, #tpu.memory_space<hbm>>, %arg4: memref<160000xi32, #tpu.memory_space<hbm>>, %arg5: memref<640x128xf32, #tpu.memory_space<hbm>>, %arg6: memref<2x10000x128xf32, #tpu.memory_space<hbm>>, %arg7: memref<80xi32, #tpu.memory_space<vmem>>, %arg8: memref<80xi32, #tpu.memory_space<vmem>>, %arg9: memref<80xi32, #tpu.memory_space<vmem>>, %arg10: memref<80x128xf32, #tpu.memory_space<vmem>>, %arg11: memref<10000x128xf32, #tpu.memory_space<vmem_shared>>, %arg12: memref<!tpu.dma_semaphore, #tpu.memory_space<semaphore_mem>>) attributes {dimension_semantics = [#tpu.dimension_semantics<core_parallel>, #tpu.dimension_semantics<subcore_parallel>], iteration_bounds = array<i64: 2, 16>, scalar_prefetch = 0 : i64, scratch_operands = 6 : i64, tpu.core_type = #tpu.core_type<sc_vector_subcore>, window_params = [{transform_indices = #map}, {transform_indices = #map1}, {transform_indices = #map1}, {transform_indices = #map}, {transform_indices = #map2}]} {
    %lt3A = arith.constant 15 : i32
    %lt3A_0 = arith.cmpi slt, %arg1, %lt3A : i32
    %convert_element_type3A = arith.extui %lt3A_0 : i1 to i32
    %cond3A = arith.constant 0 : i32
    %cond3A_1 = arith.cmpi ne, %convert_element_type3A, %cond3A : i32
    scf.if %cond3A_1 {
      %mul3A_23 = arith.constant 624 : i32
      %mul3A_24 = arith.muli %arg1, %mul3A_23 : i32
      %mul3A_25 = arith.constant 624 : i32
      %mul3A_26 = arith.muli %arg1, %mul3A_25 : i32
      "tpu.region"() ({
        %run_scoped3A = tpu.sem_alloc : memref<!tpu.dma_semaphore, #tpu.memory_space<semaphore_mem>>
        %dma_start3A = arith.constant 0 : i32
        %dma_start3A_27 = tpu.memref_slice %arg11[%mul3A_26, %dma_start3A] : memref<10000x128xf32, #tpu.memory_space<vmem_shared>> -> memref<624x128xf32, #tpu.memory_space<vmem_shared>>
        %dma_start3A_28 = arith.constant 0 : i32
        %dma_start3A_29 = arith.constant 0 : i32
        %dma_start3A_30 = tpu.memref_slice %arg5[%dma_start3A_28, %dma_start3A_29] : memref<640x128xf32, #tpu.memory_space<hbm>> -> memref<624x128xf32, #tpu.memory_space<hbm>>
        tpu.enqueue_dma source(%dma_start3A_30 : memref<624x128xf32, #tpu.memory_space<hbm>>) target(%dma_start3A_27 : memref<624x128xf32, #tpu.memory_space<vmem_shared>>) target_semaphore(%run_scoped3A : memref<!tpu.dma_semaphore, #tpu.memory_space<semaphore_mem>>)
        %dma_wait3A = arith.constant 0 : i32
        %dma_wait3A_31 = tpu.memref_slice %arg11[%mul3A_26, %dma_wait3A] : memref<10000x128xf32, #tpu.memory_space<vmem_shared>> -> memref<624x128xf32, #tpu.memory_space<vmem_shared>>
        %dma_wait3A_32 = arith.constant 0 : i32
        %dma_wait3A_33 = arith.constant 0 : i32
        %dma_wait3A_34 = tpu.memref_slice %arg5[%dma_wait3A_32, %dma_wait3A_33] : memref<640x128xf32, #tpu.memory_space<hbm>> -> memref<624x128xf32, #tpu.memory_space<hbm>>
        tpu.wait_dma2 semaphore(%run_scoped3A : memref<!tpu.dma_semaphore, #tpu.memory_space<semaphore_mem>>) src(%dma_wait3A_34 : memref<624x128xf32, #tpu.memory_space<hbm>>) dst(%dma_wait3A_31 : memref<624x128xf32, #tpu.memory_space<vmem_shared>>)
        tpu.yield
      }) : () -> ()
    } else {
    }
    %eq3A = arith.constant 15 : i32
    %eq3A_2 = arith.cmpi eq, %arg1, %eq3A : i32
    %convert_element_type3A_3 = arith.extui %eq3A_2 : i1 to i32
    %cond3A_4 = arith.constant 0 : i32
    %cond3A_5 = arith.cmpi ne, %convert_element_type3A_3, %cond3A_4 : i32
    scf.if %cond3A_5 {
      "tpu.region"() ({
        %run_scoped3A = tpu.sem_alloc : memref<!tpu.dma_semaphore, #tpu.memory_space<semaphore_mem>>
        %dma_start3A = arith.constant 9360 : i32
        %dma_start3A_23 = arith.constant 0 : i32
        %dma_start3A_24 = tpu.memref_slice %arg11[%dma_start3A, %dma_start3A_23] : memref<10000x128xf32, #tpu.memory_space<vmem_shared>> -> memref<640x128xf32, #tpu.memory_space<vmem_shared>>
        %dma_start3A_25 = arith.constant 0 : i32
        %dma_start3A_26 = arith.constant 0 : i32
        %dma_start3A_27 = tpu.memref_slice %arg5[%dma_start3A_25, %dma_start3A_26] : memref<640x128xf32, #tpu.memory_space<hbm>> -> memref<640x128xf32, #tpu.memory_space<hbm>>
        tpu.enqueue_dma source(%dma_start3A_27 : memref<640x128xf32, #tpu.memory_space<hbm>>) target(%dma_start3A_24 : memref<640x128xf32, #tpu.memory_space<vmem_shared>>) target_semaphore(%run_scoped3A : memref<!tpu.dma_semaphore, #tpu.memory_space<semaphore_mem>>)
        %dma_wait3A = arith.constant 9360 : i32
        %dma_wait3A_28 = arith.constant 0 : i32
        %dma_wait3A_29 = tpu.memref_slice %arg11[%dma_wait3A, %dma_wait3A_28] : memref<10000x128xf32, #tpu.memory_space<vmem_shared>> -> memref<640x128xf32, #tpu.memory_space<vmem_shared>>
        %dma_wait3A_30 = arith.constant 0 : i32
        %dma_wait3A_31 = arith.constant 0 : i32
        %dma_wait3A_32 = tpu.memref_slice %arg5[%dma_wait3A_30, %dma_wait3A_31] : memref<640x128xf32, #tpu.memory_space<hbm>> -> memref<640x128xf32, #tpu.memory_space<hbm>>
        tpu.wait_dma2 semaphore(%run_scoped3A : memref<!tpu.dma_semaphore, #tpu.memory_space<semaphore_mem>>) src(%dma_wait3A_32 : memref<640x128xf32, #tpu.memory_space<hbm>>) dst(%dma_wait3A_29 : memref<640x128xf32, #tpu.memory_space<vmem_shared>>)
        tpu.yield
      }) : () -> ()
    } else {
    }
    %barrier3A = arith.constant 0 : index
    tpu.barrier barrier_id(%barrier3A)
    %mul3A = arith.constant 10000 : i32
    %mul3A_6 = arith.muli %arg0, %mul3A : i32
    %scan3A = arith.constant 0 : i32
    %scan3A_7 = arith.constant 0 : i32
    %scan3A_8 = arith.constant 125 : i32
    %scan3A_9 = arith.addi %scan3A_7, %scan3A_8 : i32
    %scan3A_10 = arith.constant 1 : i32
    scf.for %scan3A_23 = %scan3A_7 to %scan3A_9 step %scan3A_10  : i32 {
      %mul3A_24 = arith.constant 16 : i32
      %mul3A_25 = arith.muli %mul3A_24, %scan3A_23 : i32
      %add3A = arith.addi %arg1, %mul3A_25 : i32
      %mul3A_26 = arith.constant 80 : i32
      %mul3A_27 = arith.muli %add3A, %mul3A_26 : i32
      "tpu.region"() ({
        %run_scoped3A = tpu.sem_alloc : memref<!tpu.dma_semaphore, #tpu.memory_space<semaphore_mem>>
        %dma_start3A_75 = tpu.memref_slice %arg3[%mul3A_27] : memref<160000xi32, #tpu.memory_space<hbm>> -> memref<80xi32, #tpu.memory_space<hbm>>
        %dma_start3A_76 = tpu.memref_slice %arg3[%mul3A_27] : memref<160000xi32, #tpu.memory_space<hbm>> -> memref<80xi32, #tpu.memory_space<hbm>>
        tpu.enqueue_dma source(%dma_start3A_76 : memref<80xi32, #tpu.memory_space<hbm>>) target(%arg7 : memref<80xi32, #tpu.memory_space<vmem>>) target_semaphore(%run_scoped3A : memref<!tpu.dma_semaphore, #tpu.memory_space<semaphore_mem>>)
        %dma_wait3A_77 = tpu.memref_slice %arg3[%mul3A_27] : memref<160000xi32, #tpu.memory_space<hbm>> -> memref<80xi32, #tpu.memory_space<hbm>>
        %dma_wait3A_78 = tpu.memref_slice %arg3[%mul3A_27] : memref<160000xi32, #tpu.memory_space<hbm>> -> memref<80xi32, #tpu.memory_space<hbm>>
        tpu.wait_dma2 semaphore(%run_scoped3A : memref<!tpu.dma_semaphore, #tpu.memory_space<semaphore_mem>>) src(%dma_wait3A_78 : memref<80xi32, #tpu.memory_space<hbm>>) dst(%arg7 : memref<80xi32, #tpu.memory_space<vmem>>)
        tpu.yield
      }) : () -> ()
      "tpu.region"() ({
        %run_scoped3A = tpu.sem_alloc : memref<!tpu.dma_semaphore, #tpu.memory_space<semaphore_mem>>
        %dma_start3A_75 = tpu.memref_slice %arg4[%mul3A_27] : memref<160000xi32, #tpu.memory_space<hbm>> -> memref<80xi32, #tpu.memory_space<hbm>>
        %dma_start3A_76 = tpu.memref_slice %arg4[%mul3A_27] : memref<160000xi32, #tpu.memory_space<hbm>> -> memref<80xi32, #tpu.memory_space<hbm>>
        tpu.enqueue_dma source(%dma_start3A_76 : memref<80xi32, #tpu.memory_space<hbm>>) target(%arg8 : memref<80xi32, #tpu.memory_space<vmem>>) target_semaphore(%run_scoped3A : memref<!tpu.dma_semaphore, #tpu.memory_space<semaphore_mem>>)
        %dma_wait3A_77 = tpu.memref_slice %arg4[%mul3A_27] : memref<160000xi32, #tpu.memory_space<hbm>> -> memref<80xi32, #tpu.memory_space<hbm>>
        %dma_wait3A_78 = tpu.memref_slice %arg4[%mul3A_27] : memref<160000xi32, #tpu.memory_space<hbm>> -> memref<80xi32, #tpu.memory_space<hbm>>
        tpu.wait_dma2 semaphore(%run_scoped3A : memref<!tpu.dma_semaphore, #tpu.memory_space<semaphore_mem>>) src(%dma_wait3A_78 : memref<80xi32, #tpu.memory_space<hbm>>) dst(%arg8 : memref<80xi32, #tpu.memory_space<vmem>>)
        tpu.yield
      }) : () -> ()
      %get3A = arith.constant 0 : index
      %get3A_28 = tpu.vector_load %arg7[%get3A] {strides = array<i32>} : memref<80xi32, #tpu.memory_space<vmem>>, vector<16xi32>,
      %get3A_29 = vector.shape_cast %get3A_28 : vector<16xi32> to vector<16xi32>
      %add3A_30 = vector.broadcast %mul3A_6 : i32 to vector<16xi32>
      %add3A_31 = arith.addi %get3A_29, %add3A_30 : vector<16xi32>
      %swap3A = arith.constant 0 : index
      %swap3A_32 = tpu.vector_load %arg9[%swap3A] {strides = array<i32>} : memref<80xi32, #tpu.memory_space<vmem>>, vector<16xi32>,
      %swap3A_33 = vector.shape_cast %swap3A_32 : vector<16xi32> to vector<16xi32>
      %swap3A_34 = vector.shape_cast %add3A_31 : vector<16xi32> to vector<16xi32>
      tpu.vector_store %arg9[%swap3A], %swap3A_34 {strides = array<i32>} : memref<80xi32, #tpu.memory_space<vmem>>, vector<16xi32>,
      %get3A_35 = arith.constant 16 : index
      %get3A_36 = tpu.vector_load %arg7[%get3A_35] {strides = array<i32>} : memref<80xi32, #tpu.memory_space<vmem>>, vector<16xi32>,
      %get3A_37 = vector.shape_cast %get3A_36 : vector<16xi32> to vector<16xi32>
      %add3A_38 = vector.broadcast %mul3A_6 : i32 to vector<16xi32>
      %add3A_39 = arith.addi %get3A_37, %add3A_38 : vector<16xi32>
      %swap3A_40 = arith.constant 16 : index
      %swap3A_41 = tpu.vector_load %arg9[%swap3A_40] {strides = array<i32>} : memref<80xi32, #tpu.memory_space<vmem>>, vector<16xi32>,
      %swap3A_42 = vector.shape_cast %swap3A_41 : vector<16xi32> to vector<16xi32>
      %swap3A_43 = vector.shape_cast %add3A_39 : vector<16xi32> to vector<16xi32>
      tpu.vector_store %arg9[%swap3A_40], %swap3A_43 {strides = array<i32>} : memref<80xi32, #tpu.memory_space<vmem>>, vector<16xi32>,
      %get3A_44 = arith.constant 32 : index
      %get3A_45 = tpu.vector_load %arg7[%get3A_44] {strides = array<i32>} : memref<80xi32, #tpu.memory_space<vmem>>, vector<16xi32>,
      %get3A_46 = vector.shape_cast %get3A_45 : vector<16xi32> to vector<16xi32>
      %add3A_47 = vector.broadcast %mul3A_6 : i32 to vector<16xi32>
      %add3A_48 = arith.addi %get3A_46, %add3A_47 : vector<16xi32>
      %swap3A_49 = arith.constant 32 : index
      %swap3A_50 = tpu.vector_load %arg9[%swap3A_49] {strides = array<i32>} : memref<80xi32, #tpu.memory_space<vmem>>, vector<16xi32>,
      %swap3A_51 = vector.shape_cast %swap3A_50 : vector<16xi32> to vector<16xi32>
      %swap3A_52 = vector.shape_cast %add3A_48 : vector<16xi32> to vector<16xi32>
      tpu.vector_store %arg9[%swap3A_49], %swap3A_52 {strides = array<i32>} : memref<80xi32, #tpu.memory_space<vmem>>, vector<16xi32>,
      %get3A_53 = arith.constant 48 : index
      %get3A_54 = tpu.vector_load %arg7[%get3A_53] {strides = array<i32>} : memref<80xi32, #tpu.memory_space<vmem>>, vector<16xi32>,
      %get3A_55 = vector.shape_cast %get3A_54 : vector<16xi32> to vector<16xi32>
      %add3A_56 = vector.broadcast %mul3A_6 : i32 to vector<16xi32>
      %add3A_57 = arith.addi %get3A_55, %add3A_56 : vector<16xi32>
      %swap3A_58 = arith.constant 48 : index
      %swap3A_59 = tpu.vector_load %arg9[%swap3A_58] {strides = array<i32>} : memref<80xi32, #tpu.memory_space<vmem>>, vector<16xi32>,
      %swap3A_60 = vector.shape_cast %swap3A_59 : vector<16xi32> to vector<16xi32>
      %swap3A_61 = vector.shape_cast %add3A_57 : vector<16xi32> to vector<16xi32>
      tpu.vector_store %arg9[%swap3A_58], %swap3A_61 {strides = array<i32>} : memref<80xi32, #tpu.memory_space<vmem>>, vector<16xi32>,
      %get3A_62 = arith.constant 64 : index
      %get3A_63 = tpu.vector_load %arg7[%get3A_62] {strides = array<i32>} : memref<80xi32, #tpu.memory_space<vmem>>, vector<16xi32>,
      %get3A_64 = vector.shape_cast %get3A_63 : vector<16xi32> to vector<16xi32>
      %add3A_65 = vector.broadcast %mul3A_6 : i32 to vector<16xi32>
      %add3A_66 = arith.addi %get3A_64, %add3A_65 : vector<16xi32>
      %swap3A_67 = arith.constant 64 : index
      %swap3A_68 = tpu.vector_load %arg9[%swap3A_67] {strides = array<i32>} : memref<80xi32, #tpu.memory_space<vmem>>, vector<16xi32>,
      %swap3A_69 = vector.shape_cast %swap3A_68 : vector<16xi32> to vector<16xi32>
      %swap3A_70 = vector.shape_cast %add3A_66 : vector<16xi32> to vector<16xi32>
      tpu.vector_store %arg9[%swap3A_67], %swap3A_70 {strides = array<i32>} : memref<80xi32, #tpu.memory_space<vmem>>, vector<16xi32>,
      %dma_start3A = arith.constant 0 : i32
      %dma_start3A_71 = arith.constant 0 : i32
      %dma_start3A_72 = tpu.memref_slice %arg2[%dma_start3A, %dma_start3A_71] : memref<20000x128xf32, #tpu.memory_space<hbm>> -> memref<20000x128xf32, #tpu.memory_space<hbm>>
      tpu.enqueue_indirect_dma source(%dma_start3A_72 : memref<20000x128xf32, #tpu.memory_space<hbm>>) target(%arg10 : memref<80x128xf32, #tpu.memory_space<vmem>>) offsets(%arg9 : memref<80xi32, #tpu.memory_space<vmem>>) semaphore(%arg12 : memref<!tpu.dma_semaphore, #tpu.memory_space<semaphore_mem>>)
      %dma_wait3A = arith.constant 0 : i32
      %dma_wait3A_73 = arith.constant 0 : i32
      %dma_wait3A_74 = tpu.memref_slice %arg2[%dma_wait3A, %dma_wait3A_73] : memref<20000x128xf32, #tpu.memory_space<hbm>> -> memref<20000x128xf32, #tpu.memory_space<hbm>>
      tpu.wait_indirect_dma semaphore(%arg12 : memref<!tpu.dma_semaphore, #tpu.memory_space<semaphore_mem>>) src(%dma_wait3A_74 : memref<20000x128xf32, #tpu.memory_space<hbm>>) dst(%arg10 : memref<80x128xf32, #tpu.memory_space<vmem>>)
      "tpu.region"() ({
        %run_scoped3A = tpu.sem_alloc : memref<!tpu.dma_semaphore, #tpu.memory_space<semaphore_mem>>
        %dma_start3A_75 = arith.constant 0 : i32
        %dma_start3A_76 = arith.constant 0 : i32
        %dma_start3A_77 = tpu.memref_slice %arg11[%dma_start3A_75, %dma_start3A_76] : memref<10000x128xf32, #tpu.memory_space<vmem_shared>> -> memref<10000x128xf32, #tpu.memory_space<vmem_shared>>
        tpu.enqueue_indirect_dma source(%arg10 : memref<80x128xf32, #tpu.memory_space<vmem>>) target(%dma_start3A_77 : memref<10000x128xf32, #tpu.memory_space<vmem_shared>>) offsets(%arg8 : memref<80xi32, #tpu.memory_space<vmem>>) semaphore(%run_scoped3A : memref<!tpu.dma_semaphore, #tpu.memory_space<semaphore_mem>>) {add = true}
        %dma_wait3A_78 = arith.constant 0 : i32
        %dma_wait3A_79 = arith.constant 0 : i32
        %dma_wait3A_80 = tpu.memref_slice %arg11[%dma_wait3A_78, %dma_wait3A_79] : memref<10000x128xf32, #tpu.memory_space<vmem_shared>> -> memref<10000x128xf32, #tpu.memory_space<vmem_shared>>
        tpu.wait_indirect_dma semaphore(%run_scoped3A : memref<!tpu.dma_semaphore, #tpu.memory_space<semaphore_mem>>) src(%arg10 : memref<80x128xf32, #tpu.memory_space<vmem>>) dst(%dma_wait3A_80 : memref<10000x128xf32, #tpu.memory_space<vmem_shared>>)
        tpu.yield
      }) : () -> ()
    }
    %scan3A_11 = arith.constant 125 : i32
    %barrier3A_12 = arith.constant 0 : index
    tpu.barrier barrier_id(%barrier3A_12)
    %lt3A_13 = arith.constant 15 : i32
    %lt3A_14 = arith.cmpi slt, %arg1, %lt3A_13 : i32
    %convert_element_type3A_15 = arith.extui %lt3A_14 : i1 to i32
    %cond3A_16 = arith.constant 0 : i32
    %cond3A_17 = arith.cmpi ne, %convert_element_type3A_15, %cond3A_16 : i32
    scf.if %cond3A_17 {
      %mul3A_23 = arith.constant 624 : i32
      %mul3A_24 = arith.muli %arg1, %mul3A_23 : i32
      %mul3A_25 = arith.constant 624 : i32
      %mul3A_26 = arith.muli %arg1, %mul3A_25 : i32
      "tpu.region"() ({
        %run_scoped3A = tpu.sem_alloc : memref<!tpu.dma_semaphore, #tpu.memory_space<semaphore_mem>>
        %dma_start3A = arith.constant 0 : i32
        %dma_start3A_27 = tpu.memref_slice %arg6[%arg0, %mul3A_26, %dma_start3A] : memref<2x10000x128xf32, #tpu.memory_space<hbm>> -> memref<1x624x128xf32, #tpu.memory_space<hbm>>
        %dma_start3A_28 = tpu.memref_squeeze %dma_start3A_27 : memref<1x624x128xf32, #tpu.memory_space<hbm>> -> memref<624x128xf32, #tpu.memory_space<hbm>>
        %dma_start3A_29 = arith.constant 0 : i32
        %dma_start3A_30 = tpu.memref_slice %arg11[%mul3A_24, %dma_start3A_29] : memref<10000x128xf32, #tpu.memory_space<vmem_shared>> -> memref<624x128xf32, #tpu.memory_space<vmem_shared>>
        tpu.enqueue_dma source(%dma_start3A_30 : memref<624x128xf32, #tpu.memory_space<vmem_shared>>) target(%dma_start3A_28 : memref<624x128xf32, #tpu.memory_space<hbm>>) target_semaphore(%run_scoped3A : memref<!tpu.dma_semaphore, #tpu.memory_space<semaphore_mem>>)
        %dma_wait3A = arith.constant 0 : i32
        %dma_wait3A_31 = tpu.memref_slice %arg6[%arg0, %mul3A_26, %dma_wait3A] : memref<2x10000x128xf32, #tpu.memory_space<hbm>> -> memref<1x624x128xf32, #tpu.memory_space<hbm>>
        %dma_wait3A_32 = tpu.memref_squeeze %dma_wait3A_31 : memref<1x624x128xf32, #tpu.memory_space<hbm>> -> memref<624x128xf32, #tpu.memory_space<hbm>>
        %dma_wait3A_33 = arith.constant 0 : i32
        %dma_wait3A_34 = tpu.memref_slice %arg11[%mul3A_24, %dma_wait3A_33] : memref<10000x128xf32, #tpu.memory_space<vmem_shared>> -> memref<624x128xf32, #tpu.memory_space<vmem_shared>>
        tpu.wait_dma2 semaphore(%run_scoped3A : memref<!tpu.dma_semaphore, #tpu.memory_space<semaphore_mem>>) src(%dma_wait3A_34 : memref<624x128xf32, #tpu.memory_space<vmem_shared>>) dst(%dma_wait3A_32 : memref<624x128xf32, #tpu.memory_space<hbm>>)
        tpu.yield
      }) : () -> ()
    } else {
    }
    %eq3A_18 = arith.constant 15 : i32
    %eq3A_19 = arith.cmpi eq, %arg1, %eq3A_18 : i32
    %convert_element_type3A_20 = arith.extui %eq3A_19 : i1 to i32
    %cond3A_21 = arith.constant 0 : i32
    %cond3A_22 = arith.cmpi ne, %convert_element_type3A_20, %cond3A_21 : i32
    scf.if %cond3A_22 {
      "tpu.region"() ({
        %run_scoped3A = tpu.sem_alloc : memref<!tpu.dma_semaphore, #tpu.memory_space<semaphore_mem>>
        %dma_start3A = arith.constant 9360 : i32
        %dma_start3A_23 = arith.constant 0 : i32
        %dma_start3A_24 = tpu.memref_slice %arg6[%arg0, %dma_start3A, %dma_start3A_23] : memref<2x10000x128xf32, #tpu.memory_space<hbm>> -> memref<1x640x128xf32, #tpu.memory_space<hbm>>
        %dma_start3A_25 = tpu.memref_squeeze %dma_start3A_24 : memref<1x640x128xf32, #tpu.memory_space<hbm>> -> memref<640x128xf32, #tpu.memory_space<hbm>>
        %dma_start3A_26 = arith.constant 9360 : i32
        %dma_start3A_27 = arith.constant 0 : i32
        %dma_start3A_28 = tpu.memref_slice %arg11[%dma_start3A_26, %dma_start3A_27] : memref<10000x128xf32, #tpu.memory_space<vmem_shared>> -> memref<640x128xf32, #tpu.memory_space<vmem_shared>>
        tpu.enqueue_dma source(%dma_start3A_28 : memref<640x128xf32, #tpu.memory_space<vmem_shared>>) target(%dma_start3A_25 : memref<640x128xf32, #tpu.memory_space<hbm>>) target_semaphore(%run_scoped3A : memref<!tpu.dma_semaphore, #tpu.memory_space<semaphore_mem>>)
        %dma_wait3A = arith.constant 9360 : i32
        %dma_wait3A_29 = arith.constant 0 : i32
        %dma_wait3A_30 = tpu.memref_slice %arg6[%arg0, %dma_wait3A, %dma_wait3A_29] : memref<2x10000x128xf32, #tpu.memory_space<hbm>> -> memref<1x640x128xf32, #tpu.memory_space<hbm>>
        %dma_wait3A_31 = tpu.memref_squeeze %dma_wait3A_30 : memref<1x640x128xf32, #tpu.memory_space<hbm>> -> memref<640x128xf32, #tpu.memory_space<hbm>>
        %dma_wait3A_32 = arith.constant 9360 : i32
        %dma_wait3A_33 = arith.constant 0 : i32
        %dma_wait3A_34 = tpu.memref_slice %arg11[%dma_wait3A_32, %dma_wait3A_33] : memref<10000x128xf32, #tpu.memory_space<vmem_shared>> -> memref<640x128xf32, #tpu.memory_space<vmem_shared>>
        tpu.wait_dma2 semaphore(%run_scoped3A : memref<!tpu.dma_semaphore, #tpu.memory_space<semaphore_mem>>) src(%dma_wait3A_34 : memref<640x128xf32, #tpu.memory_space<vmem_shared>>) dst(%dma_wait3A_31 : memref<640x128xf32, #tpu.memory_space<hbm>>)
        tpu.yield
      }) : () -> ()
    } else {
    }
    return
  }
}

#map = affine_map<(d0, d1) -> (0, 0)>
#map1 = affine_map<(d0, d1) -> (0)>
#map2 = affine_map<(d0, d1) -> (0, 0, 0)>
module attributes {stable_mosaic.version = 14 : i64} {
  func.func @prop(%arg0: i32, %arg1: i32, %arg2: memref<10000x128xf32, #tpu.memory_space<hbm>>, %arg3: memref<160000xi32, #tpu.memory_space<hbm>>, %arg4: memref<160000xi32, #tpu.memory_space<hbm>>, %arg5: memref<640x128xf32, #tpu.memory_space<hbm>>, %arg6: memref<2x10000x128xf32, #tpu.memory_space<hbm>>, %arg7: memref<80xi32, #tpu.memory_space<vmem>>, %arg8: memref<80xi32, #tpu.memory_space<vmem>>, %arg9: memref<80xi32, #tpu.memory_space<vmem>>, %arg10: memref<80x128xf32, #tpu.memory_space<vmem>>, %arg11: memref<10000x128xf32, #tpu.memory_space<vmem_shared>>, %arg12: memref<!tpu.dma_semaphore, #tpu.memory_space<semaphore_mem>>) attributes {dimension_semantics = [#tpu.dimension_semantics<core_parallel>, #tpu.dimension_semantics<subcore_parallel>], iteration_bounds = array<i64: 2, 16>, scalar_prefetch = 0 : i64, scratch_operands = 6 : i64, tpu.core_type = #tpu.core_type<sc_vector_subcore>, window_params = [{transform_indices = #map}, {transform_indices = #map1}, {transform_indices = #map1}, {transform_indices = #map}, {transform_indices = #map2}]} {
    %lt3A = arith.constant 15 : i32
    %lt3A_0 = arith.cmpi slt, %arg1, %lt3A : i32
    %convert_element_type3A = arith.extui %lt3A_0 : i1 to i32
    %cond3A = arith.constant 0 : i32
    %cond3A_1 = arith.cmpi ne, %convert_element_type3A, %cond3A : i32
    scf.if %cond3A_1 {
      %mul3A_28 = arith.constant 624 : i32
      %mul3A_29 = arith.muli %arg1, %mul3A_28 : i32
      %mul3A_30 = arith.constant 624 : i32
      %mul3A_31 = arith.muli %arg1, %mul3A_30 : i32
      "tpu.region"() ({
        %run_scoped3A = tpu.sem_alloc : memref<!tpu.dma_semaphore, #tpu.memory_space<semaphore_mem>>
        %dma_start3A = arith.constant 0 : i32
        %dma_start3A_32 = tpu.memref_slice %arg11[%mul3A_31, %dma_start3A] : memref<10000x128xf32, #tpu.memory_space<vmem_shared>> -> memref<624x128xf32, #tpu.memory_space<vmem_shared>>
        %dma_start3A_33 = arith.constant 0 : i32
        %dma_start3A_34 = arith.constant 0 : i32
        %dma_start3A_35 = tpu.memref_slice %arg5[%dma_start3A_33, %dma_start3A_34] : memref<640x128xf32, #tpu.memory_space<hbm>> -> memref<624x128xf32, #tpu.memory_space<hbm>>
        tpu.enqueue_dma source(%dma_start3A_35 : memref<624x128xf32, #tpu.memory_space<hbm>>) target(%dma_start3A_32 : memref<624x128xf32, #tpu.memory_space<vmem_shared>>) target_semaphore(%run_scoped3A : memref<!tpu.dma_semaphore, #tpu.memory_space<semaphore_mem>>)
        %dma_wait3A = arith.constant 0 : i32
        %dma_wait3A_36 = tpu.memref_slice %arg11[%mul3A_31, %dma_wait3A] : memref<10000x128xf32, #tpu.memory_space<vmem_shared>> -> memref<624x128xf32, #tpu.memory_space<vmem_shared>>
        %dma_wait3A_37 = arith.constant 0 : i32
        %dma_wait3A_38 = arith.constant 0 : i32
        %dma_wait3A_39 = tpu.memref_slice %arg5[%dma_wait3A_37, %dma_wait3A_38] : memref<640x128xf32, #tpu.memory_space<hbm>> -> memref<624x128xf32, #tpu.memory_space<hbm>>
        tpu.wait_dma2 semaphore(%run_scoped3A : memref<!tpu.dma_semaphore, #tpu.memory_space<semaphore_mem>>) src(%dma_wait3A_39 : memref<624x128xf32, #tpu.memory_space<hbm>>) dst(%dma_wait3A_36 : memref<624x128xf32, #tpu.memory_space<vmem_shared>>)
        tpu.yield
      }) : () -> ()
    } else {
    }
    %eq3A = arith.constant 15 : i32
    %eq3A_2 = arith.cmpi eq, %arg1, %eq3A : i32
    %convert_element_type3A_3 = arith.extui %eq3A_2 : i1 to i32
    %cond3A_4 = arith.constant 0 : i32
    %cond3A_5 = arith.cmpi ne, %convert_element_type3A_3, %cond3A_4 : i32
    scf.if %cond3A_5 {
      "tpu.region"() ({
        %run_scoped3A = tpu.sem_alloc : memref<!tpu.dma_semaphore, #tpu.memory_space<semaphore_mem>>
        %dma_start3A = arith.constant 9360 : i32
        %dma_start3A_28 = arith.constant 0 : i32
        %dma_start3A_29 = tpu.memref_slice %arg11[%dma_start3A, %dma_start3A_28] : memref<10000x128xf32, #tpu.memory_space<vmem_shared>> -> memref<640x128xf32, #tpu.memory_space<vmem_shared>>
        %dma_start3A_30 = arith.constant 0 : i32
        %dma_start3A_31 = arith.constant 0 : i32
        %dma_start3A_32 = tpu.memref_slice %arg5[%dma_start3A_30, %dma_start3A_31] : memref<640x128xf32, #tpu.memory_space<hbm>> -> memref<640x128xf32, #tpu.memory_space<hbm>>
        tpu.enqueue_dma source(%dma_start3A_32 : memref<640x128xf32, #tpu.memory_space<hbm>>) target(%dma_start3A_29 : memref<640x128xf32, #tpu.memory_space<vmem_shared>>) target_semaphore(%run_scoped3A : memref<!tpu.dma_semaphore, #tpu.memory_space<semaphore_mem>>)
        %dma_wait3A = arith.constant 9360 : i32
        %dma_wait3A_33 = arith.constant 0 : i32
        %dma_wait3A_34 = tpu.memref_slice %arg11[%dma_wait3A, %dma_wait3A_33] : memref<10000x128xf32, #tpu.memory_space<vmem_shared>> -> memref<640x128xf32, #tpu.memory_space<vmem_shared>>
        %dma_wait3A_35 = arith.constant 0 : i32
        %dma_wait3A_36 = arith.constant 0 : i32
        %dma_wait3A_37 = tpu.memref_slice %arg5[%dma_wait3A_35, %dma_wait3A_36] : memref<640x128xf32, #tpu.memory_space<hbm>> -> memref<640x128xf32, #tpu.memory_space<hbm>>
        tpu.wait_dma2 semaphore(%run_scoped3A : memref<!tpu.dma_semaphore, #tpu.memory_space<semaphore_mem>>) src(%dma_wait3A_37 : memref<640x128xf32, #tpu.memory_space<hbm>>) dst(%dma_wait3A_34 : memref<640x128xf32, #tpu.memory_space<vmem_shared>>)
        tpu.yield
      }) : () -> ()
    } else {
    }
    %barrier3A = arith.constant 0 : index
    tpu.barrier barrier_id(%barrier3A)
    %mul3A = arith.constant 16 : i32
    %mul3A_6 = arith.muli %arg0, %mul3A : i32
    %add3A = arith.addi %mul3A_6, %arg1 : i32
    %scan3A = arith.constant 0 : i32
    %scan3A_7 = arith.constant 0 : i32
    %scan3A_8 = arith.constant 62 : i32
    %scan3A_9 = arith.addi %scan3A_7, %scan3A_8 : i32
    %scan3A_10 = arith.constant 1 : i32
    scf.for %scan3A_28 = %scan3A_7 to %scan3A_9 step %scan3A_10  : i32 {
      %mul3A_29 = arith.constant 32 : i32
      %mul3A_30 = arith.muli %mul3A_29, %scan3A_28 : i32
      %add3A_31 = arith.addi %add3A, %mul3A_30 : i32
      %mul3A_32 = arith.constant 80 : i32
      %mul3A_33 = arith.muli %add3A_31, %mul3A_32 : i32
      "tpu.region"() ({
        %run_scoped3A = tpu.sem_alloc : memref<!tpu.dma_semaphore, #tpu.memory_space<semaphore_mem>>
        %dma_start3A_38 = tpu.memref_slice %arg3[%mul3A_33] : memref<160000xi32, #tpu.memory_space<hbm>> -> memref<80xi32, #tpu.memory_space<hbm>>
        %dma_start3A_39 = tpu.memref_slice %arg3[%mul3A_33] : memref<160000xi32, #tpu.memory_space<hbm>> -> memref<80xi32, #tpu.memory_space<hbm>>
        tpu.enqueue_dma source(%dma_start3A_39 : memref<80xi32, #tpu.memory_space<hbm>>) target(%arg7 : memref<80xi32, #tpu.memory_space<vmem>>) target_semaphore(%run_scoped3A : memref<!tpu.dma_semaphore, #tpu.memory_space<semaphore_mem>>)
        %dma_wait3A_40 = tpu.memref_slice %arg3[%mul3A_33] : memref<160000xi32, #tpu.memory_space<hbm>> -> memref<80xi32, #tpu.memory_space<hbm>>
        %dma_wait3A_41 = tpu.memref_slice %arg3[%mul3A_33] : memref<160000xi32, #tpu.memory_space<hbm>> -> memref<80xi32, #tpu.memory_space<hbm>>
        tpu.wait_dma2 semaphore(%run_scoped3A : memref<!tpu.dma_semaphore, #tpu.memory_space<semaphore_mem>>) src(%dma_wait3A_41 : memref<80xi32, #tpu.memory_space<hbm>>) dst(%arg7 : memref<80xi32, #tpu.memory_space<vmem>>)
        tpu.yield
      }) : () -> ()
      "tpu.region"() ({
        %run_scoped3A = tpu.sem_alloc : memref<!tpu.dma_semaphore, #tpu.memory_space<semaphore_mem>>
        %dma_start3A_38 = tpu.memref_slice %arg4[%mul3A_33] : memref<160000xi32, #tpu.memory_space<hbm>> -> memref<80xi32, #tpu.memory_space<hbm>>
        %dma_start3A_39 = tpu.memref_slice %arg4[%mul3A_33] : memref<160000xi32, #tpu.memory_space<hbm>> -> memref<80xi32, #tpu.memory_space<hbm>>
        tpu.enqueue_dma source(%dma_start3A_39 : memref<80xi32, #tpu.memory_space<hbm>>) target(%arg8 : memref<80xi32, #tpu.memory_space<vmem>>) target_semaphore(%run_scoped3A : memref<!tpu.dma_semaphore, #tpu.memory_space<semaphore_mem>>)
        %dma_wait3A_40 = tpu.memref_slice %arg4[%mul3A_33] : memref<160000xi32, #tpu.memory_space<hbm>> -> memref<80xi32, #tpu.memory_space<hbm>>
        %dma_wait3A_41 = tpu.memref_slice %arg4[%mul3A_33] : memref<160000xi32, #tpu.memory_space<hbm>> -> memref<80xi32, #tpu.memory_space<hbm>>
        tpu.wait_dma2 semaphore(%run_scoped3A : memref<!tpu.dma_semaphore, #tpu.memory_space<semaphore_mem>>) src(%dma_wait3A_41 : memref<80xi32, #tpu.memory_space<hbm>>) dst(%arg8 : memref<80xi32, #tpu.memory_space<vmem>>)
        tpu.yield
      }) : () -> ()
      %dma_start3A = arith.constant 0 : i32
      %dma_start3A_34 = arith.constant 0 : i32
      %dma_start3A_35 = tpu.memref_slice %arg2[%dma_start3A, %dma_start3A_34] : memref<10000x128xf32, #tpu.memory_space<hbm>> -> memref<10000x128xf32, #tpu.memory_space<hbm>>
      tpu.enqueue_indirect_dma source(%dma_start3A_35 : memref<10000x128xf32, #tpu.memory_space<hbm>>) target(%arg10 : memref<80x128xf32, #tpu.memory_space<vmem>>) offsets(%arg7 : memref<80xi32, #tpu.memory_space<vmem>>) semaphore(%arg12 : memref<!tpu.dma_semaphore, #tpu.memory_space<semaphore_mem>>)
      %dma_wait3A = arith.constant 0 : i32
      %dma_wait3A_36 = arith.constant 0 : i32
      %dma_wait3A_37 = tpu.memref_slice %arg2[%dma_wait3A, %dma_wait3A_36] : memref<10000x128xf32, #tpu.memory_space<hbm>> -> memref<10000x128xf32, #tpu.memory_space<hbm>>
      tpu.wait_indirect_dma semaphore(%arg12 : memref<!tpu.dma_semaphore, #tpu.memory_space<semaphore_mem>>) src(%dma_wait3A_37 : memref<10000x128xf32, #tpu.memory_space<hbm>>) dst(%arg10 : memref<80x128xf32, #tpu.memory_space<vmem>>)
      "tpu.region"() ({
        %run_scoped3A = tpu.sem_alloc : memref<!tpu.dma_semaphore, #tpu.memory_space<semaphore_mem>>
        %dma_start3A_38 = arith.constant 0 : i32
        %dma_start3A_39 = arith.constant 0 : i32
        %dma_start3A_40 = tpu.memref_slice %arg11[%dma_start3A_38, %dma_start3A_39] : memref<10000x128xf32, #tpu.memory_space<vmem_shared>> -> memref<10000x128xf32, #tpu.memory_space<vmem_shared>>
        tpu.enqueue_indirect_dma source(%arg10 : memref<80x128xf32, #tpu.memory_space<vmem>>) target(%dma_start3A_40 : memref<10000x128xf32, #tpu.memory_space<vmem_shared>>) offsets(%arg8 : memref<80xi32, #tpu.memory_space<vmem>>) semaphore(%run_scoped3A : memref<!tpu.dma_semaphore, #tpu.memory_space<semaphore_mem>>) {add = true}
        %dma_wait3A_41 = arith.constant 0 : i32
        %dma_wait3A_42 = arith.constant 0 : i32
        %dma_wait3A_43 = tpu.memref_slice %arg11[%dma_wait3A_41, %dma_wait3A_42] : memref<10000x128xf32, #tpu.memory_space<vmem_shared>> -> memref<10000x128xf32, #tpu.memory_space<vmem_shared>>
        tpu.wait_indirect_dma semaphore(%run_scoped3A : memref<!tpu.dma_semaphore, #tpu.memory_space<semaphore_mem>>) src(%arg10 : memref<80x128xf32, #tpu.memory_space<vmem>>) dst(%dma_wait3A_43 : memref<10000x128xf32, #tpu.memory_space<vmem_shared>>)
        tpu.yield
      }) : () -> ()
    }
    %scan3A_11 = arith.constant 62 : i32
    %lt3A_12 = arith.constant 16 : i32
    %lt3A_13 = arith.cmpi slt, %add3A, %lt3A_12 : i32
    %convert_element_type3A_14 = arith.extui %lt3A_13 : i1 to i32
    %cond3A_15 = arith.constant 0 : i32
    %cond3A_16 = arith.cmpi ne, %convert_element_type3A_14, %cond3A_15 : i32
    scf.if %cond3A_16 {
      %add3A_28 = arith.constant 1984 : i32
      %add3A_29 = arith.addi %add3A_28, %add3A : i32
      %mul3A_30 = arith.constant 80 : i32
      %mul3A_31 = arith.muli %add3A_29, %mul3A_30 : i32
      "tpu.region"() ({
        %run_scoped3A = tpu.sem_alloc : memref<!tpu.dma_semaphore, #tpu.memory_space<semaphore_mem>>
        %dma_start3A_36 = tpu.memref_slice %arg3[%mul3A_31] : memref<160000xi32, #tpu.memory_space<hbm>> -> memref<80xi32, #tpu.memory_space<hbm>>
        %dma_start3A_37 = tpu.memref_slice %arg3[%mul3A_31] : memref<160000xi32, #tpu.memory_space<hbm>> -> memref<80xi32, #tpu.memory_space<hbm>>
        tpu.enqueue_dma source(%dma_start3A_37 : memref<80xi32, #tpu.memory_space<hbm>>) target(%arg7 : memref<80xi32, #tpu.memory_space<vmem>>) target_semaphore(%run_scoped3A : memref<!tpu.dma_semaphore, #tpu.memory_space<semaphore_mem>>)
        %dma_wait3A_38 = tpu.memref_slice %arg3[%mul3A_31] : memref<160000xi32, #tpu.memory_space<hbm>> -> memref<80xi32, #tpu.memory_space<hbm>>
        %dma_wait3A_39 = tpu.memref_slice %arg3[%mul3A_31] : memref<160000xi32, #tpu.memory_space<hbm>> -> memref<80xi32, #tpu.memory_space<hbm>>
        tpu.wait_dma2 semaphore(%run_scoped3A : memref<!tpu.dma_semaphore, #tpu.memory_space<semaphore_mem>>) src(%dma_wait3A_39 : memref<80xi32, #tpu.memory_space<hbm>>) dst(%arg7 : memref<80xi32, #tpu.memory_space<vmem>>)
        tpu.yield
      }) : () -> ()
      "tpu.region"() ({
        %run_scoped3A = tpu.sem_alloc : memref<!tpu.dma_semaphore, #tpu.memory_space<semaphore_mem>>
        %dma_start3A_36 = tpu.memref_slice %arg4[%mul3A_31] : memref<160000xi32, #tpu.memory_space<hbm>> -> memref<80xi32, #tpu.memory_space<hbm>>
        %dma_start3A_37 = tpu.memref_slice %arg4[%mul3A_31] : memref<160000xi32, #tpu.memory_space<hbm>> -> memref<80xi32, #tpu.memory_space<hbm>>
        tpu.enqueue_dma source(%dma_start3A_37 : memref<80xi32, #tpu.memory_space<hbm>>) target(%arg8 : memref<80xi32, #tpu.memory_space<vmem>>) target_semaphore(%run_scoped3A : memref<!tpu.dma_semaphore, #tpu.memory_space<semaphore_mem>>)
        %dma_wait3A_38 = tpu.memref_slice %arg4[%mul3A_31] : memref<160000xi32, #tpu.memory_space<hbm>> -> memref<80xi32, #tpu.memory_space<hbm>>
        %dma_wait3A_39 = tpu.memref_slice %arg4[%mul3A_31] : memref<160000xi32, #tpu.memory_space<hbm>> -> memref<80xi32, #tpu.memory_space<hbm>>
        tpu.wait_dma2 semaphore(%run_scoped3A : memref<!tpu.dma_semaphore, #tpu.memory_space<semaphore_mem>>) src(%dma_wait3A_39 : memref<80xi32, #tpu.memory_space<hbm>>) dst(%arg8 : memref<80xi32, #tpu.memory_space<vmem>>)
        tpu.yield
      }) : () -> ()
      %dma_start3A = arith.constant 0 : i32
      %dma_start3A_32 = arith.constant 0 : i32
      %dma_start3A_33 = tpu.memref_slice %arg2[%dma_start3A, %dma_start3A_32] : memref<10000x128xf32, #tpu.memory_space<hbm>> -> memref<10000x128xf32, #tpu.memory_space<hbm>>
      tpu.enqueue_indirect_dma source(%dma_start3A_33 : memref<10000x128xf32, #tpu.memory_space<hbm>>) target(%arg10 : memref<80x128xf32, #tpu.memory_space<vmem>>) offsets(%arg7 : memref<80xi32, #tpu.memory_space<vmem>>) semaphore(%arg12 : memref<!tpu.dma_semaphore, #tpu.memory_space<semaphore_mem>>)
      %dma_wait3A = arith.constant 0 : i32
      %dma_wait3A_34 = arith.constant 0 : i32
      %dma_wait3A_35 = tpu.memref_slice %arg2[%dma_wait3A, %dma_wait3A_34] : memref<10000x128xf32, #tpu.memory_space<hbm>> -> memref<10000x128xf32, #tpu.memory_space<hbm>>
      tpu.wait_indirect_dma semaphore(%arg12 : memref<!tpu.dma_semaphore, #tpu.memory_space<semaphore_mem>>) src(%dma_wait3A_35 : memref<10000x128xf32, #tpu.memory_space<hbm>>) dst(%arg10 : memref<80x128xf32, #tpu.memory_space<vmem>>)
      "tpu.region"() ({
        %run_scoped3A = tpu.sem_alloc : memref<!tpu.dma_semaphore, #tpu.memory_space<semaphore_mem>>
        %dma_start3A_36 = arith.constant 0 : i32
        %dma_start3A_37 = arith.constant 0 : i32
        %dma_start3A_38 = tpu.memref_slice %arg11[%dma_start3A_36, %dma_start3A_37] : memref<10000x128xf32, #tpu.memory_space<vmem_shared>> -> memref<10000x128xf32, #tpu.memory_space<vmem_shared>>
        tpu.enqueue_indirect_dma source(%arg10 : memref<80x128xf32, #tpu.memory_space<vmem>>) target(%dma_start3A_38 : memref<10000x128xf32, #tpu.memory_space<vmem_shared>>) offsets(%arg8 : memref<80xi32, #tpu.memory_space<vmem>>) semaphore(%run_scoped3A : memref<!tpu.dma_semaphore, #tpu.memory_space<semaphore_mem>>) {add = true}
        %dma_wait3A_39 = arith.constant 0 : i32
        %dma_wait3A_40 = arith.constant 0 : i32
        %dma_wait3A_41 = tpu.memref_slice %arg11[%dma_wait3A_39, %dma_wait3A_40] : memref<10000x128xf32, #tpu.memory_space<vmem_shared>> -> memref<10000x128xf32, #tpu.memory_space<vmem_shared>>
        tpu.wait_indirect_dma semaphore(%run_scoped3A : memref<!tpu.dma_semaphore, #tpu.memory_space<semaphore_mem>>) src(%arg10 : memref<80x128xf32, #tpu.memory_space<vmem>>) dst(%dma_wait3A_41 : memref<10000x128xf32, #tpu.memory_space<vmem_shared>>)
        tpu.yield
      }) : () -> ()
    } else {
    }
    %barrier3A_17 = arith.constant 0 : index
    tpu.barrier barrier_id(%barrier3A_17)
    %lt3A_18 = arith.constant 15 : i32
    %lt3A_19 = arith.cmpi slt, %arg1, %lt3A_18 : i32
    %convert_element_type3A_20 = arith.extui %lt3A_19 : i1 to i32
    %cond3A_21 = arith.constant 0 : i32
    %cond3A_22 = arith.cmpi ne, %convert_element_type3A_20, %cond3A_21 : i32
    scf.if %cond3A_22 {
      %mul3A_28 = arith.constant 624 : i32
      %mul3A_29 = arith.muli %arg1, %mul3A_28 : i32
      %mul3A_30 = arith.constant 624 : i32
      %mul3A_31 = arith.muli %arg1, %mul3A_30 : i32
      "tpu.region"() ({
        %run_scoped3A = tpu.sem_alloc : memref<!tpu.dma_semaphore, #tpu.memory_space<semaphore_mem>>
        %dma_start3A = arith.constant 0 : i32
        %dma_start3A_32 = tpu.memref_slice %arg6[%arg0, %mul3A_31, %dma_start3A] : memref<2x10000x128xf32, #tpu.memory_space<hbm>> -> memref<1x624x128xf32, #tpu.memory_space<hbm>>
        %dma_start3A_33 = tpu.memref_squeeze %dma_start3A_32 : memref<1x624x128xf32, #tpu.memory_space<hbm>> -> memref<624x128xf32, #tpu.memory_space<hbm>>
        %dma_start3A_34 = arith.constant 0 : i32
        %dma_start3A_35 = tpu.memref_slice %arg11[%mul3A_29, %dma_start3A_34] : memref<10000x128xf32, #tpu.memory_space<vmem_shared>> -> memref<624x128xf32, #tpu.memory_space<vmem_shared>>
        tpu.enqueue_dma source(%dma_start3A_35 : memref<624x128xf32, #tpu.memory_space<vmem_shared>>) target(%dma_start3A_33 : memref<624x128xf32, #tpu.memory_space<hbm>>) target_semaphore(%run_scoped3A : memref<!tpu.dma_semaphore, #tpu.memory_space<semaphore_mem>>)
        %dma_wait3A = arith.constant 0 : i32
        %dma_wait3A_36 = tpu.memref_slice %arg6[%arg0, %mul3A_31, %dma_wait3A] : memref<2x10000x128xf32, #tpu.memory_space<hbm>> -> memref<1x624x128xf32, #tpu.memory_space<hbm>>
        %dma_wait3A_37 = tpu.memref_squeeze %dma_wait3A_36 : memref<1x624x128xf32, #tpu.memory_space<hbm>> -> memref<624x128xf32, #tpu.memory_space<hbm>>
        %dma_wait3A_38 = arith.constant 0 : i32
        %dma_wait3A_39 = tpu.memref_slice %arg11[%mul3A_29, %dma_wait3A_38] : memref<10000x128xf32, #tpu.memory_space<vmem_shared>> -> memref<624x128xf32, #tpu.memory_space<vmem_shared>>
        tpu.wait_dma2 semaphore(%run_scoped3A : memref<!tpu.dma_semaphore, #tpu.memory_space<semaphore_mem>>) src(%dma_wait3A_39 : memref<624x128xf32, #tpu.memory_space<vmem_shared>>) dst(%dma_wait3A_37 : memref<624x128xf32, #tpu.memory_space<hbm>>)
        tpu.yield
      }) : () -> ()
    } else {
    }
    %eq3A_23 = arith.constant 15 : i32
    %eq3A_24 = arith.cmpi eq, %arg1, %eq3A_23 : i32
    %convert_element_type3A_25 = arith.extui %eq3A_24 : i1 to i32
    %cond3A_26 = arith.constant 0 : i32
    %cond3A_27 = arith.cmpi ne, %convert_element_type3A_25, %cond3A_26 : i32
    scf.if %cond3A_27 {
      "tpu.region"() ({
        %run_scoped3A = tpu.sem_alloc : memref<!tpu.dma_semaphore, #tpu.memory_space<semaphore_mem>>
        %dma_start3A = arith.constant 9360 : i32
        %dma_start3A_28 = arith.constant 0 : i32
        %dma_start3A_29 = tpu.memref_slice %arg6[%arg0, %dma_start3A, %dma_start3A_28] : memref<2x10000x128xf32, #tpu.memory_space<hbm>> -> memref<1x640x128xf32, #tpu.memory_space<hbm>>
        %dma_start3A_30 = tpu.memref_squeeze %dma_start3A_29 : memref<1x640x128xf32, #tpu.memory_space<hbm>> -> memref<640x128xf32, #tpu.memory_space<hbm>>
        %dma_start3A_31 = arith.constant 9360 : i32
        %dma_start3A_32 = arith.constant 0 : i32
        %dma_start3A_33 = tpu.memref_slice %arg11[%dma_start3A_31, %dma_start3A_32] : memref<10000x128xf32, #tpu.memory_space<vmem_shared>> -> memref<640x128xf32, #tpu.memory_space<vmem_shared>>
        tpu.enqueue_dma source(%dma_start3A_33 : memref<640x128xf32, #tpu.memory_space<vmem_shared>>) target(%dma_start3A_30 : memref<640x128xf32, #tpu.memory_space<hbm>>) target_semaphore(%run_scoped3A : memref<!tpu.dma_semaphore, #tpu.memory_space<semaphore_mem>>)
        %dma_wait3A = arith.constant 9360 : i32
        %dma_wait3A_34 = arith.constant 0 : i32
        %dma_wait3A_35 = tpu.memref_slice %arg6[%arg0, %dma_wait3A, %dma_wait3A_34] : memref<2x10000x128xf32, #tpu.memory_space<hbm>> -> memref<1x640x128xf32, #tpu.memory_space<hbm>>
        %dma_wait3A_36 = tpu.memref_squeeze %dma_wait3A_35 : memref<1x640x128xf32, #tpu.memory_space<hbm>> -> memref<640x128xf32, #tpu.memory_space<hbm>>
        %dma_wait3A_37 = arith.constant 9360 : i32
        %dma_wait3A_38 = arith.constant 0 : i32
        %dma_wait3A_39 = tpu.memref_slice %arg11[%dma_wait3A_37, %dma_wait3A_38] : memref<10000x128xf32, #tpu.memory_space<vmem_shared>> -> memref<640x128xf32, #tpu.memory_space<vmem_shared>>
        tpu.wait_dma2 semaphore(%run_scoped3A : memref<!tpu.dma_semaphore, #tpu.memory_space<semaphore_mem>>) src(%dma_wait3A_39 : memref<640x128xf32, #tpu.memory_space<vmem_shared>>) dst(%dma_wait3A_36 : memref<640x128xf32, #tpu.memory_space<hbm>>)
        tpu.yield
      }) : () -> ()
    } else {
    }
    return
  }
}

module attributes {stable_mosaic.version = 14 : i64} {
  func.func @_tc_pre_body(%arg0: i32, %arg1: memref<1000x256xf32, #tpu.memory_space<vmem>>, %arg2: memref<2x1000x128xf32, #tpu.memory_space<vmem>>, %arg3: memref<2x1000x128xf32, #tpu.memory_space<vmem>>, %arg4: memref<1000x16xf32, #tpu.memory_space<vmem>>) attributes {dimension_semantics = [#tpu.dimension_semantics<arbitrary>], iteration_bounds = array<i64: 10>, scalar_prefetch = 0 : i64, scratch_operands = 0 : i64, tpu.core_type = #tpu.core_type<tc>, window_params = [{transform_indices = @transform_0, window_bounds = array<i64: 1000, 256>}, {transform_indices = @transform_1, window_bounds = array<i64: 2, 1000, 128>}, {transform_indices = @transform_2, window_bounds = array<i64: 2, 1000, 128>}, {transform_indices = @transform_3, window_bounds = array<i64: 1000, 16>}]} {
    %get3A = arith.constant 0 : index
    %get3A_0 = arith.constant 0 : index
    %get3A_1 = arith.constant 0 : index
    %get3A_2 = vector.load %arg2[%get3A, %get3A_0, %get3A_1] : memref<2x1000x128xf32, #tpu.memory_space<vmem>>, vector<1x1000x1xf32>
    %get3A_3 = vector.shape_cast %get3A_2 : vector<1x1000x1xf32> to vector<1000xf32>
    %get3A_4 = arith.constant 1 : index
    %get3A_5 = arith.constant 0 : index
    %get3A_6 = arith.constant 0 : index
    %get3A_7 = vector.load %arg2[%get3A_4, %get3A_5, %get3A_6] : memref<2x1000x128xf32, #tpu.memory_space<vmem>>, vector<1x1000x1xf32>
    %get3A_8 = vector.shape_cast %get3A_7 : vector<1x1000x1xf32> to vector<1000xf32>
    %add3A = arith.addf %get3A_3, %get3A_8 : vector<1000xf32>
    %add3A_9 = arith.constant 1.000000e+00 : f32
    %add3A_10 = vector.broadcast %add3A_9 : f32 to vector<1000xf32>
    %add3A_11 = arith.addf %add3A, %add3A_10 : vector<1000xf32>
    %rsqrt3A = math.rsqrt %add3A_11 : vector<1000xf32>
    %broadcast_in_dim3A = vector.shape_cast %rsqrt3A : vector<1000xf32> to vector<1000x1xf32>
    %broadcast_in_dim3A_12 = vector.shape_cast %broadcast_in_dim3A : vector<1000x1xf32> to vector<1000x1xf32>
    %broadcast_in_dim3A_13 = vector.broadcast %broadcast_in_dim3A_12 : vector<1000x1xf32> to vector<1000x16xf32>
    %swap3A = arith.constant 0 : index
    %swap3A_14 = arith.constant 0 : index
    %swap3A_15 = vector.load %arg4[%swap3A, %swap3A_14] : memref<1000x16xf32, #tpu.memory_space<vmem>>, vector<1000x16xf32>
    tpu.vector_store %arg4[%swap3A, %swap3A_14], %broadcast_in_dim3A_13 {strides = array<i32>} : memref<1000x16xf32, #tpu.memory_space<vmem>>, vector<1000x16xf32>,
    %get3A_16 = arith.constant 0 : index
    %get3A_17 = arith.constant 0 : index
    %get3A_18 = vector.load %arg1[%get3A_16, %get3A_17] : memref<1000x256xf32, #tpu.memory_space<vmem>>, vector<1000x256xf32>
    %broadcast_in_dim3A_19 = vector.shape_cast %rsqrt3A : vector<1000xf32> to vector<1000x1xf32>
    %mul3A = vector.broadcast %broadcast_in_dim3A_19 : vector<1000x1xf32> to vector<1000x256xf32>
    %mul3A_20 = arith.mulf %get3A_18, %mul3A : vector<1000x256xf32>
    %slice3A = vector.extract_strided_slice %mul3A_20 {offsets = [0, 0], sizes = [1000, 128], strides = [1, 1]} : vector<1000x256xf32> to vector<1000x128xf32>
    %swap3A_21 = arith.constant 0 : index
    %swap3A_22 = arith.constant 0 : index
    %swap3A_23 = arith.constant 0 : index
    %swap3A_24 = vector.load %arg3[%swap3A_21, %swap3A_22, %swap3A_23] : memref<2x1000x128xf32, #tpu.memory_space<vmem>>, vector<1x1000x128xf32>
    %swap3A_25 = vector.shape_cast %swap3A_24 : vector<1x1000x128xf32> to vector<1000x128xf32>
    %swap3A_26 = vector.shape_cast %slice3A : vector<1000x128xf32> to vector<1x1000x128xf32>
    tpu.vector_store %arg3[%swap3A_21, %swap3A_22, %swap3A_23], %swap3A_26 {strides = array<i32>} : memref<2x1000x128xf32, #tpu.memory_space<vmem>>, vector<1x1000x128xf32>,
    %slice3A_27 = vector.extract_strided_slice %mul3A_20 {offsets = [0, 128], sizes = [1000, 128], strides = [1, 1]} : vector<1000x256xf32> to vector<1000x128xf32>
    %swap3A_28 = arith.constant 1 : index
    %swap3A_29 = arith.constant 0 : index
    %swap3A_30 = arith.constant 0 : index
    %swap3A_31 = vector.load %arg3[%swap3A_28, %swap3A_29, %swap3A_30] : memref<2x1000x128xf32, #tpu.memory_space<vmem>>, vector<1x1000x128xf32>
    %swap3A_32 = vector.shape_cast %swap3A_31 : vector<1x1000x128xf32> to vector<1000x128xf32>
    %swap3A_33 = vector.shape_cast %slice3A_27 : vector<1000x128xf32> to vector<1x1000x128xf32>
    tpu.vector_store %arg3[%swap3A_28, %swap3A_29, %swap3A_30], %swap3A_33 {strides = array<i32>} : memref<2x1000x128xf32, #tpu.memory_space<vmem>>, vector<1x1000x128xf32>,
    return
  }
  func.func @transform_0(%arg0: i32) -> (i32, i32) {
    %c0_i32 = arith.constant 0 : i32
    %c0_i32_0 = arith.constant 0 : i32
    return %arg0, %c0_i32 : i32, i32
  }
  func.func @transform_1(%arg0: i32) -> (i32, i32, i32) {
    %c0_i32 = arith.constant 0 : i32
    %c0_i32_0 = arith.constant 0 : i32
    %c0_i32_1 = arith.constant 0 : i32
    return %c0_i32, %arg0, %c0_i32_0 : i32, i32, i32
  }
  func.func @transform_2(%arg0: i32) -> (i32, i32, i32) {
    %c0_i32 = arith.constant 0 : i32
    %c0_i32_0 = arith.constant 0 : i32
    %c0_i32_1 = arith.constant 0 : i32
    return %c0_i32, %arg0, %c0_i32_0 : i32, i32, i32
  }
  func.func @transform_3(%arg0: i32) -> (i32, i32) {
    %c0_i32 = arith.constant 0 : i32
    %c0_i32_0 = arith.constant 0 : i32
    return %arg0, %c0_i32 : i32, i32
  }
}

module attributes {stable_mosaic.version = 14 : i64} {
  func.func @_tc1_body(%arg0: i32, %arg1: memref<2x1000x128xf32, #tpu.memory_space<vmem>>, %arg2: memref<2x1000x128xf32, #tpu.memory_space<vmem>>, %arg3: memref<1000x16xf32, #tpu.memory_space<vmem>>, %arg4: memref<256x512xf32, #tpu.memory_space<vmem>>, %arg5: memref<1x512xf32, #tpu.memory_space<vmem>>, %arg6: memref<512x512xf32, #tpu.memory_space<vmem>>, %arg7: memref<2x1000x128xf32, #tpu.memory_space<vmem>>, %arg8: memref<2x1000x128xf32, #tpu.memory_space<vmem>>) attributes {dimension_semantics = [#tpu.dimension_semantics<arbitrary>], iteration_bounds = array<i64: 10>, scalar_prefetch = 0 : i64, scratch_operands = 0 : i64, tpu.core_type = #tpu.core_type<tc>, window_params = [{transform_indices = @transform_0, window_bounds = array<i64: 2, 1000, 128>}, {transform_indices = @transform_1, window_bounds = array<i64: 2, 1000, 128>}, {transform_indices = @transform_2, window_bounds = array<i64: 1000, 16>}, {pipeline_mode = #tpu.pipeline_mode<synchronous>, transform_indices = @transform_3, window_bounds = array<i64: 256, 512>}, {pipeline_mode = #tpu.pipeline_mode<synchronous>, transform_indices = @transform_4, window_bounds = array<i64: 1, 512>}, {pipeline_mode = #tpu.pipeline_mode<synchronous>, transform_indices = @transform_5, window_bounds = array<i64: 512, 512>}, {transform_indices = @transform_6, window_bounds = array<i64: 2, 1000, 128>}, {transform_indices = @transform_7, window_bounds = array<i64: 2, 1000, 128>}]} {
    %get3A = arith.constant 0 : index
    %get3A_0 = arith.constant 0 : index
    %get3A_1 = vector.load %arg3[%get3A, %get3A_0] : memref<1000x16xf32, #tpu.memory_space<vmem>>, vector<1000x1xf32>
    %get3A_2 = arith.constant 0 : index
    %get3A_3 = arith.constant 0 : index
    %get3A_4 = arith.constant 0 : index
    %get3A_5 = vector.load %arg1[%get3A_2, %get3A_3, %get3A_4] : memref<2x1000x128xf32, #tpu.memory_space<vmem>>, vector<1x1000x128xf32>
    %get3A_6 = vector.shape_cast %get3A_5 : vector<1x1000x128xf32> to vector<1000x128xf32>
    %get3A_7 = arith.constant 0 : index
    %get3A_8 = arith.constant 0 : index
    %get3A_9 = arith.constant 0 : index
    %get3A_10 = vector.load %arg2[%get3A_7, %get3A_8, %get3A_9] : memref<2x1000x128xf32, #tpu.memory_space<vmem>>, vector<1x1000x128xf32>
    %get3A_11 = vector.shape_cast %get3A_10 : vector<1x1000x128xf32> to vector<1000x128xf32>
    %add3A = arith.addf %get3A_6, %get3A_11 : vector<1000x128xf32>
    %get3A_12 = arith.constant 1 : index
    %get3A_13 = arith.constant 0 : index
    %get3A_14 = arith.constant 0 : index
    %get3A_15 = vector.load %arg1[%get3A_12, %get3A_13, %get3A_14] : memref<2x1000x128xf32, #tpu.memory_space<vmem>>, vector<1x1000x128xf32>
    %get3A_16 = vector.shape_cast %get3A_15 : vector<1x1000x128xf32> to vector<1000x128xf32>
    %get3A_17 = arith.constant 1 : index
    %get3A_18 = arith.constant 0 : index
    %get3A_19 = arith.constant 0 : index
    %get3A_20 = vector.load %arg2[%get3A_17, %get3A_18, %get3A_19] : memref<2x1000x128xf32, #tpu.memory_space<vmem>>, vector<1x1000x128xf32>
    %get3A_21 = vector.shape_cast %get3A_20 : vector<1x1000x128xf32> to vector<1000x128xf32>
    %add3A_22 = arith.addf %get3A_16, %get3A_21 : vector<1000x128xf32>
    %concatenate3A = tpu.concatenate %add3A, %add3A_22 in 1 : vector<1000x128xf32>, vector<1000x128xf32> -> vector<1000x256xf32>
    %mul3A = vector.broadcast %get3A_1 : vector<1000x1xf32> to vector<1000x256xf32>
    %mul3A_23 = arith.mulf %concatenate3A, %mul3A : vector<1000x256xf32>
    %get3A_24 = arith.constant 0 : index
    %get3A_25 = arith.constant 0 : index
    %get3A_26 = vector.load %arg4[%get3A_24, %get3A_25] : memref<256x512xf32, #tpu.memory_space<vmem>>, vector<256x512xf32>
    %dot_general3A = arith.constant dense<0.000000e+00> : vector<1000x512xf32>
    %dot_general3A_27 = tpu.matmul %mul3A_23, %get3A_26, %dot_general3A {dimension_numbers = #tpu.dot_dimension_numbers<[1], [0], [0], [1], [0, 0, 1, 1], [], []>, transpose_lhs_hint = false} : vector<1000x256xf32>, vector<256x512xf32>, vector<1000x512xf32> -> vector<1000x512xf32>
    %get3A_28 = arith.constant 0 : index
    %get3A_29 = arith.constant 0 : index
    %get3A_30 = vector.load %arg5[%get3A_28, %get3A_29] : memref<1x512xf32, #tpu.memory_space<vmem>>, vector<1x512xf32>
    %add3A_31 = vector.broadcast %get3A_30 : vector<1x512xf32> to vector<1000x512xf32>
    %add3A_32 = arith.addf %dot_general3A_27, %add3A_31 : vector<1000x512xf32>
    %max3A = arith.constant 0.000000e+00 : f32
    %max3A_33 = vector.broadcast %max3A : f32 to vector<1000x512xf32>
    %max3A_34 = arith.maximumf %add3A_32, %max3A_33 : vector<1000x512xf32>
    %get3A_35 = arith.constant 0 : index
    %get3A_36 = arith.constant 0 : index
    %get3A_37 = vector.load %arg6[%get3A_35, %get3A_36] : memref<512x512xf32, #tpu.memory_space<vmem>>, vector<512x512xf32>
    %dot_general3A_38 = arith.constant dense<0.000000e+00> : vector<1000x512xf32>
    %dot_general3A_39 = tpu.matmul %max3A_34, %get3A_37, %dot_general3A_38 {dimension_numbers = #tpu.dot_dimension_numbers<[1], [0], [0], [1], [0, 0, 1, 1], [], []>, transpose_lhs_hint = false} : vector<1000x512xf32>, vector<512x512xf32>, vector<1000x512xf32> -> vector<1000x512xf32>
    %mul3A_40 = vector.broadcast %get3A_1 : vector<1000x1xf32> to vector<1000x512xf32>
    %mul3A_41 = arith.mulf %dot_general3A_39, %mul3A_40 : vector<1000x512xf32>
    %slice3A = vector.extract_strided_slice %mul3A_41 {offsets = [0, 0], sizes = [1000, 128], strides = [1, 1]} : vector<1000x512xf32> to vector<1000x128xf32>
    %swap3A = arith.constant 0 : index
    %swap3A_42 = arith.constant 0 : index
    %swap3A_43 = arith.constant 0 : index
    %swap3A_44 = vector.load %arg7[%swap3A, %swap3A_42, %swap3A_43] : memref<2x1000x128xf32, #tpu.memory_space<vmem>>, vector<1x1000x128xf32>
    %swap3A_45 = vector.shape_cast %swap3A_44 : vector<1x1000x128xf32> to vector<1000x128xf32>
    %swap3A_46 = vector.shape_cast %slice3A : vector<1000x128xf32> to vector<1x1000x128xf32>
    tpu.vector_store %arg7[%swap3A, %swap3A_42, %swap3A_43], %swap3A_46 {strides = array<i32>} : memref<2x1000x128xf32, #tpu.memory_space<vmem>>, vector<1x1000x128xf32>,
    %slice3A_47 = vector.extract_strided_slice %mul3A_41 {offsets = [0, 256], sizes = [1000, 128], strides = [1, 1]} : vector<1000x512xf32> to vector<1000x128xf32>
    %swap3A_48 = arith.constant 0 : index
    %swap3A_49 = arith.constant 0 : index
    %swap3A_50 = arith.constant 0 : index
    %swap3A_51 = vector.load %arg8[%swap3A_48, %swap3A_49, %swap3A_50] : memref<2x1000x128xf32, #tpu.memory_space<vmem>>, vector<1x1000x128xf32>
    %swap3A_52 = vector.shape_cast %swap3A_51 : vector<1x1000x128xf32> to vector<1000x128xf32>
    %swap3A_53 = vector.shape_cast %slice3A_47 : vector<1000x128xf32> to vector<1x1000x128xf32>
    tpu.vector_store %arg8[%swap3A_48, %swap3A_49, %swap3A_50], %swap3A_53 {strides = array<i32>} : memref<2x1000x128xf32, #tpu.memory_space<vmem>>, vector<1x1000x128xf32>,
    %slice3A_54 = vector.extract_strided_slice %mul3A_41 {offsets = [0, 128], sizes = [1000, 128], strides = [1, 1]} : vector<1000x512xf32> to vector<1000x128xf32>
    %swap3A_55 = arith.constant 1 : index
    %swap3A_56 = arith.constant 0 : index
    %swap3A_57 = arith.constant 0 : index
    %swap3A_58 = vector.load %arg7[%swap3A_55, %swap3A_56, %swap3A_57] : memref<2x1000x128xf32, #tpu.memory_space<vmem>>, vector<1x1000x128xf32>
    %swap3A_59 = vector.shape_cast %swap3A_58 : vector<1x1000x128xf32> to vector<1000x128xf32>
    %swap3A_60 = vector.shape_cast %slice3A_54 : vector<1000x128xf32> to vector<1x1000x128xf32>
    tpu.vector_store %arg7[%swap3A_55, %swap3A_56, %swap3A_57], %swap3A_60 {strides = array<i32>} : memref<2x1000x128xf32, #tpu.memory_space<vmem>>, vector<1x1000x128xf32>,
    %slice3A_61 = vector.extract_strided_slice %mul3A_41 {offsets = [0, 384], sizes = [1000, 128], strides = [1, 1]} : vector<1000x512xf32> to vector<1000x128xf32>
    %swap3A_62 = arith.constant 1 : index
    %swap3A_63 = arith.constant 0 : index
    %swap3A_64 = arith.constant 0 : index
    %swap3A_65 = vector.load %arg8[%swap3A_62, %swap3A_63, %swap3A_64] : memref<2x1000x128xf32, #tpu.memory_space<vmem>>, vector<1x1000x128xf32>
    %swap3A_66 = vector.shape_cast %swap3A_65 : vector<1x1000x128xf32> to vector<1000x128xf32>
    %swap3A_67 = vector.shape_cast %slice3A_61 : vector<1000x128xf32> to vector<1x1000x128xf32>
    tpu.vector_store %arg8[%swap3A_62, %swap3A_63, %swap3A_64], %swap3A_67 {strides = array<i32>} : memref<2x1000x128xf32, #tpu.memory_space<vmem>>, vector<1x1000x128xf32>,
    return
  }
  func.func @transform_0(%arg0: i32) -> (i32, i32, i32) {
    %c0_i32 = arith.constant 0 : i32
    %c0_i32_0 = arith.constant 0 : i32
    %c0_i32_1 = arith.constant 0 : i32
    return %c0_i32, %arg0, %c0_i32_0 : i32, i32, i32
  }
  func.func @transform_1(%arg0: i32) -> (i32, i32, i32) {
    %c0_i32 = arith.constant 0 : i32
    %c0_i32_0 = arith.constant 0 : i32
    %c0_i32_1 = arith.constant 0 : i32
    return %c0_i32, %arg0, %c0_i32_0 : i32, i32, i32
  }
  func.func @transform_2(%arg0: i32) -> (i32, i32) {
    %c0_i32 = arith.constant 0 : i32
    %c0_i32_0 = arith.constant 0 : i32
    return %arg0, %c0_i32 : i32, i32
  }
  func.func @transform_3(%arg0: i32) -> (i32, i32) {
    %c0_i32 = arith.constant 0 : i32
    %c0_i32_0 = arith.constant 0 : i32
    %c0_i32_1 = arith.constant 0 : i32
    return %c0_i32, %c0_i32_0 : i32, i32
  }
  func.func @transform_4(%arg0: i32) -> (i32, i32) {
    %c0_i32 = arith.constant 0 : i32
    %c0_i32_0 = arith.constant 0 : i32
    %c0_i32_1 = arith.constant 0 : i32
    return %c0_i32, %c0_i32_0 : i32, i32
  }
  func.func @transform_5(%arg0: i32) -> (i32, i32) {
    %c0_i32 = arith.constant 0 : i32
    %c0_i32_0 = arith.constant 0 : i32
    %c0_i32_1 = arith.constant 0 : i32
    return %c0_i32, %c0_i32_0 : i32, i32
  }
  func.func @transform_6(%arg0: i32) -> (i32, i32, i32) {
    %c0_i32 = arith.constant 0 : i32
    %c0_i32_0 = arith.constant 0 : i32
    %c0_i32_1 = arith.constant 0 : i32
    return %c0_i32, %arg0, %c0_i32_0 : i32, i32, i32
  }
  func.func @transform_7(%arg0: i32) -> (i32, i32, i32) {
    %c0_i32 = arith.constant 0 : i32
    %c0_i32_0 = arith.constant 0 : i32
    %c0_i32_1 = arith.constant 0 : i32
    return %c0_i32, %arg0, %c0_i32_0 : i32, i32, i32
  }
}

module attributes {stable_mosaic.version = 14 : i64} {
  func.func @_tc2_body(%arg0: i32, %arg1: memref<2x1000x128xf32, #tpu.memory_space<vmem>>, %arg2: memref<2x1000x128xf32, #tpu.memory_space<vmem>>, %arg3: memref<2x1000x128xf32, #tpu.memory_space<vmem>>, %arg4: memref<2x1000x128xf32, #tpu.memory_space<vmem>>, %arg5: memref<1000x16xf32, #tpu.memory_space<vmem>>, %arg6: memref<1x512xf32, #tpu.memory_space<vmem>>, %arg7: memref<512x128xf32, #tpu.memory_space<vmem>>, %arg8: memref<1000x128xf32, #tpu.memory_space<vmem>>) attributes {dimension_semantics = [#tpu.dimension_semantics<arbitrary>], iteration_bounds = array<i64: 10>, scalar_prefetch = 0 : i64, scratch_operands = 0 : i64, tpu.core_type = #tpu.core_type<tc>, window_params = [{transform_indices = @transform_0, window_bounds = array<i64: 2, 1000, 128>}, {transform_indices = @transform_1, window_bounds = array<i64: 2, 1000, 128>}, {transform_indices = @transform_2, window_bounds = array<i64: 2, 1000, 128>}, {transform_indices = @transform_3, window_bounds = array<i64: 2, 1000, 128>}, {transform_indices = @transform_4, window_bounds = array<i64: 1000, 16>}, {pipeline_mode = #tpu.pipeline_mode<synchronous>, transform_indices = @transform_5, window_bounds = array<i64: 1, 512>}, {pipeline_mode = #tpu.pipeline_mode<synchronous>, transform_indices = @transform_6, window_bounds = array<i64: 512, 128>}, {transform_indices = @transform_7, window_bounds = array<i64: 1000, 128>}]} {
    %get3A = arith.constant 0 : index
    %get3A_0 = arith.constant 0 : index
    %get3A_1 = vector.load %arg5[%get3A, %get3A_0] : memref<1000x16xf32, #tpu.memory_space<vmem>>, vector<1000x1xf32>
    %get3A_2 = arith.constant 0 : index
    %get3A_3 = arith.constant 0 : index
    %get3A_4 = arith.constant 0 : index
    %get3A_5 = vector.load %arg1[%get3A_2, %get3A_3, %get3A_4] : memref<2x1000x128xf32, #tpu.memory_space<vmem>>, vector<1x1000x128xf32>
    %get3A_6 = vector.shape_cast %get3A_5 : vector<1x1000x128xf32> to vector<1000x128xf32>
    %get3A_7 = arith.constant 1 : index
    %get3A_8 = arith.constant 0 : index
    %get3A_9 = arith.constant 0 : index
    %get3A_10 = vector.load %arg1[%get3A_7, %get3A_8, %get3A_9] : memref<2x1000x128xf32, #tpu.memory_space<vmem>>, vector<1x1000x128xf32>
    %get3A_11 = vector.shape_cast %get3A_10 : vector<1x1000x128xf32> to vector<1000x128xf32>
    %get3A_12 = arith.constant 0 : index
    %get3A_13 = arith.constant 0 : index
    %get3A_14 = arith.constant 0 : index
    %get3A_15 = vector.load %arg2[%get3A_12, %get3A_13, %get3A_14] : memref<2x1000x128xf32, #tpu.memory_space<vmem>>, vector<1x1000x128xf32>
    %get3A_16 = vector.shape_cast %get3A_15 : vector<1x1000x128xf32> to vector<1000x128xf32>
    %get3A_17 = arith.constant 1 : index
    %get3A_18 = arith.constant 0 : index
    %get3A_19 = arith.constant 0 : index
    %get3A_20 = vector.load %arg2[%get3A_17, %get3A_18, %get3A_19] : memref<2x1000x128xf32, #tpu.memory_space<vmem>>, vector<1x1000x128xf32>
    %get3A_21 = vector.shape_cast %get3A_20 : vector<1x1000x128xf32> to vector<1000x128xf32>
    %concatenate3A = tpu.concatenate %get3A_6, %get3A_11, %get3A_16, %get3A_21 in 1 : vector<1000x128xf32>, vector<1000x128xf32>, vector<1000x128xf32>, vector<1000x128xf32> -> vector<1000x512xf32>
    %get3A_22 = arith.constant 0 : index
    %get3A_23 = arith.constant 0 : index
    %get3A_24 = arith.constant 0 : index
    %get3A_25 = vector.load %arg3[%get3A_22, %get3A_23, %get3A_24] : memref<2x1000x128xf32, #tpu.memory_space<vmem>>, vector<1x1000x128xf32>
    %get3A_26 = vector.shape_cast %get3A_25 : vector<1x1000x128xf32> to vector<1000x128xf32>
    %get3A_27 = arith.constant 1 : index
    %get3A_28 = arith.constant 0 : index
    %get3A_29 = arith.constant 0 : index
    %get3A_30 = vector.load %arg3[%get3A_27, %get3A_28, %get3A_29] : memref<2x1000x128xf32, #tpu.memory_space<vmem>>, vector<1x1000x128xf32>
    %get3A_31 = vector.shape_cast %get3A_30 : vector<1x1000x128xf32> to vector<1000x128xf32>
    %get3A_32 = arith.constant 0 : index
    %get3A_33 = arith.constant 0 : index
    %get3A_34 = arith.constant 0 : index
    %get3A_35 = vector.load %arg4[%get3A_32, %get3A_33, %get3A_34] : memref<2x1000x128xf32, #tpu.memory_space<vmem>>, vector<1x1000x128xf32>
    %get3A_36 = vector.shape_cast %get3A_35 : vector<1x1000x128xf32> to vector<1000x128xf32>
    %get3A_37 = arith.constant 1 : index
    %get3A_38 = arith.constant 0 : index
    %get3A_39 = arith.constant 0 : index
    %get3A_40 = vector.load %arg4[%get3A_37, %get3A_38, %get3A_39] : memref<2x1000x128xf32, #tpu.memory_space<vmem>>, vector<1x1000x128xf32>
    %get3A_41 = vector.shape_cast %get3A_40 : vector<1x1000x128xf32> to vector<1000x128xf32>
    %concatenate3A_42 = tpu.concatenate %get3A_26, %get3A_31, %get3A_36, %get3A_41 in 1 : vector<1000x128xf32>, vector<1000x128xf32>, vector<1000x128xf32>, vector<1000x128xf32> -> vector<1000x512xf32>
    %add3A = arith.addf %concatenate3A, %concatenate3A_42 : vector<1000x512xf32>
    %mul3A = vector.broadcast %get3A_1 : vector<1000x1xf32> to vector<1000x512xf32>
    %mul3A_43 = arith.mulf %add3A, %mul3A : vector<1000x512xf32>
    %get3A_44 = arith.constant 0 : index
    %get3A_45 = arith.constant 0 : index
    %get3A_46 = vector.load %arg6[%get3A_44, %get3A_45] : memref<1x512xf32, #tpu.memory_space<vmem>>, vector<1x512xf32>
    %add3A_47 = vector.broadcast %get3A_46 : vector<1x512xf32> to vector<1000x512xf32>
    %add3A_48 = arith.addf %mul3A_43, %add3A_47 : vector<1000x512xf32>
    %max3A = arith.constant 0.000000e+00 : f32
    %max3A_49 = vector.broadcast %max3A : f32 to vector<1000x512xf32>
    %max3A_50 = arith.maximumf %add3A_48, %max3A_49 : vector<1000x512xf32>
    %get3A_51 = arith.constant 0 : index
    %get3A_52 = arith.constant 0 : index
    %get3A_53 = vector.load %arg7[%get3A_51, %get3A_52] : memref<512x128xf32, #tpu.memory_space<vmem>>, vector<512x128xf32>
    %dot_general3A = arith.constant dense<0.000000e+00> : vector<1000x128xf32>
    %dot_general3A_54 = tpu.matmul %max3A_50, %get3A_53, %dot_general3A {dimension_numbers = #tpu.dot_dimension_numbers<[1], [0], [0], [1], [0, 0, 1, 1], [], []>, transpose_lhs_hint = false} : vector<1000x512xf32>, vector<512x128xf32>, vector<1000x128xf32> -> vector<1000x128xf32>
    %mul3A_55 = vector.broadcast %get3A_1 : vector<1000x1xf32> to vector<1000x128xf32>
    %mul3A_56 = arith.mulf %dot_general3A_54, %mul3A_55 : vector<1000x128xf32>
    %swap3A = arith.constant 0 : index
    %swap3A_57 = arith.constant 0 : index
    %swap3A_58 = vector.load %arg8[%swap3A, %swap3A_57] : memref<1000x128xf32, #tpu.memory_space<vmem>>, vector<1000x128xf32>
    tpu.vector_store %arg8[%swap3A, %swap3A_57], %mul3A_56 {strides = array<i32>} : memref<1000x128xf32, #tpu.memory_space<vmem>>, vector<1000x128xf32>,
    return
  }
  func.func @transform_0(%arg0: i32) -> (i32, i32, i32) {
    %c0_i32 = arith.constant 0 : i32
    %c0_i32_0 = arith.constant 0 : i32
    %c0_i32_1 = arith.constant 0 : i32
    return %c0_i32, %arg0, %c0_i32_0 : i32, i32, i32
  }
  func.func @transform_1(%arg0: i32) -> (i32, i32, i32) {
    %c0_i32 = arith.constant 0 : i32
    %c0_i32_0 = arith.constant 0 : i32
    %c0_i32_1 = arith.constant 0 : i32
    return %c0_i32, %arg0, %c0_i32_0 : i32, i32, i32
  }
  func.func @transform_2(%arg0: i32) -> (i32, i32, i32) {
    %c0_i32 = arith.constant 0 : i32
    %c0_i32_0 = arith.constant 0 : i32
    %c0_i32_1 = arith.constant 0 : i32
    return %c0_i32, %arg0, %c0_i32_0 : i32, i32, i32
  }
  func.func @transform_3(%arg0: i32) -> (i32, i32, i32) {
    %c0_i32 = arith.constant 0 : i32
    %c0_i32_0 = arith.constant 0 : i32
    %c0_i32_1 = arith.constant 0 : i32
    return %c0_i32, %arg0, %c0_i32_0 : i32, i32, i32
  }
  func.func @transform_4(%arg0: i32) -> (i32, i32) {
    %c0_i32 = arith.constant 0 : i32
    %c0_i32_0 = arith.constant 0 : i32
    return %arg0, %c0_i32 : i32, i32
  }
  func.func @transform_5(%arg0: i32) -> (i32, i32) {
    %c0_i32 = arith.constant 0 : i32
    %c0_i32_0 = arith.constant 0 : i32
    %c0_i32_1 = arith.constant 0 : i32
    return %c0_i32, %c0_i32_0 : i32, i32
  }
  func.func @transform_6(%arg0: i32) -> (i32, i32) {
    %c0_i32 = arith.constant 0 : i32
    %c0_i32_0 = arith.constant 0 : i32
    %c0_i32_1 = arith.constant 0 : i32
    return %c0_i32, %c0_i32_0 : i32, i32
  }
  func.func @transform_7(%arg0: i32) -> (i32, i32) {
    %c0_i32 = arith.constant 0 : i32
    %c0_i32_0 = arith.constant 0 : i32
    return %arg0, %c0_i32 : i32, i32
  }
}

module attributes {stable_mosaic.version = 14 : i64} {
  func.func @_tc3_body(%arg0: i32, %arg1: memref<2x1000x128xf32, #tpu.memory_space<vmem>>, %arg2: memref<1000x128xf32, #tpu.memory_space<vmem>>, %arg3: memref<1000x16xf32, #tpu.memory_space<vmem>>, %arg4: memref<1x64xf32, #tpu.memory_space<vmem>>, %arg5: memref<1000x64xf32, #tpu.memory_space<vmem>>) attributes {dimension_semantics = [#tpu.dimension_semantics<arbitrary>], iteration_bounds = array<i64: 10>, scalar_prefetch = 0 : i64, scratch_operands = 0 : i64, tpu.core_type = #tpu.core_type<tc>, window_params = [{transform_indices = @transform_0, window_bounds = array<i64: 2, 1000, 128>}, {transform_indices = @transform_1, window_bounds = array<i64: 1000, 128>}, {transform_indices = @transform_2, window_bounds = array<i64: 1000, 16>}, {pipeline_mode = #tpu.pipeline_mode<synchronous>, transform_indices = @transform_3, window_bounds = array<i64: 1, 64>}, {transform_indices = @transform_4, window_bounds = array<i64: 1000, 64>}]} {
    %get3A = arith.constant 0 : index
    %get3A_0 = arith.constant 0 : index
    %get3A_1 = vector.load %arg3[%get3A, %get3A_0] : memref<1000x16xf32, #tpu.memory_space<vmem>>, vector<1000x1xf32>
    %get3A_2 = arith.constant 0 : index
    %get3A_3 = arith.constant 0 : index
    %get3A_4 = arith.constant 0 : index
    %get3A_5 = vector.load %arg1[%get3A_2, %get3A_3, %get3A_4] : memref<2x1000x128xf32, #tpu.memory_space<vmem>>, vector<1x1000x128xf32>
    %get3A_6 = vector.shape_cast %get3A_5 : vector<1x1000x128xf32> to vector<1000x128xf32>
    %get3A_7 = arith.constant 1 : index
    %get3A_8 = arith.constant 0 : index
    %get3A_9 = arith.constant 0 : index
    %get3A_10 = vector.load %arg1[%get3A_7, %get3A_8, %get3A_9] : memref<2x1000x128xf32, #tpu.memory_space<vmem>>, vector<1x1000x128xf32>
    %get3A_11 = vector.shape_cast %get3A_10 : vector<1x1000x128xf32> to vector<1000x128xf32>
    %add3A = arith.addf %get3A_6, %get3A_11 : vector<1000x128xf32>
    %get3A_12 = arith.constant 0 : index
    %get3A_13 = arith.constant 0 : index
    %get3A_14 = vector.load %arg2[%get3A_12, %get3A_13] : memref<1000x128xf32, #tpu.memory_space<vmem>>, vector<1000x128xf32>
    %add3A_15 = arith.addf %add3A, %get3A_14 : vector<1000x128xf32>
    %mul3A = vector.broadcast %get3A_1 : vector<1000x1xf32> to vector<1000x128xf32>
    %mul3A_16 = arith.mulf %add3A_15, %mul3A : vector<1000x128xf32>
    %slice3A = vector.extract_strided_slice %mul3A_16 {offsets = [0, 0], sizes = [1000, 64], strides = [1, 1]} : vector<1000x128xf32> to vector<1000x64xf32>
    %get3A_17 = arith.constant 0 : index
    %get3A_18 = arith.constant 0 : index
    %get3A_19 = vector.load %arg4[%get3A_17, %get3A_18] : memref<1x64xf32, #tpu.memory_space<vmem>>, vector<1x64xf32>
    %add3A_20 = vector.broadcast %get3A_19 : vector<1x64xf32> to vector<1000x64xf32>
    %add3A_21 = arith.addf %slice3A, %add3A_20 : vector<1000x64xf32>
    %swap3A = arith.constant 0 : index
    %swap3A_22 = arith.constant 0 : index
    %swap3A_23 = vector.load %arg5[%swap3A, %swap3A_22] : memref<1000x64xf32, #tpu.memory_space<vmem>>, vector<1000x64xf32>
    tpu.vector_store %arg5[%swap3A, %swap3A_22], %add3A_21 {strides = array<i32>} : memref<1000x64xf32, #tpu.memory_space<vmem>>, vector<1000x64xf32>,
    return
  }
  func.func @transform_0(%arg0: i32) -> (i32, i32, i32) {
    %c0_i32 = arith.constant 0 : i32
    %c0_i32_0 = arith.constant 0 : i32
    %c0_i32_1 = arith.constant 0 : i32
    return %c0_i32, %arg0, %c0_i32_0 : i32, i32, i32
  }
  func.func @transform_1(%arg0: i32) -> (i32, i32) {
    %c0_i32 = arith.constant 0 : i32
    %c0_i32_0 = arith.constant 0 : i32
    return %arg0, %c0_i32 : i32, i32
  }
  func.func @transform_2(%arg0: i32) -> (i32, i32) {
    %c0_i32 = arith.constant 0 : i32
    %c0_i32_0 = arith.constant 0 : i32
    return %arg0, %c0_i32 : i32, i32
  }
  func.func @transform_3(%arg0: i32) -> (i32, i32) {
    %c0_i32 = arith.constant 0 : i32
    %c0_i32_0 = arith.constant 0 : i32
    %c0_i32_1 = arith.constant 0 : i32
    return %c0_i32, %c0_i32_0 : i32, i32
  }
  func.func @transform_4(%arg0: i32) -> (i32, i32) {
    %c0_i32 = arith.constant 0 : i32
    %c0_i32_0 = arith.constant 0 : i32
    return %arg0, %c0_i32 : i32, i32
  }
}

</mosaic_0001>

<sc_bundles>
// kernel: kernel.11.cloned.1.call-start
scs
__scs_entry_jumppad:
0x0: {  	(pc) =	sbr.rel $0x88, $3  }
0x1: {  	(tag) =	ssettag $0x0;
	lr =	simm.s32 $0x1  }
0x2: {  	[smem:$0x3F99] =	sst lr;
	_ =	strace $0xD0000000  }
0x3: {  	_ = 	snop  }
0x4: {  	_ = 	snop  }
0x5: {  	_ = 	snop  }
0x6: {  	_ = 	snop  }
0x7: {  	_ = 	snop  }
__scs_overlays_trampoline_lowered:
0x8: {  	[smem:$0x3FA8] =	sst s0  }
0x9: {  	[smem:$0x3FA9] =	sst s1  }
0xa: {  	[smem:$0x3FAA] =	sst s2  }
0xb: {  	[smem:$0x3FAB] =	sst s3  }
0xc: {  	[smem:$0x3FAC] =	sst s4  }
0xd: {  	[smem:$0x3FAD] =	sst s5  }
0xe: {  	[smem:$0x3FAE] =	sst s6  }
0xf: {  	[smem:$0x3FAF] =	sst s7  }
0x10: {  	[smem:$0x3FB0] =	sst s8  }
0x11: {  	[smem:$0x3FB1] =	sst s9;
	s0 =	simm.s32 @!p0 $0x0  }
0x12: {  	s1 =	sld [smem:$0x3F97];
	s0 =	simm.s32 @p0 $0x1  }
0x13: {  	[smem:$0x3FB2] =	sst s0;
	s0 =	simm.s32 @!p1 $0x0  }
0x14: {  	s2 =	sld [smem:$0x3F96];
	s0 =	simm.s32 @p1 $0x1  }
0x15: {  	[smem:$0x3FB3] =	sst s0;
	s0 =	simm.s32 @!p2 $0x0  }
0x16: {  	s3 =	sld [smem:$0x3FDB];
	s0 =	simm.s32 @p2 $0x1  }
0x17: {  	s4 =	simm.s32 $0x1BF5;
	[smem:$0x3FB5] =	sst s0  }
0x18: {  	s0 =	sld [smem:$0x3F98];
	_ =	swait.ge [sflag:s4], $0x0  }
0x19: {  	s7 =	sld [smem:$0x3F99]  }
0x1a: {  	s8 =	sadd.s32 $0xFFFFE003, lr  }
0x1b: {  	s9 =	sadd.s32 $0xFFFFFEF7, lr;
	s5 =	simm.s32 $0xFFFFFFFF;
	p2 =	slt.u32 s8, $0xFFFFF086  }
0x1c: {  	p1 =	slt.u32 s9, $0xF7A;
	s5 =	simm.s32 @!p2 $0x0  }
0x1d: {  	s5 =	simm.s32 @p1 $0x1;
	p0 =	seq.s32 s7, s2  }
0x1e: {  	s7 =	smul.u32 @!p0 $0xF7A, s2;
	p2 =	seq.s32 @!p0 s5, $0x0  }
0x1f: {  	s9 =	smul.u32 $0xF7A, s1;
	s8 =	simm.s32 @!p0 $0x1BF5;
	p2 =	por !p2, p0  }
0x20: {  	[sflag:s8] =	ssyncset.s32 @!p0 $0xFFFFF086;
	s6 =	sadd.s32 @!p0 s3, s7;
	s7 =	simm.s32 @!p0 $0x108  }
0x21: {  	s3 =	sadd.s32 s3, s9;
	s6 =	sadd.s32 @!p0 $0x88, s6;
	s7 =	simm.s32 @p2 $0x1082  }
0x22: {  	[simem:s7], [sflag:s8] =	dma.local @!p0 [hbm:s6], $0xF7A  }
0x23: {  	s9 =	sor.u32 $0xD0000000, s2;
	s6 =	simm.s32 $0x108;
	_ =	swait.ge @!p0 [sflag:s8], $0x0  }
0x24: {  	s3 =	sadd.s32 $0x88, s3;
	s6 =	simm.s32 @!p1 $0x1082;
	[sflag:s4] =	ssyncset.s32 $0xFFFFF086  }
0x25: {  	[simem:s6], [sflag:s4] =	dma.local [hbm:s3], $0xF7A  }
0x26: {  	[smem:$0x3F99] =	sst s1;
	(tag) =	ssettag s2;
	_ =	strace s9  }
0x27: {  	s1 =	sld [smem:$0x3FA9]  }
0x28: {  	s2 =	sld [smem:$0x3FAA]  }
0x29: {  	s4 =	sld [smem:$0x3FAC]  }
0x2a: {  	p0 =	seq.s32 s5, $0x0;
	s5 =	sld [smem:$0x3FAD]  }
0x2b: {  	s6 =	sld [smem:$0x3FAE]  }
0x2c: {  	s7 =	sld [smem:$0x3FAF]  }
0x2d: {  	s3 =	simm.s32 $0x108;
	s8 =	sld [smem:$0x3FB0]  }
0x2e: {  	s3 =	simm.s32 @!p0 $0x1082;
	s9 =	sld [smem:$0x3FB1]  }
0x2f: {  	lr =	sadd.s32 s0, s3;
	s0 =	sld [smem:$0x3FA8]  }
0x30: {  	s3 =	sld [smem:$0x3FAB]  }
0x31: {  	[smem:$0x3FB4] =	sst s10  }
0x32: {  	s10 =	sld [smem:$0x3FB2];
	_ =	sdelay $0x3  }
0x33: {  	p0 =	seq.s32 s10, $0x1;
	s10 =	sld [smem:$0x3FB4];
	_ =	sdelay $0x3  }
0x34: {  	[smem:$0x3FB4] =	sst s10  }
0x35: {  	s10 =	sld [smem:$0x3FB3];
	_ =	sdelay $0x3  }
0x36: {  	p1 =	seq.s32 s10, $0x1;
	s10 =	sld [smem:$0x3FB4];
	_ =	sdelay $0x3  }
0x37: {  	[smem:$0x3FB4] =	sst s10  }
0x38: {  	s10 =	sld [smem:$0x3FB5]  }
0x39: {  	_ = 	snop;
	(pc) =	sbr.ind lr, $3  }
0x3a: {  	_ = 	snop  }
0x3b: {  	_ = 	snop  }
0x3c: {  	p2 =	seq.s32 s10, $0x1;
	s10 =	sld [smem:$0x3FB4]  }
0x3d: {  	_ =	shalt  }
0x3e: {  	_ =	shalt  }
0x3f: {  	_ =	shalt  }
0x40: {  	_ =	shalt  }
0x41: {  	_ =	shalt  }
0x42: {  	_ =	shalt  }
0x43: {  	_ =	shalt  }
0x44: {  	_ =	shalt  }
0x45: {  	_ =	shalt  }
0x46: {  	_ =	shalt  }
0x47: {  	_ =	shalt  }
0x48: {  	_ =	shalt  }
0x49: {  	_ =	shalt  }
0x4a: {  	_ =	shalt  }
0x4b: {  	_ =	shalt  }
0x4c: {  	_ =	shalt  }
0x4d: {  	_ =	shalt  }
0x4e: {  	_ =	shalt  }
0x4f: {  	_ =	shalt  }
0x50: {  	_ =	shalt  }
0x51: {  	_ =	shalt  }
0x52: {  	_ =	shalt  }
0x53: {  	_ =	shalt  }
0x54: {  	_ =	shalt  }
0x55: {  	_ =	shalt  }
0x56: {  	_ =	shalt  }
0x57: {  	_ =	shalt  }
0x58: {  	_ =	shalt  }
0x59: {  	_ =	shalt  }
0x5a: {  	_ =	shalt  }
0x5b: {  	_ =	shalt  }
0x5c: {  	_ =	shalt  }
0x5d: {  	_ =	shalt  }
0x5e: {  	_ =	shalt  }
0x5f: {  	_ =	shalt  }
0x60: {  	_ =	shalt  }
0x61: {  	_ =	shalt  }
0x62: {  	_ =	shalt  }
0x63: {  	_ =	shalt  }
0x64: {  	_ =	shalt  }
0x65: {  	_ =	shalt  }
0x66: {  	_ =	shalt  }
0x67: {  	_ =	shalt  }
0x68: {  	_ =	shalt  }
0x69: {  	_ =	shalt  }
0x6a: {  	_ =	shalt  }
0x6b: {  	_ =	shalt  }
0x6c: {  	_ =	shalt  }
0x6d: {  	_ =	shalt  }
0x6e: {  	_ =	shalt  }
0x6f: {  	_ =	shalt  }
0x70: {  	_ =	shalt  }
0x71: {  	_ =	shalt  }
0x72: {  	_ =	shalt  }
0x73: {  	_ =	shalt  }
0x74: {  	_ =	shalt  }
0x75: {  	_ =	shalt  }
0x76: {  	_ =	shalt  }
0x77: {  	_ =	shalt  }
0x78: {  	_ =	shalt  }
0x79: {  	_ =	shalt  }
0x7a: {  	_ =	shalt  }
0x7b: {  	_ =	shalt  }
0x7c: {  	_ =	shalt  }
0x7d: {  	_ =	shalt  }
0x7e: {  	_ =	shalt  }
0x7f: {  	_ =	shalt  }
0x80: {  	_ =	shalt  }
0x81: {  	_ =	shalt  }
0x82: {  	_ =	shalt  }
0x83: {  	_ =	shalt  }
0x84: {  	_ =	shalt  }
0x85: {  	_ =	shalt  }
0x86: {  	_ =	shalt  }
0x87: {  	_ =	shalt  }
.Lfunc_end0:
.L_simem_size_0:
called_computation_lowered:
.L_overlay_start_0:
0x88: {  	s2 =	sld [smem:$0x3FD9]  }
0x89: {  	s3 =	sld [smem:$0x3FFE];
	_ =	sdelay $0x1  }
0x8a: {  	s1 =	srdreg.scid  }
0x8b: {  	s0 =	sand.u32 $0x1, s1  }
0x8c: {  	s16 =	sshll.u32 s0, $0xA;
	s2 =	sadd.s32 s3, s2  }
0x8d: {  	s2 =	sadd.s32 s2, s16  }
0x8e: {  	[smem:$0x3FC0] =	sst s2  }
0x8f: {  	_ = 	snop  }
0x90: {  	(tm) =	ssettm $0x1  }
0x91: {  	s17 =	sld [smem:$0x3FFB];
	_ =	sdelay $0x3  }
0x92: {  	_ =	strace s17  }
0x93: {  	s2 =	sld [smem:$0x3FFC];
	_ =	sdelay $0x3  }
0x94: {  	_ =	strace s2  }
0x95: {  	s2 =	sld [smem:$0x3FFD];
	_ =	sdelay $0x3  }
0x96: {  	_ =	strace s2  }
0x97: {  	_ =	strace $0x8FFFFFFF  }
0x98: {  	s18 =	sld [smem:$0x3FDB];
	_ =	sdelay $0x1  }
0x99: {  	s19 =	simm.s32 $_scs_section_size  }
0x9a: {  	s4 =	simm.s32 $_size__tile_overlayer_lowered;
	s5 =	simm.s32 $_tile_overlayer_lowered  }
0x9b: {  	s22 =	simm.s32 $0x1BFF;
	s21 =	sshll.u32 s5, $0x1;
	s2 =	sadd.s32 s19, s18  }
0x9c: {  	s6 =	simm.s32 $0x0;
	s20 =	sshll.u32 s4, $0x1;
	s4 =	sadd.s32 s21, s2  }
0x9d: {  	[timem:s6], [sflag:s22] =	dma.local [hbm:s4], s20  }
0x9e: {  	_ =	swait.ge [sflag:s22], s20  }
0x9f: {  	s3 =	ssub.s32 $0x0, s20;
	[sflag:s22] =	ssyncset.done $0x0  }
0xa0: {  	[sflag:s22] =	ssyncadd.s32 s3;
	_ =	sdelay $0x1  }
0xa1: {  	s23 =	simm.s32 $0x1B8B  }
0xa2: {  	_ =	swait.ge [sflag:s23], $0x1  }
0xa3: {  	[sflag:s23] =	ssyncset.done $0x0  }
0xa4: {  	s25 =	simm.s32 $0x1B8E;
	s24 =	sld [smem:$0x3FFE];
	[sflag:s23] =	ssyncadd.s32 $0xFFFFFFFF  }
0xa5: {  	s26 =	simm.s32 $execute0_lowered;
	[smem:$0x3FD2] =	sst s25  }
0xa6: {  	s4 =	sshll.u32 s26, $0x1;
	_ =	strace $0x80000046;
	[dreg:$0x1] =	wrdreg $0xFFFFFFFF  }
0xa7: {  	s28 =	simm.s32 $_size_execute0_lowered;
	s2 =	sadd.s32 s2, s4;
	[dreg:$0x0] =	wrdreg $0x0  }
0xa8: {  	s4 =	sshll.u32 s28, $0x1;
	[dreg:$0x2] =	wrdreg s2  }
0xa9: {  	[dreg:$0x3] =	wrdreg s4  }
0xaa: {  	[dreg:$0x4] =	wrdreg $0xC0  }
0xab: {  	_ =	task [dreg:s6], $0x5FFFF  }
0xac: {  	[dreg:$0x1] =	wrdreg $0xFFFFFFFF  }
0xad: {  	[dreg:$0x0] =	wrdreg $0x60  }
0xae: {  	[dreg:$0x2] =	wrdreg s24  }
0xaf: {  	[dreg:$0x3] =	wrdreg $0x28800  }
0xb0: {  	[dreg:$0x4] =	wrdreg $0x9  }
0xb1: {  	_ =	task.clear_ibuf [dreg:s6], $0x5FFFF;
	_ =	strace $0x90000046  }
0xb2: {  	s29 =	simm.s32 $0x9;
	_ =	strace $0x80000048  }
0xb3: {  	_ =	swait.ge [sflag:s29], $0x1  }
0xb4: {  	[sflag:s29] =	ssyncadd.s32 $0xFFFFFFFF  }
0xb5: {  	_ =	strace $0x90000048  }
0xb6: {  	_ =	sfence  }
0xb7: {  	s30 =	sld [smem:$0x0];
	_ =	sdelay $0x2  }
0xb8: {  	s31 =	sshll.u32 s1, $0xD;
	s1 =	sshrl.u32 s1, $0x2  }
0xb9: {  	s3 =	sand.u32 $0x4000, s31;
	s1 =	sadd.s32 s1, s30  }
0xba: {  	s0 =	sor.u32 s3, s0;
	s1 =	sshll.u32 s1, $0x11  }
0xbb: {  	s0 =	sor.u32 s1, s0  }
0xbc: {  	s0 =	sadd.s32 $0x8F2B, s0  }
0xbd: {  	[sflag:s0] =	ssyncadd.remote.s32 $0x1  }
0xbe: {  	_ =	sfence.sel $0xFFFF  }
0xbf: {  	[dreg:$0x0] =	wrdreg $0xFFFFFFFF;
	(pc) =	sbr.abs _section_cstart, $3  }
0xc0: {  	[dreg:$0x1] =	wrdreg $0xFFFFFFFF  }
0xc1: {  	_ =	task.clear_ibuf [dreg:s6], $0x2FFFF;
	_ =	strace $0x9FFFFFFF  }
0xc2: {  	(tm) =	ssettm $0x7FFFFFFF  }
0xc3: {  	_ =	shalt  }
tec
execute0_lowered:
.L_overlay_start_1:
0x0: {  	(tag) =	ssettag $0x1  }
0x1: {  	s6 =	rddreg [dreg:$0x0]  }
0x2: {  	s1 =	rddreg [dreg:$0x1]  }
0x3: {  	s2 =	simm.s32 $0x0;
	s5 =	srdreg.scid;
	s3 =	stileid.u32  }
0x4: {  	[smem:$0x7FF] =	sst s2;
	s9 =	sadd.s32 $0x2600, s6;
	s8 =	smul.u32 $0x50, s3  }
0x5: {  	s4 =	sadd.s32 $0x7600, s6;
	s17 =	sand.u32 $0x1, s5;
	s11 =	smul.u32 $0x4E000, s3  }
0x6: {  	s5 =	sadd.s32 $0x7C00, s6;
	s10 =	sadd.s32 $0xA400, s6;
	s28 =	smul.u32 $0x13800, s3  }
0x7: {  	s13 =	sadd.s32 $0x124800, s1;
	s16 =	smul.u32 $0xA, s3;
	p0 =	seq.s32 s3, $0xF  }
0x8: {  	s0 =	rddreg [dreg:$0x2];
	_ =	strace $0x80000047;
	s25 =	smul.u32 $0x138800, s17  }
0x9: {  	s7 =	ssub.s32 $0x2, s17;
	s30 =	smul.u32 $0xA0, s17;
	s13 =	sshrl.u32 @p0 s13, $0x3  }
0xa: {  	p1 =	sne.s32 s17, $0x0;
	s17 =	simm.s32 $0x0;
	s23 =	sshrl.u32 s7, $0x1  }
0xb: {  	s24 =	sshrl.u32 s8, $0x3;
	s26 =	sshrl.u32 s11, $0x2;
	s11 =	simm.s32 $0x80  }
0xc: {  	s12 =	ssub.s32 s7, s23;
	s6 =	sadd.s32 s9, s24;
	s15 =	sadd.s32 s26, s1  }
0xd: {  	s29 =	sadd.s32 s28, s25;
	s7 =	sshrl.u32 s25, $0x3;
	s31 =	sadd.s32 s30, s9  }
0xe: {  	s6 =	sadd.s32 $0x4D80, s6;
	s8 =	sshrl.u32 s29, $0x3;
	s14 =	sadd.s32 s10, s7  }
0xf: {  	s9 =	smax.u32 s12, $0x1;
	s12 =	simm.s32 $0x1;
	s15 =	sshrl.u32 @!p0 s15, $0x3  }
0x10: {  	s7 =	sadd.s32 s10, s8;
	s8 =	sadd.s32 $0x24900, s14;
	s14 =	sshll.u32 @!p0 s3, $0x6  }
0x11: {  	s10 =	sadd.s32 s16, s31;
	s16 =	simm.s32 $0x50;
	s14 =	sor.u32 @!p0 $0x1C01, s14  }
.LBB2_1:
0x12: {  	[tilespmem:s11], [sflag:$0x1] =	stream.linear.gather [hbm4b:s4+s2], $0x2800, $0x38;
	[tilespmem:$0x16100] =	vst v63  }
0x13: {  	_ =	swait.ge [sflag:s12], $0x2800  }
0x14: {  	[sflag:s12] =	ssyncset.done $0x0  }
0x15: {  	s18 =	simm.s32 @p0 $0x1FC1;
	[sflag:s12] =	ssyncadd.s32 $0xFFFFD800  }
0x16: {  	[spmem:s13], [sflag:s18] =	dma.local @p0 [hbm:s5], $0x2800  }
0x17: {  	s18 =	simm.s32 @p0 $0x1  }
0x18: {  	_ =	swait.ge @p0 [sflag:s18], $0x2800  }
0x19: {  	[sflag:s18] =	ssyncset.done @p0 $0x0  }
0x1a: {  	[sflag:s18] =	ssyncadd.s32 @p0 $0xFFFFD800;
	s18 =	simm.s32 @!p0 $0x1  }
0x1b: {  	[spmem:s15], [sflag:s14] =	dma.local @!p0 [hbm:s5], $0x2700  }
0x1c: {  	_ =	swait.ge @!p0 [sflag:s18], $0x2700  }
0x1d: {  	[sflag:s18] =	ssyncset.done @!p0 $0x0  }
0x1e: {  	[sflag:s18] =	ssyncadd.s32 @!p0 $0xFFFFD900  }
0x1f: {  	s31 =	sadd.s32 $0x0, s10;
	[bflag:$0x0] =	sbarrier.arrive $0xFFFF  }
0x20: {  	[tilespmem:s2], [sflag:$0x1] =	stream.linear.gather [hbm4b:s31+s2], $0x50, $0x38;
	[tilespmem:$0x16100] =	vst v63  }
0x21: {  	_ =	swait.ge [sflag:s12], $0x50  }
0x22: {  	[sflag:s12] =	ssyncset.done $0x0  }
0x23: {  	[sflag:s12] =	ssyncadd.s32 $0xFFFFFFB0  }
0x24: {  	[spmem:s1] =	stream.indirect.scatter.add.f32 [tilespmem:s11], [sflag:$0x1], $0x80, s2, s16, $0xb8;
	[tilespmem:$0x16100] =	vst v63  }
0x25: {  	_ =	swait.ge [sflag:s12], $0x2800  }
0x26: {  	s19 =	simm.s32 $0x280;
	s18 =	simm.s32 $0x140;
	[sflag:s12] =	ssyncset.done $0x0  }
.LBB2_2:
0x27: {  	s20 =	sadd.s32 s18, s10  }
0x28: {  	[sflag:s12] =	ssyncadd.s32 $0xFFFFD800;
	s18 =	smov.u32 s19;
	s21 =	sadd.s32 $0x140, s19  }
0x29: {  	[tilespmem:s2], [sflag:$0x1] =	stream.linear.gather [hbm4b:s20+s2], $0x50, $0x38;
	[tilespmem:$0x16100] =	vst v63  }
0x2a: {  	p2 =	sne.s32 s19, $0x4C40;
	_ =	swait.ge [sflag:s12], $0x50  }
.Ltmp0:
0x2b: {  	[sflag:s12] =	ssyncset.done $0x0;
	(pc) =	sbr.rel @p2 .LBB2_2-.Ltmp0, $4  }
0x2c: {  	[sflag:s12] =	ssyncadd.s32 $0xFFFFFFB0  }
0x2d: {  	[spmem:s1] =	stream.indirect.scatter.add.f32 [tilespmem:s11], [sflag:$0x1], $0x80, s2, s16, $0xb8;
	[tilespmem:$0x16100] =	vst v63  }
0x2e: {  	_ =	swait.ge [sflag:s12], $0x2800  }
0x2f: {  	s19 =	smov.u32 s21;
	[sflag:s12] =	ssyncset.done $0x0  }
0x30: {  	s18 =	sadd.s32 s18, s10;
	[sflag:s12] =	ssyncadd.s32 $0xFFFFD800  }
0x31: {  	[tilespmem:s2], [sflag:$0x1] =	stream.linear.gather [hbm4b:s18+s2], $0x50, $0x38;
	[tilespmem:$0x16100] =	vst v63  }
0x32: {  	_ =	swait.ge [sflag:s12], $0x50  }
0x33: {  	[sflag:s12] =	ssyncset.done $0x0  }
0x34: {  	[sflag:s12] =	ssyncadd.s32 $0xFFFFFFB0  }
0x35: {  	[spmem:s1] =	stream.indirect.scatter.add.f32 [tilespmem:s11], [sflag:$0x1], $0x80, s2, s16, $0xb8;
	[tilespmem:$0x16100] =	vst v63  }
0x36: {  	_ =	swait.ge [sflag:s12], $0x2800  }
0x37: {  	[sflag:s12] =	ssyncset.done $0x0  }
0x38: {  	s19 =	simm.s32 @!p1 $0x1;
	s18 =	simm.s32 @!p1 $0x0;
	[sflag:s12] =	ssyncadd.s32 $0xFFFFD800  }
0x39: {  	[tilespmem:s18], [sflag:$0x1] =	stream.linear.gather @!p1 [hbm4b:s6+s18], $0x50, $0x38;
	[tilespmem:$0x16100] =	vst v63  }
0x3a: {  	_ =	swait.ge @!p1 [sflag:s19], $0x50  }
0x3b: {  	[sflag:s19] =	ssyncset.done @!p1 $0x0  }
0x3c: {  	s20 =	simm.s32 @!p1 $0x50;
	s21 =	simm.s32 @!p1 $0x80;
	[sflag:s19] =	ssyncadd.s32 @!p1 $0xFFFFFFB0  }
0x3d: {  	[spmem:s1] =	stream.indirect.scatter.add.f32 @!p1 [tilespmem:s21], [sflag:$0x1], $0x80, s18, s20, $0xb8;
	[tilespmem:$0x16100] =	vst v63  }
0x3e: {  	_ =	swait.ge @!p1 [sflag:s19], $0x2800  }
0x3f: {  	[sflag:s19] =	ssyncset.done @!p1 $0x0  }
0x40: {  	[sflag:s19] =	ssyncadd.s32 @!p1 $0xFFFFD800  }
0x41: {  	s18 =	simm.s32 @p0 $0x1FC1;
	[bflag:$0x0] =	sbarrier.arrive $0xFFFF  }
0x42: {  	[hbm:s8], [sflag:s18] =	dma.local @p0 [spmem:s13], $0x2800  }
0x43: {  	s18 =	simm.s32 @p0 $0x1  }
0x44: {  	s17 =	sadd.s32 $0x1, s17;
	_ =	swait.ge @p0 [sflag:s18], $0x2800  }
0x45: {  	p2 =	sne.s32 s17, s9;
	[sflag:s18] =	ssyncset.done @p0 $0x0  }
.Ltmp1:
0x46: {  	[sflag:s18] =	ssyncadd.s32 @p0 $0xFFFFD800;
	s18 =	simm.s32 @!p0 $0x1;
	(pc) =	sbr.rel @p2 .LBB2_1-.Ltmp1, $4  }
0x47: {  	[hbm:s7], [sflag:s14] =	dma.local @!p0 [spmem:s15], $0x2700  }
0x48: {  	_ =	swait.ge @!p0 [sflag:s18], $0x2700  }
0x49: {  	[sflag:s18] =	ssyncset.done @!p0 $0x0  }
0x4a: {  	[sflag:s18] =	ssyncadd.s32 @!p0 $0xFFFFD900  }
0x4b: {  	_ =	sfence.sel $0x180000  }
0x4c: {  	[bflag:$0x0] =	sbarrier.arrive $0xFFFF  }
0x4d: {  	p0 =	sne.s32 s3, $0x0;
	_ =	strace $0x90000047  }
0x4e: {  	s0 =	sadd.s32 @!p0 $0x100000, s0;
	[bflag:$0x2] =	sbarrier.arrive $0xFFFF  }
0x4f: {  	[sflag:s0] =	ssyncadd.tile.s32 @!p0 $0x1;
	_ =	shalt  }
.Lfunc_end2:
_tile_overlayer_lowered:
.L_overlay_start_2:
0x50: {  	(tag) =	ssettag $0x2  }
0x51: {  	s0 =	rddreg [dreg:$0x0];
	s2 =	stileid.u32  }
0x52: {  	s1 =	rddreg [dreg:$0x1];
	p0 =	sne.s32 s2, $0x0  }
0x53: {  	s3 =	rddreg [dreg:$0x2];
	[bflag:$0x3] =	sbarrier.arrive $0xFFFF;
	s2 =	simm.s32 @!p0 $0x1C01  }
0x54: {  	[timem:s3], [sflag:s2] =	dma.local @!p0 [hbm:s0], s1  }
0x55: {  	s0 =	simm.s32 @!p0 $0x1  }
0x56: {  	_ =	swait.ge @!p0 [sflag:s0], s1  }
0x57: {  	s1 =	ssub.s32 @!p0 $0x0, s1;
	[sflag:s0] =	ssyncset.done @!p0 $0x0  }
0x58: {  	[sflag:s0] =	ssyncadd.s32 @!p0 s1  }
0x59: {  	[bflag:$0x3] =	sbarrier.arrive $0xFFFF  }
0x5a: {  	_ =	shalt  }

// kernel: kernel.14.cloned.1.call-start
scs
__scs_entry_jumppad:
0x0: {  	(pc) =	sbr.rel $0x88, $3  }
0x1: {  	(tag) =	ssettag $0x0;
	lr =	simm.s32 $0x1  }
0x2: {  	[smem:$0x3F99] =	sst lr;
	_ =	strace $0xD0000000  }
0x3: {  	_ = 	snop  }
0x4: {  	_ = 	snop  }
0x5: {  	_ = 	snop  }
0x6: {  	_ = 	snop  }
0x7: {  	_ = 	snop  }
__scs_overlays_trampoline_lowered:
0x8: {  	[smem:$0x3FA8] =	sst s0  }
0x9: {  	[smem:$0x3FA9] =	sst s1  }
0xa: {  	[smem:$0x3FAA] =	sst s2  }
0xb: {  	[smem:$0x3FAB] =	sst s3  }
0xc: {  	[smem:$0x3FAC] =	sst s4  }
0xd: {  	[smem:$0x3FAD] =	sst s5  }
0xe: {  	[smem:$0x3FAE] =	sst s6  }
0xf: {  	[smem:$0x3FAF] =	sst s7  }
0x10: {  	[smem:$0x3FB0] =	sst s8  }
0x11: {  	[smem:$0x3FB1] =	sst s9;
	s0 =	simm.s32 @!p0 $0x0  }
0x12: {  	s1 =	sld [smem:$0x3F97];
	s0 =	simm.s32 @p0 $0x1  }
0x13: {  	[smem:$0x3FB2] =	sst s0;
	s0 =	simm.s32 @!p1 $0x0  }
0x14: {  	s2 =	sld [smem:$0x3F96];
	s0 =	simm.s32 @p1 $0x1  }
0x15: {  	[smem:$0x3FB3] =	sst s0;
	s0 =	simm.s32 @!p2 $0x0  }
0x16: {  	s3 =	sld [smem:$0x3FDB];
	s0 =	simm.s32 @p2 $0x1  }
0x17: {  	s4 =	simm.s32 $0x1BF5;
	[smem:$0x3FB5] =	sst s0  }
0x18: {  	s0 =	sld [smem:$0x3F98];
	_ =	swait.ge [sflag:s4], $0x0  }
0x19: {  	s7 =	sld [smem:$0x3F99]  }
0x1a: {  	s8 =	sadd.s32 $0xFFFFE003, lr  }
0x1b: {  	s9 =	sadd.s32 $0xFFFFFEF7, lr;
	s5 =	simm.s32 $0xFFFFFFFF;
	p2 =	slt.u32 s8, $0xFFFFF086  }
0x1c: {  	p1 =	slt.u32 s9, $0xF7A;
	s5 =	simm.s32 @!p2 $0x0  }
0x1d: {  	s5 =	simm.s32 @p1 $0x1;
	p0 =	seq.s32 s7, s2  }
0x1e: {  	s7 =	smul.u32 @!p0 $0xF7A, s2;
	p2 =	seq.s32 @!p0 s5, $0x0  }
0x1f: {  	s9 =	smul.u32 $0xF7A, s1;
	s8 =	simm.s32 @!p0 $0x1BF5;
	p2 =	por !p2, p0  }
0x20: {  	[sflag:s8] =	ssyncset.s32 @!p0 $0xFFFFF086;
	s6 =	sadd.s32 @!p0 s3, s7;
	s7 =	simm.s32 @!p0 $0x108  }
0x21: {  	s3 =	sadd.s32 s3, s9;
	s6 =	sadd.s32 @!p0 $0x88, s6;
	s7 =	simm.s32 @p2 $0x1082  }
0x22: {  	[simem:s7], [sflag:s8] =	dma.local @!p0 [hbm:s6], $0xF7A  }
0x23: {  	s9 =	sor.u32 $0xD0000000, s2;
	s6 =	simm.s32 $0x108;
	_ =	swait.ge @!p0 [sflag:s8], $0x0  }
0x24: {  	s3 =	sadd.s32 $0x88, s3;
	s6 =	simm.s32 @!p1 $0x1082;
	[sflag:s4] =	ssyncset.s32 $0xFFFFF086  }
0x25: {  	[simem:s6], [sflag:s4] =	dma.local [hbm:s3], $0xF7A  }
0x26: {  	[smem:$0x3F99] =	sst s1;
	(tag) =	ssettag s2;
	_ =	strace s9  }
0x27: {  	s1 =	sld [smem:$0x3FA9]  }
0x28: {  	s2 =	sld [smem:$0x3FAA]  }
0x29: {  	s4 =	sld [smem:$0x3FAC]  }
0x2a: {  	p0 =	seq.s32 s5, $0x0;
	s5 =	sld [smem:$0x3FAD]  }
0x2b: {  	s6 =	sld [smem:$0x3FAE]  }
0x2c: {  	s7 =	sld [smem:$0x3FAF]  }
0x2d: {  	s3 =	simm.s32 $0x108;
	s8 =	sld [smem:$0x3FB0]  }
0x2e: {  	s3 =	simm.s32 @!p0 $0x1082;
	s9 =	sld [smem:$0x3FB1]  }
0x2f: {  	lr =	sadd.s32 s0, s3;
	s0 =	sld [smem:$0x3FA8]  }
0x30: {  	s3 =	sld [smem:$0x3FAB]  }
0x31: {  	[smem:$0x3FB4] =	sst s10  }
0x32: {  	s10 =	sld [smem:$0x3FB2];
	_ =	sdelay $0x3  }
0x33: {  	p0 =	seq.s32 s10, $0x1;
	s10 =	sld [smem:$0x3FB4];
	_ =	sdelay $0x3  }
0x34: {  	[smem:$0x3FB4] =	sst s10  }
0x35: {  	s10 =	sld [smem:$0x3FB3];
	_ =	sdelay $0x3  }
0x36: {  	p1 =	seq.s32 s10, $0x1;
	s10 =	sld [smem:$0x3FB4];
	_ =	sdelay $0x3  }
0x37: {  	[smem:$0x3FB4] =	sst s10  }
0x38: {  	s10 =	sld [smem:$0x3FB5]  }
0x39: {  	_ = 	snop;
	(pc) =	sbr.ind lr, $3  }
0x3a: {  	_ = 	snop  }
0x3b: {  	_ = 	snop  }
0x3c: {  	p2 =	seq.s32 s10, $0x1;
	s10 =	sld [smem:$0x3FB4]  }
0x3d: {  	_ =	shalt  }
0x3e: {  	_ =	shalt  }
0x3f: {  	_ =	shalt  }
0x40: {  	_ =	shalt  }
0x41: {  	_ =	shalt  }
0x42: {  	_ =	shalt  }
0x43: {  	_ =	shalt  }
0x44: {  	_ =	shalt  }
0x45: {  	_ =	shalt  }
0x46: {  	_ =	shalt  }
0x47: {  	_ =	shalt  }
0x48: {  	_ =	shalt  }
0x49: {  	_ =	shalt  }
0x4a: {  	_ =	shalt  }
0x4b: {  	_ =	shalt  }
0x4c: {  	_ =	shalt  }
0x4d: {  	_ =	shalt  }
0x4e: {  	_ =	shalt  }
0x4f: {  	_ =	shalt  }
0x50: {  	_ =	shalt  }
0x51: {  	_ =	shalt  }
0x52: {  	_ =	shalt  }
0x53: {  	_ =	shalt  }
0x54: {  	_ =	shalt  }
0x55: {  	_ =	shalt  }
0x56: {  	_ =	shalt  }
0x57: {  	_ =	shalt  }
0x58: {  	_ =	shalt  }
0x59: {  	_ =	shalt  }
0x5a: {  	_ =	shalt  }
0x5b: {  	_ =	shalt  }
0x5c: {  	_ =	shalt  }
0x5d: {  	_ =	shalt  }
0x5e: {  	_ =	shalt  }
0x5f: {  	_ =	shalt  }
0x60: {  	_ =	shalt  }
0x61: {  	_ =	shalt  }
0x62: {  	_ =	shalt  }
0x63: {  	_ =	shalt  }
0x64: {  	_ =	shalt  }
0x65: {  	_ =	shalt  }
0x66: {  	_ =	shalt  }
0x67: {  	_ =	shalt  }
0x68: {  	_ =	shalt  }
0x69: {  	_ =	shalt  }
0x6a: {  	_ =	shalt  }
0x6b: {  	_ =	shalt  }
0x6c: {  	_ =	shalt  }
0x6d: {  	_ =	shalt  }
0x6e: {  	_ =	shalt  }
0x6f: {  	_ =	shalt  }
0x70: {  	_ =	shalt  }
0x71: {  	_ =	shalt  }
0x72: {  	_ =	shalt  }
0x73: {  	_ =	shalt  }
0x74: {  	_ =	shalt  }
0x75: {  	_ =	shalt  }
0x76: {  	_ =	shalt  }
0x77: {  	_ =	shalt  }
0x78: {  	_ =	shalt  }
0x79: {  	_ =	shalt  }
0x7a: {  	_ =	shalt  }
0x7b: {  	_ =	shalt  }
0x7c: {  	_ =	shalt  }
0x7d: {  	_ =	shalt  }
0x7e: {  	_ =	shalt  }
0x7f: {  	_ =	shalt  }
0x80: {  	_ =	shalt  }
0x81: {  	_ =	shalt  }
0x82: {  	_ =	shalt  }
0x83: {  	_ =	shalt  }
0x84: {  	_ =	shalt  }
0x85: {  	_ =	shalt  }
0x86: {  	_ =	shalt  }
0x87: {  	_ =	shalt  }
.Lfunc_end0:
.L_simem_size_0:
called_computation.1_lowered:
.L_overlay_start_0:
0x88: {  	s2 =	sld [smem:$0x3FD9]  }
0x89: {  	s3 =	sld [smem:$0x3FFE];
	_ =	sdelay $0x1  }
0x8a: {  	s1 =	srdreg.scid  }
0x8b: {  	s0 =	sand.u32 $0x1, s1  }
0x8c: {  	s17 =	sshll.u32 s0, $0xA;
	s2 =	sadd.s32 s3, s2  }
0x8d: {  	s2 =	sadd.s32 s2, s17  }
0x8e: {  	[smem:$0x3FC0] =	sst s2  }
0x8f: {  	_ = 	snop  }
0x90: {  	s2 =	sld [smem:$0x3FD0];
	(tm) =	ssettm $0x1  }
0x91: {  	s18 =	sld [smem:$0x3FFB];
	_ =	sdelay $0x3  }
0x92: {  	_ =	strace s18  }
0x93: {  	s3 =	sld [smem:$0x3FFC];
	_ =	sdelay $0x3  }
0x94: {  	_ =	strace s3  }
0x95: {  	s3 =	sld [smem:$0x3FFD];
	_ =	sdelay $0x3  }
0x96: {  	_ =	strace s3  }
0x97: {  	_ =	strace $0x8FFFFFFF  }
0x98: {  	s19 =	sld [smem:$0x3FDB];
	_ =	sdelay $0x1  }
0x99: {  	s4 =	simm.s32 $_scs_section_size  }
0x9a: {  	s5 =	simm.s32 $_size__tile_overlayer_lowered;
	s6 =	simm.s32 $_tile_overlayer_lowered  }
0x9b: {  	s22 =	simm.s32 $0x1BFF;
	s21 =	sshll.u32 s6, $0x1;
	s3 =	sadd.s32 s4, s19  }
0x9c: {  	s7 =	simm.s32 $0x0;
	s20 =	sshll.u32 s5, $0x1;
	s5 =	sadd.s32 s21, s3  }
0x9d: {  	[timem:s7], [sflag:s22] =	dma.local [hbm:s5], s20  }
0x9e: {  	_ =	swait.ge [sflag:s22], s20  }
0x9f: {  	s4 =	ssub.s32 $0x0, s20;
	[sflag:s22] =	ssyncset.done $0x0  }
0xa0: {  	[sflag:s22] =	ssyncadd.s32 s4;
	_ =	sdelay $0x1  }
0xa1: {  	s23 =	simm.s32 $0x1B8B  }
0xa2: {  	_ =	swait.ge [sflag:s23], $0x1  }
0xa3: {  	[sflag:s23] =	ssyncset.done $0x0  }
0xa4: {  	s25 =	simm.s32 $0x1B8E;
	s24 =	sld [smem:$0x3FFE];
	[sflag:s23] =	ssyncadd.s32 $0xFFFFFFFF  }
0xa5: {  	s26 =	simm.s32 $execute0_lowered;
	[smem:$0x3FD2] =	sst s25  }
0xa6: {  	s5 =	sshll.u32 s26, $0x1;
	_ =	strace $0x80000049;
	[dreg:$0x1] =	wrdreg $0xFFFFFFFF  }
0xa7: {  	s28 =	simm.s32 $_size_execute0_lowered;
	s3 =	sadd.s32 s3, s5;
	[dreg:$0x0] =	wrdreg $0x0  }
0xa8: {  	s5 =	sshll.u32 s28, $0x1;
	[dreg:$0x2] =	wrdreg s3  }
0xa9: {  	[dreg:$0x3] =	wrdreg s5  }
0xaa: {  	[dreg:$0x4] =	wrdreg $0xC0  }
0xab: {  	_ =	task [dreg:s7], $0x5FFFF  }
0xac: {  	[dreg:$0x1] =	wrdreg $0xFFFFFFFF  }
0xad: {  	[dreg:$0x0] =	wrdreg $0x60  }
0xae: {  	[dreg:$0x2] =	wrdreg s24  }
0xaf: {  	[dreg:$0x3] =	wrdreg s2  }
0xb0: {  	[dreg:$0x4] =	wrdreg $0x29800  }
0xb1: {  	[dreg:$0x5] =	wrdreg $0x9  }
0xb2: {  	_ =	task.clear_ibuf [dreg:s7], $0x6FFFF;
	_ =	strace $0x90000049  }
0xb3: {  	s29 =	simm.s32 $0x9;
	_ =	strace $0x8000004B  }
0xb4: {  	_ =	swait.ge [sflag:s29], $0x1  }
0xb5: {  	[sflag:s29] =	ssyncadd.s32 $0xFFFFFFFF  }
0xb6: {  	_ =	strace $0x9000004B  }
0xb7: {  	_ =	sfence  }
0xb8: {  	s30 =	sld [smem:$0x0];
	_ =	sdelay $0x2  }
0xb9: {  	s31 =	sshll.u32 s1, $0xD;
	s1 =	sshrl.u32 s1, $0x2  }
0xba: {  	s3 =	sand.u32 $0x4000, s31;
	s1 =	sadd.s32 s1, s30  }
0xbb: {  	s0 =	sor.u32 s3, s0;
	s1 =	sshll.u32 s1, $0x11  }
0xbc: {  	s0 =	sor.u32 s1, s0  }
0xbd: {  	s0 =	sadd.s32 $0x8F2B, s0  }
0xbe: {  	[sflag:s0] =	ssyncadd.remote.s32 $0x1  }
0xbf: {  	_ =	sfence.sel $0xFFFF  }
0xc0: {  	[dreg:$0x0] =	wrdreg $0xFFFFFFFF;
	(pc) =	sbr.abs _section_cstart, $3  }
0xc1: {  	[dreg:$0x1] =	wrdreg $0xFFFFFFFF  }
0xc2: {  	_ =	task.clear_ibuf [dreg:s7], $0x2FFFF;
	_ =	strace $0x9FFFFFFF  }
0xc3: {  	(tm) =	ssettm $0x7FFFFFFF  }
tec
execute0_lowered:
.L_overlay_start_1:
0x0: {  	(tag) =	ssettag $0x1  }
0x1: {  	s6 =	rddreg [dreg:$0x0]  }
0x2: {  	s9 =	rddreg [dreg:$0x1]  }
0x3: {  	s2 =	rddreg [dreg:$0x2]  }
0x4: {  	s0 =	rddreg [dreg:$0x3]  }
0x5: {  	s3 =	simm.s32 $0x0;
	s1 =	stileid.u32;
	s5 =	srdreg.scid  }
0x6: {  	s16 =	simm.s32 $0x50;
	s17 =	simm.s32 $0x100;
	s19 =	simm.s32 $0x1  }
0x7: {  	s20 =	simm.s32 $0x0;
	[smem:$0x7FF] =	sst s3;
	s10 =	smul.u32 $0xA, s1  }
0x8: {  	s4 =	sadd.s32 $0xA400, s6;
	s7 =	sand.u32 $0x1, s5;
	s8 =	smul.u32 $0x4E000, s1  }
0x9: {  	s5 =	sadd.s32 $0x7C00, s6;
	s15 =	smul.u32 $0x13800, s1;
	p0 =	seq.s32 s1, $0xF  }
0xa: {  	_ =	strace $0x8000004A;
	s12 =	ssub.s32 $0x2, s7;
	s13 =	smul.u32 $0x138800, s7  }
0xb: {  	s18 =	smul.u32 $0x2710, s7;
	s11 =	sadd.s32 s10, s6;
	s14 =	sshrl.u32 s12, $0x1  }
0xc: {  	s6 =	sadd.s32 $0x58600, s6;
	s8 =	sshrl.u32 s8, $0x2;
	s9 =	sadd.s32 s10, s9  }
0xd: {  	s12 =	ssub.s32 s12, s14;
	s14 =	sadd.s32 s8, s2;
	s31 =	sadd.s32 s15, s13  }
0xe: {  	s13 =	sshrl.u32 s13, $0x3;
	s15 =	sadd.s32 $0x124800, s2;
	s10 =	sadd.s32 $0x2600, s11  }
0xf: {  	v0 =	vmov s18;
	s18 =	simm.s32 $0x180;
	s8 =	sshrl.u32 s31, $0x3;
	s13 =	sadd.s32 s6, s13  }
0x10: {  	s11 =	sshrl.u32 @p0 s15, $0x3;
	s15 =	simm.s32 $0x80;
	s6 =	sadd.s32 s6, s8  }
0x11: {  	s7 =	sadd.s32 $0x24900, s13;
	s8 =	smax.u32 s12, $0x1;
	s12 =	sshll.u32 @!p0 s1, $0x6  }
0x12: {  	s13 =	sshrl.u32 @!p0 s14, $0x3;
	s14 =	simm.s32 $0x2;
	s12 =	sor.u32 @!p0 $0x1C02, s12  }
.LBB2_1:
0x13: {  	s21 =	simm.s32 @p0 $0x1FC2  }
0x14: {  	[spmem:s11], [sflag:s21] =	dma.local @p0 [hbm:s5], $0x2800  }
0x15: {  	s21 =	simm.s32 @p0 $0x2  }
0x16: {  	_ =	swait.ge @p0 [sflag:s21], $0x2800  }
0x17: {  	[sflag:s21] =	ssyncset.done @p0 $0x0  }
0x18: {  	[sflag:s21] =	ssyncadd.s32 @p0 $0xFFFFD800;
	s21 =	simm.s32 @!p0 $0x2  }
0x19: {  	[spmem:s13], [sflag:s12] =	dma.local @!p0 [hbm:s5], $0x2700  }
0x1a: {  	_ =	swait.ge @!p0 [sflag:s21], $0x2700  }
0x1b: {  	[sflag:s21] =	ssyncset.done @!p0 $0x0  }
0x1c: {  	[sflag:s21] =	ssyncadd.s32 @!p0 $0xFFFFD900  }
0x1d: {  	s30 =	sadd.s32 $0x0, s9;
	[bflag:$0x0] =	sbarrier.arrive $0xFFFF  }
0x1e: {  	[tilespmem:s3], [sflag:$0x2] =	stream.linear.gather [hbm4b:s30+s3], $0x50, $0x38;
	[tilespmem:$0x16200] =	vst v63  }
0x1f: {  	_ =	swait.ge [sflag:s14], $0x50  }
0x20: {  	[sflag:s14] =	ssyncset.done $0x0  }
0x21: {  	s31 =	sadd.s32 $0x0, s10;
	[sflag:s14] =	ssyncadd.s32 $0xFFFFFFB0  }
0x22: {  	[tilespmem:s15], [sflag:$0x2] =	stream.linear.gather [hbm4b:s31+s3], $0x50, $0x38;
	[tilespmem:$0x16200] =	vst v63  }
0x23: {  	_ =	swait.ge [sflag:s14], $0x50  }
0x24: {  	[sflag:s14] =	ssyncset.done $0x0  }
0x25: {  	[sflag:s14] =	ssyncadd.s32 $0xFFFFFFB0  }
0x26: {  	v1 =	vld [tilespmem:$0x40]  }
0x27: {  	v2 =	vld [tilespmem:$0x20]  }
0x28: {  	v3 =	vld [tilespmem:$0x30]  }
0x29: {  	v4 =	vld [tilespmem:$0x10]  }
0x2a: {  	v5 =	vld [tilespmem:$0x0]  }
0x2b: {  	v1 =	vadd.s32 v0, v1  }
0x2c: {  	v2 =	vadd.s32 v0, v2;
	[tilespmem:$0x140] =	vst v1  }
0x2d: {  	[tilespmem:$0x120] =	vst v2;
	v1 =	vadd.s32 v0, v3  }
0x2e: {  	v2 =	vadd.s32 v0, v4;
	[tilespmem:$0x130] =	vst v1  }
0x2f: {  	v1 =	vadd.s32 v0, v5;
	[tilespmem:$0x110] =	vst v2  }
0x30: {  	[tilespmem:$0x100] =	vst v1  }
0x31: {  	[tilespmem:s18], [sflag:$0x1] =	stream.indirect.gather [hbm4b:s4+s16], $0x80, s17, s16, $0xb8;
	[tilespmem:$0x16200] =	vst v63  }
0x32: {  	_ =	swait.ge [sflag:s19], $0x2800  }
0x33: {  	s21 =	simm.s32 $0xA0;
	[sflag:s19] =	ssyncset.done $0x0  }
.LBB2_2:
0x34: {  	p1 =	sne.s32 s21, $0x4D80  }
0x35: {  	[sflag:s19] =	ssyncadd.s32 $0xFFFFD800;
	s22 =	smov.u32 s21;
	s21 =	sadd.s32 $0xA0, s21  }
0x36: {  	[spmem:s2] =	stream.indirect.scatter.add.f32 [tilespmem:s18], [sflag:$0x2], $0x80, s15, s16, $0xb8;
	[tilespmem:$0x16200] =	vst v63  }
0x37: {  	_ =	swait.ge [sflag:s14], $0x2800  }
0x38: {  	[sflag:s14] =	ssyncset.done $0x0  }
0x39: {  	s23 =	sadd.s32 s22, s9;
	[sflag:s14] =	ssyncadd.s32 $0xFFFFD800  }
0x3a: {  	[tilespmem:s3], [sflag:$0x2] =	stream.linear.gather [hbm4b:s23+s3], $0x50, $0x38;
	[tilespmem:$0x16200] =	vst v63  }
0x3b: {  	_ =	swait.ge [sflag:s14], $0x50  }
0x3c: {  	[sflag:s14] =	ssyncset.done $0x0  }
0x3d: {  	s22 =	sadd.s32 s22, s10;
	[sflag:s14] =	ssyncadd.s32 $0xFFFFFFB0  }
0x3e: {  	[tilespmem:s15], [sflag:$0x2] =	stream.linear.gather [hbm4b:s22+s3], $0x50, $0x38;
	[tilespmem:$0x16200] =	vst v63  }
0x3f: {  	_ =	swait.ge [sflag:s14], $0x50  }
0x40: {  	[sflag:s14] =	ssyncset.done $0x0  }
0x41: {  	[sflag:s14] =	ssyncadd.s32 $0xFFFFFFB0  }
0x42: {  	v1 =	vld [tilespmem:$0x40]  }
0x43: {  	v2 =	vld [tilespmem:$0x20]  }
0x44: {  	v3 =	vld [tilespmem:$0x30]  }
0x45: {  	v4 =	vld [tilespmem:$0x10]  }
0x46: {  	v5 =	vld [tilespmem:$0x0]  }
0x47: {  	v1 =	vadd.s32 v0, v1  }
0x48: {  	v2 =	vadd.s32 v0, v2;
	[tilespmem:$0x140] =	vst v1  }
0x49: {  	[tilespmem:$0x120] =	vst v2;
	v1 =	vadd.s32 v0, v3  }
0x4a: {  	v2 =	vadd.s32 v0, v4;
	[tilespmem:$0x130] =	vst v1  }
.Ltmp0:
0x4b: {  	v1 =	vadd.s32 v0, v5;
	[tilespmem:$0x110] =	vst v2;
	(pc) =	sbr.rel @p1 .LBB2_2-.Ltmp0, $4  }
0x4c: {  	[tilespmem:$0x100] =	vst v1  }
0x4d: {  	[tilespmem:s18], [sflag:$0x1] =	stream.indirect.gather [hbm4b:s4+s16], $0x80, s17, s16, $0xb8;
	[tilespmem:$0x16200] =	vst v63  }
0x4e: {  	_ =	swait.ge [sflag:s19], $0x2800  }
0x4f: {  	[sflag:s19] =	ssyncset.done $0x0  }
0x50: {  	[sflag:s19] =	ssyncadd.s32 $0xFFFFD800  }
0x51: {  	[spmem:s2] =	stream.indirect.scatter.add.f32 [tilespmem:s18], [sflag:$0x2], $0x80, s15, s16, $0xb8;
	[tilespmem:$0x16200] =	vst v63  }
0x52: {  	_ =	swait.ge [sflag:s14], $0x2800  }
0x53: {  	[sflag:s14] =	ssyncset.done $0x0  }
0x54: {  	[sflag:s14] =	ssyncadd.s32 $0xFFFFD800  }
0x55: {  	s21 =	simm.s32 @p0 $0x1FC2;
	[bflag:$0x0] =	sbarrier.arrive $0xFFFF  }
0x56: {  	[hbm:s7], [sflag:s21] =	dma.local @p0 [spmem:s11], $0x2800  }
0x57: {  	s21 =	simm.s32 @p0 $0x2  }
0x58: {  	s20 =	sadd.s32 $0x1, s20;
	_ =	swait.ge @p0 [sflag:s21], $0x2800  }
0x59: {  	p1 =	sne.s32 s20, s8;
	[sflag:s21] =	ssyncset.done @p0 $0x0  }
.Ltmp1:
0x5a: {  	[sflag:s21] =	ssyncadd.s32 @p0 $0xFFFFD800;
	s21 =	simm.s32 @!p0 $0x2;
	(pc) =	sbr.rel @p1 .LBB2_1-.Ltmp1, $4  }
0x5b: {  	[hbm:s6], [sflag:s12] =	dma.local @!p0 [spmem:s13], $0x2700  }
0x5c: {  	_ =	swait.ge @!p0 [sflag:s21], $0x2700  }
0x5d: {  	[sflag:s21] =	ssyncset.done @!p0 $0x0  }
0x5e: {  	[sflag:s21] =	ssyncadd.s32 @!p0 $0xFFFFD900  }
0x5f: {  	_ =	sfence.sel $0x180000  }
0x60: {  	[bflag:$0x0] =	sbarrier.arrive $0xFFFF  }
0x61: {  	p0 =	sne.s32 s1, $0x0;
	_ =	strace $0x9000004A  }
0x62: {  	s0 =	sadd.s32 @!p0 $0x100000, s0;
	[bflag:$0x2] =	sbarrier.arrive $0xFFFF  }
0x63: {  	[sflag:s0] =	ssyncadd.tile.s32 @!p0 $0x1;
	_ =	shalt  }
.Lfunc_end2:
_tile_overlayer_lowered:
.L_overlay_start_2:
0x64: {  	(tag) =	ssettag $0x2  }
0x65: {  	s0 =	rddreg [dreg:$0x0];
	s2 =	stileid.u32  }
0x66: {  	s1 =	rddreg [dreg:$0x1];
	p0 =	sne.s32 s2, $0x0  }
0x67: {  	s3 =	rddreg [dreg:$0x2];
	[bflag:$0x3] =	sbarrier.arrive $0xFFFF;
	s2 =	simm.s32 @!p0 $0x1C02  }
0x68: {  	[timem:s3], [sflag:s2] =	dma.local @!p0 [hbm:s0], s1  }
0x69: {  	s0 =	simm.s32 @!p0 $0x2  }
0x6a: {  	_ =	swait.ge @!p0 [sflag:s0], s1  }
0x6b: {  	s1 =	ssub.s32 @!p0 $0x0, s1;
	[sflag:s0] =	ssyncset.done @!p0 $0x0  }
0x6c: {  	[sflag:s0] =	ssyncadd.s32 @!p0 s1  }
0x6d: {  	[bflag:$0x3] =	sbarrier.arrive $0xFFFF  }
0x6e: {  	_ =	shalt  }

// kernel: kernel.17.cloned.1.call-start
scs
__scs_entry_jumppad:
0x0: {  	(pc) =	sbr.rel $0x88, $3  }
0x1: {  	(tag) =	ssettag $0x0;
	lr =	simm.s32 $0x1  }
0x2: {  	[smem:$0x3F99] =	sst lr;
	_ =	strace $0xD0000000  }
0x3: {  	_ = 	snop  }
0x4: {  	_ = 	snop  }
0x5: {  	_ = 	snop  }
0x6: {  	_ = 	snop  }
0x7: {  	_ = 	snop  }
__scs_overlays_trampoline_lowered:
0x8: {  	[smem:$0x3FA8] =	sst s0  }
0x9: {  	[smem:$0x3FA9] =	sst s1  }
0xa: {  	[smem:$0x3FAA] =	sst s2  }
0xb: {  	[smem:$0x3FAB] =	sst s3  }
0xc: {  	[smem:$0x3FAC] =	sst s4  }
0xd: {  	[smem:$0x3FAD] =	sst s5  }
0xe: {  	[smem:$0x3FAE] =	sst s6  }
0xf: {  	[smem:$0x3FAF] =	sst s7  }
0x10: {  	[smem:$0x3FB0] =	sst s8  }
0x11: {  	[smem:$0x3FB1] =	sst s9;
	s0 =	simm.s32 @!p0 $0x0  }
0x12: {  	s1 =	sld [smem:$0x3F97];
	s0 =	simm.s32 @p0 $0x1  }
0x13: {  	[smem:$0x3FB2] =	sst s0;
	s0 =	simm.s32 @!p1 $0x0  }
0x14: {  	s2 =	sld [smem:$0x3F96];
	s0 =	simm.s32 @p1 $0x1  }
0x15: {  	[smem:$0x3FB3] =	sst s0;
	s0 =	simm.s32 @!p2 $0x0  }
0x16: {  	s3 =	sld [smem:$0x3FDB];
	s0 =	simm.s32 @p2 $0x1  }
0x17: {  	s4 =	simm.s32 $0x1BF5;
	[smem:$0x3FB5] =	sst s0  }
0x18: {  	s0 =	sld [smem:$0x3F98];
	_ =	swait.ge [sflag:s4], $0x0  }
0x19: {  	s7 =	sld [smem:$0x3F99]  }
0x1a: {  	s8 =	sadd.s32 $0xFFFFE003, lr  }
0x1b: {  	s9 =	sadd.s32 $0xFFFFFEF7, lr;
	s5 =	simm.s32 $0xFFFFFFFF;
	p2 =	slt.u32 s8, $0xFFFFF086  }
0x1c: {  	p1 =	slt.u32 s9, $0xF7A;
	s5 =	simm.s32 @!p2 $0x0  }
0x1d: {  	s5 =	simm.s32 @p1 $0x1;
	p0 =	seq.s32 s7, s2  }
0x1e: {  	s7 =	smul.u32 @!p0 $0xF7A, s2;
	p2 =	seq.s32 @!p0 s5, $0x0  }
0x1f: {  	s9 =	smul.u32 $0xF7A, s1;
	s8 =	simm.s32 @!p0 $0x1BF5;
	p2 =	por !p2, p0  }
0x20: {  	[sflag:s8] =	ssyncset.s32 @!p0 $0xFFFFF086;
	s6 =	sadd.s32 @!p0 s3, s7;
	s7 =	simm.s32 @!p0 $0x108  }
0x21: {  	s3 =	sadd.s32 s3, s9;
	s6 =	sadd.s32 @!p0 $0x88, s6;
	s7 =	simm.s32 @p2 $0x1082  }
0x22: {  	[simem:s7], [sflag:s8] =	dma.local @!p0 [hbm:s6], $0xF7A  }
0x23: {  	s9 =	sor.u32 $0xD0000000, s2;
	s6 =	simm.s32 $0x108;
	_ =	swait.ge @!p0 [sflag:s8], $0x0  }
0x24: {  	s3 =	sadd.s32 $0x88, s3;
	s6 =	simm.s32 @!p1 $0x1082;
	[sflag:s4] =	ssyncset.s32 $0xFFFFF086  }
0x25: {  	[simem:s6], [sflag:s4] =	dma.local [hbm:s3], $0xF7A  }
0x26: {  	[smem:$0x3F99] =	sst s1;
	(tag) =	ssettag s2;
	_ =	strace s9  }
0x27: {  	s1 =	sld [smem:$0x3FA9]  }
0x28: {  	s2 =	sld [smem:$0x3FAA]  }
0x29: {  	s4 =	sld [smem:$0x3FAC]  }
0x2a: {  	p0 =	seq.s32 s5, $0x0;
	s5 =	sld [smem:$0x3FAD]  }
0x2b: {  	s6 =	sld [smem:$0x3FAE]  }
0x2c: {  	s7 =	sld [smem:$0x3FAF]  }
0x2d: {  	s3 =	simm.s32 $0x108;
	s8 =	sld [smem:$0x3FB0]  }
0x2e: {  	s3 =	simm.s32 @!p0 $0x1082;
	s9 =	sld [smem:$0x3FB1]  }
0x2f: {  	lr =	sadd.s32 s0, s3;
	s0 =	sld [smem:$0x3FA8]  }
0x30: {  	s3 =	sld [smem:$0x3FAB]  }
0x31: {  	[smem:$0x3FB4] =	sst s10  }
0x32: {  	s10 =	sld [smem:$0x3FB2];
	_ =	sdelay $0x3  }
0x33: {  	p0 =	seq.s32 s10, $0x1;
	s10 =	sld [smem:$0x3FB4];
	_ =	sdelay $0x3  }
0x34: {  	[smem:$0x3FB4] =	sst s10  }
0x35: {  	s10 =	sld [smem:$0x3FB3];
	_ =	sdelay $0x3  }
0x36: {  	p1 =	seq.s32 s10, $0x1;
	s10 =	sld [smem:$0x3FB4];
	_ =	sdelay $0x3  }
0x37: {  	[smem:$0x3FB4] =	sst s10  }
0x38: {  	s10 =	sld [smem:$0x3FB5]  }
0x39: {  	_ = 	snop;
	(pc) =	sbr.ind lr, $3  }
0x3a: {  	_ = 	snop  }
0x3b: {  	_ = 	snop  }
0x3c: {  	p2 =	seq.s32 s10, $0x1;
	s10 =	sld [smem:$0x3FB4]  }
0x3d: {  	_ =	shalt  }
0x3e: {  	_ =	shalt  }
0x3f: {  	_ =	shalt  }
0x40: {  	_ =	shalt  }
0x41: {  	_ =	shalt  }
0x42: {  	_ =	shalt  }
0x43: {  	_ =	shalt  }
0x44: {  	_ =	shalt  }
0x45: {  	_ =	shalt  }
0x46: {  	_ =	shalt  }
0x47: {  	_ =	shalt  }
0x48: {  	_ =	shalt  }
0x49: {  	_ =	shalt  }
0x4a: {  	_ =	shalt  }
0x4b: {  	_ =	shalt  }
0x4c: {  	_ =	shalt  }
0x4d: {  	_ =	shalt  }
0x4e: {  	_ =	shalt  }
0x4f: {  	_ =	shalt  }
0x50: {  	_ =	shalt  }
0x51: {  	_ =	shalt  }
0x52: {  	_ =	shalt  }
0x53: {  	_ =	shalt  }
0x54: {  	_ =	shalt  }
0x55: {  	_ =	shalt  }
0x56: {  	_ =	shalt  }
0x57: {  	_ =	shalt  }
0x58: {  	_ =	shalt  }
0x59: {  	_ =	shalt  }
0x5a: {  	_ =	shalt  }
0x5b: {  	_ =	shalt  }
0x5c: {  	_ =	shalt  }
0x5d: {  	_ =	shalt  }
0x5e: {  	_ =	shalt  }
0x5f: {  	_ =	shalt  }
0x60: {  	_ =	shalt  }
0x61: {  	_ =	shalt  }
0x62: {  	_ =	shalt  }
0x63: {  	_ =	shalt  }
0x64: {  	_ =	shalt  }
0x65: {  	_ =	shalt  }
0x66: {  	_ =	shalt  }
0x67: {  	_ =	shalt  }
0x68: {  	_ =	shalt  }
0x69: {  	_ =	shalt  }
0x6a: {  	_ =	shalt  }
0x6b: {  	_ =	shalt  }
0x6c: {  	_ =	shalt  }
0x6d: {  	_ =	shalt  }
0x6e: {  	_ =	shalt  }
0x6f: {  	_ =	shalt  }
0x70: {  	_ =	shalt  }
0x71: {  	_ =	shalt  }
0x72: {  	_ =	shalt  }
0x73: {  	_ =	shalt  }
0x74: {  	_ =	shalt  }
0x75: {  	_ =	shalt  }
0x76: {  	_ =	shalt  }
0x77: {  	_ =	shalt  }
0x78: {  	_ =	shalt  }
0x79: {  	_ =	shalt  }
0x7a: {  	_ =	shalt  }
0x7b: {  	_ =	shalt  }
0x7c: {  	_ =	shalt  }
0x7d: {  	_ =	shalt  }
0x7e: {  	_ =	shalt  }
0x7f: {  	_ =	shalt  }
0x80: {  	_ =	shalt  }
0x81: {  	_ =	shalt  }
0x82: {  	_ =	shalt  }
0x83: {  	_ =	shalt  }
0x84: {  	_ =	shalt  }
0x85: {  	_ =	shalt  }
0x86: {  	_ =	shalt  }
0x87: {  	_ =	shalt  }
.Lfunc_end0:
.L_simem_size_0:
called_computation.2_lowered:
.L_overlay_start_0:
0x88: {  	s2 =	sld [smem:$0x3FD9]  }
0x89: {  	s3 =	sld [smem:$0x3FFE];
	_ =	sdelay $0x1  }
0x8a: {  	s1 =	srdreg.scid  }
0x8b: {  	s0 =	sand.u32 $0x1, s1  }
0x8c: {  	s17 =	sshll.u32 s0, $0xA;
	s2 =	sadd.s32 s3, s2  }
0x8d: {  	s2 =	sadd.s32 s2, s17  }
0x8e: {  	[smem:$0x3FC0] =	sst s2  }
0x8f: {  	_ = 	snop  }
0x90: {  	s18 =	sld [smem:$0x3FD0];
	(tm) =	ssettm $0x1  }
0x91: {  	s19 =	sld [smem:$0x3FFB];
	_ =	sdelay $0x3  }
0x92: {  	_ =	strace s19  }
0x93: {  	s2 =	sld [smem:$0x3FFC];
	_ =	sdelay $0x3  }
0x94: {  	_ =	strace s2  }
0x95: {  	s2 =	sld [smem:$0x3FFD];
	_ =	sdelay $0x3  }
0x96: {  	_ =	strace s2  }
0x97: {  	_ =	strace $0x8FFFFFFF  }
0x98: {  	s20 =	sld [smem:$0x3FDB];
	_ =	sdelay $0x1  }
0x99: {  	s4 =	simm.s32 $_scs_section_size  }
0x9a: {  	s5 =	simm.s32 $_size__tile_overlayer_lowered;
	s6 =	simm.s32 $_tile_overlayer_lowered  }
0x9b: {  	s7 =	simm.s32 $0x1BFF;
	s21 =	sshll.u32 s6, $0x1;
	s4 =	sadd.s32 s4, s20  }
0x9c: {  	s22 =	simm.s32 $0x0;
	s5 =	sshll.u32 s5, $0x1;
	s6 =	sadd.s32 s21, s4  }
0x9d: {  	[timem:s22], [sflag:s7] =	dma.local [hbm:s6], s5  }
0x9e: {  	_ =	swait.ge [sflag:s7], s5  }
0x9f: {  	s5 =	ssub.s32 $0x0, s5;
	[sflag:s7] =	ssyncset.done $0x0  }
0xa0: {  	[sflag:s7] =	ssyncadd.s32 s5;
	_ =	sdelay $0x1  }
0xa1: {  	s23 =	simm.s32 $0x1B8B  }
0xa2: {  	_ =	swait.ge [sflag:s23], $0x1  }
0xa3: {  	[sflag:s23] =	ssyncset.done $0x0  }
0xa4: {  	[sflag:s23] =	ssyncadd.s32 $0xFFFFFFFF  }
0xa5: {  	s5 =	sld [smem:$0x0]  }
0xa6: {  	s6 =	sand.u32 $0xFFFFFFFE, s1  }
0xa7: {  	p0 =	sne.s32 s1, s6  }
0xa8: {  	s6 =	sshll.u32 @p0 s6, $0xE  }
0xa9: {  	s6 =	sadd.s32 @p0 $0x11B8D, s6;
	s7 =	sshll.u32 @p0 s5, $0x11  }
0xaa: {  	s6 =	sor.u32 @p0 s7, s6  }
0xab: {  	[sflag:s6] =	ssyncadd.remote.s32 @p0 $0x1;
	_ =	sdelay $0x1  }
0xac: {  	s6 =	simm.s32 @p0 $0x1B8D  }
0xad: {  	_ =	swait.eq @p0 [sflag:s6], $0x1  }
0xae: {  	[sflag:s6] =	ssyncadd.s32 @p0 $0xFFFFFFFF  }
0xaf: {  	s7 =	sshll.u32 @!p0 s1, $0xE  }
0xb0: {  	s7 =	sor.u32 @!p0 $0x4000, s7;
	s6 =	simm.s32 @!p0 $0x1B8D  }
0xb1: {  	s5 =	sshll.u32 @!p0 s5, $0x11;
	s7 =	sadd.s32 @!p0 $0x11B8D, s7;
	_ =	swait.eq @!p0 [sflag:s6], $0x1  }
0xb2: {  	s5 =	sor.u32 @!p0 s5, s7;
	[sflag:s6] =	ssyncadd.s32 @!p0 $0xFFFFFFFF  }
0xb3: {  	s25 =	simm.s32 $0x1B8E;
	s24 =	sld [smem:$0x3FFE];
	[sflag:s5] =	ssyncadd.remote.s32 @!p0 $0x1  }
0xb4: {  	s26 =	simm.s32 $execute0_lowered;
	[smem:$0x3FD2] =	sst s25  }
0xb5: {  	s6 =	sshll.u32 s26, $0x1;
	_ =	strace $0x8000004F;
	[dreg:$0x1] =	wrdreg $0xFFFFFFFF  }
0xb6: {  	s28 =	simm.s32 $_size_execute0_lowered;
	s4 =	sadd.s32 s4, s6;
	[dreg:$0x0] =	wrdreg $0x0  }
0xb7: {  	s6 =	sshll.u32 s28, $0x1;
	[dreg:$0x2] =	wrdreg s4  }
0xb8: {  	[dreg:$0x3] =	wrdreg s6  }
0xb9: {  	[dreg:$0x4] =	wrdreg $0xC0  }
0xba: {  	_ =	task [dreg:s22], $0x5FFFF  }
0xbb: {  	[dreg:$0x1] =	wrdreg $0xFFFFFFFF  }
0xbc: {  	[dreg:$0x0] =	wrdreg $0x60  }
0xbd: {  	[dreg:$0x2] =	wrdreg s24  }
0xbe: {  	[dreg:$0x3] =	wrdreg s18  }
0xbf: {  	[dreg:$0x4] =	wrdreg $0x29800  }
0xc0: {  	[dreg:$0x5] =	wrdreg $0x9  }
0xc1: {  	_ =	task.clear_ibuf [dreg:s22], $0x6FFFF;
	_ =	strace $0x9000004F  }
0xc2: {  	s29 =	simm.s32 $0x9;
	_ =	strace $0x80000051  }
0xc3: {  	_ =	swait.ge [sflag:s29], $0x1  }
0xc4: {  	[sflag:s29] =	ssyncadd.s32 $0xFFFFFFFF  }
0xc5: {  	_ =	strace $0x90000051  }
0xc6: {  	_ =	sfence  }
0xc7: {  	s30 =	sld [smem:$0x0];
	_ =	sdelay $0x2  }
0xc8: {  	s31 =	sshll.u32 s1, $0xD;
	s1 =	sshrl.u32 s1, $0x2  }
0xc9: {  	s4 =	sand.u32 $0x4000, s31;
	s1 =	sadd.s32 s1, s30  }
0xca: {  	s0 =	sor.u32 s4, s0;
	s1 =	sshll.u32 s1, $0x11  }
0xcb: {  	s0 =	sor.u32 s1, s0  }
0xcc: {  	s0 =	sadd.s32 $0x8F2B, s0  }
0xcd: {  	[sflag:s0] =	ssyncadd.remote.s32 $0x1  }
0xce: {  	_ =	sfence.sel $0xFFFF  }
0xcf: {  	[dreg:$0x0] =	wrdreg $0xFFFFFFFF;
	(pc) =	sbr.abs _section_cstart, $3  }
0xd0: {  	[dreg:$0x1] =	wrdreg $0xFFFFFFFF  }
0xd1: {  	_ =	task.clear_ibuf [dreg:s22], $0x2FFFF;
	_ =	strace $0x9FFFFFFF  }
0xd2: {  	(tm) =	ssettm $0x7FFFFFFF  }
0xd3: {  	_ =	shalt  }
tec
execute0_lowered:
.L_overlay_start_1:
0x0: {  	(tag) =	ssettag $0x1  }
0x1: {  	s6 =	rddreg [dreg:$0x0]  }
0x2: {  	s9 =	rddreg [dreg:$0x1]  }
0x3: {  	s2 =	rddreg [dreg:$0x2]  }
0x4: {  	s0 =	rddreg [dreg:$0x3]  }
0x5: {  	s3 =	simm.s32 $0x0;
	s1 =	stileid.u32;
	s5 =	srdreg.scid  }
0x6: {  	s16 =	simm.s32 $0x50;
	s17 =	simm.s32 $0x100;
	s19 =	simm.s32 $0x1  }
0x7: {  	s20 =	simm.s32 $0x0;
	[smem:$0x7FF] =	sst s3;
	s10 =	smul.u32 $0xA, s1  }
0x8: {  	s4 =	sadd.s32 $0xA400, s6;
	s7 =	sand.u32 $0x1, s5;
	s8 =	smul.u32 $0x4E000, s1  }
0x9: {  	s5 =	sadd.s32 $0x7C00, s6;
	s15 =	smul.u32 $0x13800, s1;
	p0 =	seq.s32 s1, $0xF  }
0xa: {  	_ =	strace $0x80000050;
	s12 =	ssub.s32 $0x2, s7;
	s13 =	smul.u32 $0x138800, s7  }
0xb: {  	s18 =	smul.u32 $0x2710, s7;
	s11 =	sadd.s32 s10, s6;
	s14 =	sshrl.u32 s12, $0x1  }
0xc: {  	s6 =	sadd.s32 $0xF4A00, s6;
	s8 =	sshrl.u32 s8, $0x2;
	s9 =	sadd.s32 s10, s9  }
0xd: {  	s12 =	ssub.s32 s12, s14;
	s14 =	sadd.s32 s8, s2;
	s31 =	sadd.s32 s15, s13  }
0xe: {  	s13 =	sshrl.u32 s13, $0x3;
	s15 =	sadd.s32 $0x124800, s2;
	s10 =	sadd.s32 $0x2600, s11  }
0xf: {  	v0 =	vmov s18;
	s18 =	simm.s32 $0x180;
	s8 =	sshrl.u32 s31, $0x3;
	s13 =	sadd.s32 s6, s13  }
0x10: {  	s11 =	sshrl.u32 @p0 s15, $0x3;
	s15 =	simm.s32 $0x80;
	s6 =	sadd.s32 s6, s8  }
0x11: {  	s7 =	sadd.s32 $0x24900, s13;
	s8 =	smax.u32 s12, $0x1;
	s12 =	sshll.u32 @!p0 s1, $0x6  }
0x12: {  	s13 =	sshrl.u32 @!p0 s14, $0x3;
	s14 =	simm.s32 $0x2;
	s12 =	sor.u32 @!p0 $0x1C02, s12  }
.LBB2_1:
0x13: {  	s21 =	simm.s32 @p0 $0x1FC2  }
0x14: {  	[spmem:s11], [sflag:s21] =	dma.local @p0 [hbm:s5], $0x2800  }
0x15: {  	s21 =	simm.s32 @p0 $0x2  }
0x16: {  	_ =	swait.ge @p0 [sflag:s21], $0x2800  }
0x17: {  	[sflag:s21] =	ssyncset.done @p0 $0x0  }
0x18: {  	[sflag:s21] =	ssyncadd.s32 @p0 $0xFFFFD800;
	s21 =	simm.s32 @!p0 $0x2  }
0x19: {  	[spmem:s13], [sflag:s12] =	dma.local @!p0 [hbm:s5], $0x2700  }
0x1a: {  	_ =	swait.ge @!p0 [sflag:s21], $0x2700  }
0x1b: {  	[sflag:s21] =	ssyncset.done @!p0 $0x0  }
0x1c: {  	[sflag:s21] =	ssyncadd.s32 @!p0 $0xFFFFD900  }
0x1d: {  	s30 =	sadd.s32 $0x0, s9;
	[bflag:$0x0] =	sbarrier.arrive $0xFFFF  }
0x1e: {  	[tilespmem:s3], [sflag:$0x2] =	stream.linear.gather [hbm4b:s30+s3], $0x50, $0x38;
	[tilespmem:$0x16200] =	vst v63  }
0x1f: {  	_ =	swait.ge [sflag:s14], $0x50  }
0x20: {  	[sflag:s14] =	ssyncset.done $0x0  }
0x21: {  	s31 =	sadd.s32 $0x0, s10;
	[sflag:s14] =	ssyncadd.s32 $0xFFFFFFB0  }
0x22: {  	[tilespmem:s15], [sflag:$0x2] =	stream.linear.gather [hbm4b:s31+s3], $0x50, $0x38;
	[tilespmem:$0x16200] =	vst v63  }
0x23: {  	_ =	swait.ge [sflag:s14], $0x50  }
0x24: {  	[sflag:s14] =	ssyncset.done $0x0  }
0x25: {  	[sflag:s14] =	ssyncadd.s32 $0xFFFFFFB0  }
0x26: {  	v1 =	vld [tilespmem:$0x40]  }
0x27: {  	v2 =	vld [tilespmem:$0x20]  }
0x28: {  	v3 =	vld [tilespmem:$0x30]  }
0x29: {  	v4 =	vld [tilespmem:$0x10]  }
0x2a: {  	v5 =	vld [tilespmem:$0x0]  }
0x2b: {  	v1 =	vadd.s32 v0, v1  }
0x2c: {  	v2 =	vadd.s32 v0, v2;
	[tilespmem:$0x140] =	vst v1  }
0x2d: {  	[tilespmem:$0x120] =	vst v2;
	v1 =	vadd.s32 v0, v3  }
0x2e: {  	v2 =	vadd.s32 v0, v4;
	[tilespmem:$0x130] =	vst v1  }
0x2f: {  	v1 =	vadd.s32 v0, v5;
	[tilespmem:$0x110] =	vst v2  }
0x30: {  	[tilespmem:$0x100] =	vst v1  }
0x31: {  	[tilespmem:s18], [sflag:$0x1] =	stream.indirect.gather [hbm4b:s4+s16], $0x80, s17, s16, $0xb8;
	[tilespmem:$0x16200] =	vst v63  }
0x32: {  	_ =	swait.ge [sflag:s19], $0x2800  }
0x33: {  	s21 =	simm.s32 $0xA0;
	[sflag:s19] =	ssyncset.done $0x0  }
.LBB2_2:
0x34: {  	p1 =	sne.s32 s21, $0x4D80  }
0x35: {  	[sflag:s19] =	ssyncadd.s32 $0xFFFFD800;
	s22 =	smov.u32 s21;
	s21 =	sadd.s32 $0xA0, s21  }
0x36: {  	[spmem:s2] =	stream.indirect.scatter.add.f32 [tilespmem:s18], [sflag:$0x2], $0x80, s15, s16, $0xb8;
	[tilespmem:$0x16200] =	vst v63  }
0x37: {  	_ =	swait.ge [sflag:s14], $0x2800  }
0x38: {  	[sflag:s14] =	ssyncset.done $0x0  }
0x39: {  	s23 =	sadd.s32 s22, s9;
	[sflag:s14] =	ssyncadd.s32 $0xFFFFD800  }
0x3a: {  	[tilespmem:s3], [sflag:$0x2] =	stream.linear.gather [hbm4b:s23+s3], $0x50, $0x38;
	[tilespmem:$0x16200] =	vst v63  }
0x3b: {  	_ =	swait.ge [sflag:s14], $0x50  }
0x3c: {  	[sflag:s14] =	ssyncset.done $0x0  }
0x3d: {  	s22 =	sadd.s32 s22, s10;
	[sflag:s14] =	ssyncadd.s32 $0xFFFFFFB0  }
0x3e: {  	[tilespmem:s15], [sflag:$0x2] =	stream.linear.gather [hbm4b:s22+s3], $0x50, $0x38;
	[tilespmem:$0x16200] =	vst v63  }
0x3f: {  	_ =	swait.ge [sflag:s14], $0x50  }
0x40: {  	[sflag:s14] =	ssyncset.done $0x0  }
0x41: {  	[sflag:s14] =	ssyncadd.s32 $0xFFFFFFB0  }
0x42: {  	v1 =	vld [tilespmem:$0x40]  }
0x43: {  	v2 =	vld [tilespmem:$0x20]  }
0x44: {  	v3 =	vld [tilespmem:$0x30]  }
0x45: {  	v4 =	vld [tilespmem:$0x10]  }
0x46: {  	v5 =	vld [tilespmem:$0x0]  }
0x47: {  	v1 =	vadd.s32 v0, v1  }
0x48: {  	v2 =	vadd.s32 v0, v2;
	[tilespmem:$0x140] =	vst v1  }
0x49: {  	[tilespmem:$0x120] =	vst v2;
	v1 =	vadd.s32 v0, v3  }
0x4a: {  	v2 =	vadd.s32 v0, v4;
	[tilespmem:$0x130] =	vst v1  }
.Ltmp0:
0x4b: {  	v1 =	vadd.s32 v0, v5;
	[tilespmem:$0x110] =	vst v2;
	(pc) =	sbr.rel @p1 .LBB2_2-.Ltmp0, $4  }
0x4c: {  	[tilespmem:$0x100] =	vst v1  }
0x4d: {  	[tilespmem:s18], [sflag:$0x1] =	stream.indirect.gather [hbm4b:s4+s16], $0x80, s17, s16, $0xb8;
	[tilespmem:$0x16200] =	vst v63  }
0x4e: {  	_ =	swait.ge [sflag:s19], $0x2800  }
0x4f: {  	[sflag:s19] =	ssyncset.done $0x0  }
0x50: {  	[sflag:s19] =	ssyncadd.s32 $0xFFFFD800  }
0x51: {  	[spmem:s2] =	stream.indirect.scatter.add.f32 [tilespmem:s18], [sflag:$0x2], $0x80, s15, s16, $0xb8;
	[tilespmem:$0x16200] =	vst v63  }
0x52: {  	_ =	swait.ge [sflag:s14], $0x2800  }
0x53: {  	[sflag:s14] =	ssyncset.done $0x0  }
0x54: {  	[sflag:s14] =	ssyncadd.s32 $0xFFFFD800  }
0x55: {  	s21 =	simm.s32 @p0 $0x1FC2;
	[bflag:$0x0] =	sbarrier.arrive $0xFFFF  }
0x56: {  	[hbm:s7], [sflag:s21] =	dma.local @p0 [spmem:s11], $0x2800  }
0x57: {  	s21 =	simm.s32 @p0 $0x2  }
0x58: {  	s20 =	sadd.s32 $0x1, s20;
	_ =	swait.ge @p0 [sflag:s21], $0x2800  }
0x59: {  	p1 =	sne.s32 s20, s8;
	[sflag:s21] =	ssyncset.done @p0 $0x0  }
.Ltmp1:
0x5a: {  	[sflag:s21] =	ssyncadd.s32 @p0 $0xFFFFD800;
	s21 =	simm.s32 @!p0 $0x2;
	(pc) =	sbr.rel @p1 .LBB2_1-.Ltmp1, $4  }
0x5b: {  	[hbm:s6], [sflag:s12] =	dma.local @!p0 [spmem:s13], $0x2700  }
0x5c: {  	_ =	swait.ge @!p0 [sflag:s21], $0x2700  }
0x5d: {  	[sflag:s21] =	ssyncset.done @!p0 $0x0  }
0x5e: {  	[sflag:s21] =	ssyncadd.s32 @!p0 $0xFFFFD900  }
0x5f: {  	_ =	sfence.sel $0x180000  }
0x60: {  	[bflag:$0x0] =	sbarrier.arrive $0xFFFF  }
0x61: {  	p0 =	sne.s32 s1, $0x0;
	_ =	strace $0x90000050  }
0x62: {  	s0 =	sadd.s32 @!p0 $0x100000, s0;
	[bflag:$0x2] =	sbarrier.arrive $0xFFFF  }
0x63: {  	[sflag:s0] =	ssyncadd.tile.s32 @!p0 $0x1;
	_ =	shalt  }
.Lfunc_end2:
_tile_overlayer_lowered:
.L_overlay_start_2:
0x64: {  	(tag) =	ssettag $0x2  }
0x65: {  	s0 =	rddreg [dreg:$0x0];
	s2 =	stileid.u32  }
0x66: {  	s1 =	rddreg [dreg:$0x1];
	p0 =	sne.s32 s2, $0x0  }
0x67: {  	s3 =	rddreg [dreg:$0x2];
	[bflag:$0x3] =	sbarrier.arrive $0xFFFF;
	s2 =	simm.s32 @!p0 $0x1C02  }
0x68: {  	[timem:s3], [sflag:s2] =	dma.local @!p0 [hbm:s0], s1  }
0x69: {  	s0 =	simm.s32 @!p0 $0x2  }
0x6a: {  	_ =	swait.ge @!p0 [sflag:s0], s1  }
0x6b: {  	s1 =	ssub.s32 @!p0 $0x0, s1;
	[sflag:s0] =	ssyncset.done @!p0 $0x0  }
0x6c: {  	[sflag:s0] =	ssyncadd.s32 @!p0 s1  }
0x6d: {  	[bflag:$0x3] =	sbarrier.arrive $0xFFFF  }
0x6e: {  	_ =	shalt  }

// kernel: kernel.20.cloned.1.call-start
scs
__scs_entry_jumppad:
0x0: {  	(pc) =	sbr.rel $0x88, $3  }
0x1: {  	(tag) =	ssettag $0x0;
	lr =	simm.s32 $0x1  }
0x2: {  	[smem:$0x3F99] =	sst lr;
	_ =	strace $0xD0000000  }
0x3: {  	_ = 	snop  }
0x4: {  	_ = 	snop  }
0x5: {  	_ = 	snop  }
0x6: {  	_ = 	snop  }
0x7: {  	_ = 	snop  }
__scs_overlays_trampoline_lowered:
0x8: {  	[smem:$0x3FA8] =	sst s0  }
0x9: {  	[smem:$0x3FA9] =	sst s1  }
0xa: {  	[smem:$0x3FAA] =	sst s2  }
0xb: {  	[smem:$0x3FAB] =	sst s3  }
0xc: {  	[smem:$0x3FAC] =	sst s4  }
0xd: {  	[smem:$0x3FAD] =	sst s5  }
0xe: {  	[smem:$0x3FAE] =	sst s6  }
0xf: {  	[smem:$0x3FAF] =	sst s7  }
0x10: {  	[smem:$0x3FB0] =	sst s8  }
0x11: {  	[smem:$0x3FB1] =	sst s9;
	s0 =	simm.s32 @!p0 $0x0  }
0x12: {  	s1 =	sld [smem:$0x3F97];
	s0 =	simm.s32 @p0 $0x1  }
0x13: {  	[smem:$0x3FB2] =	sst s0;
	s0 =	simm.s32 @!p1 $0x0  }
0x14: {  	s2 =	sld [smem:$0x3F96];
	s0 =	simm.s32 @p1 $0x1  }
0x15: {  	[smem:$0x3FB3] =	sst s0;
	s0 =	simm.s32 @!p2 $0x0  }
0x16: {  	s3 =	sld [smem:$0x3FDB];
	s0 =	simm.s32 @p2 $0x1  }
0x17: {  	s4 =	simm.s32 $0x1BF5;
	[smem:$0x3FB5] =	sst s0  }
0x18: {  	s0 =	sld [smem:$0x3F98];
	_ =	swait.ge [sflag:s4], $0x0  }
0x19: {  	s7 =	sld [smem:$0x3F99]  }
0x1a: {  	s8 =	sadd.s32 $0xFFFFE003, lr  }
0x1b: {  	s9 =	sadd.s32 $0xFFFFFEF7, lr;
	s5 =	simm.s32 $0xFFFFFFFF;
	p2 =	slt.u32 s8, $0xFFFFF086  }
0x1c: {  	p1 =	slt.u32 s9, $0xF7A;
	s5 =	simm.s32 @!p2 $0x0  }
0x1d: {  	s5 =	simm.s32 @p1 $0x1;
	p0 =	seq.s32 s7, s2  }
0x1e: {  	s7 =	smul.u32 @!p0 $0xF7A, s2;
	p2 =	seq.s32 @!p0 s5, $0x0  }
0x1f: {  	s9 =	smul.u32 $0xF7A, s1;
	s8 =	simm.s32 @!p0 $0x1BF5;
	p2 =	por !p2, p0  }
0x20: {  	[sflag:s8] =	ssyncset.s32 @!p0 $0xFFFFF086;
	s6 =	sadd.s32 @!p0 s3, s7;
	s7 =	simm.s32 @!p0 $0x108  }
0x21: {  	s3 =	sadd.s32 s3, s9;
	s6 =	sadd.s32 @!p0 $0x88, s6;
	s7 =	simm.s32 @p2 $0x1082  }
0x22: {  	[simem:s7], [sflag:s8] =	dma.local @!p0 [hbm:s6], $0xF7A  }
0x23: {  	s9 =	sor.u32 $0xD0000000, s2;
	s6 =	simm.s32 $0x108;
	_ =	swait.ge @!p0 [sflag:s8], $0x0  }
0x24: {  	s3 =	sadd.s32 $0x88, s3;
	s6 =	simm.s32 @!p1 $0x1082;
	[sflag:s4] =	ssyncset.s32 $0xFFFFF086  }
0x25: {  	[simem:s6], [sflag:s4] =	dma.local [hbm:s3], $0xF7A  }
0x26: {  	[smem:$0x3F99] =	sst s1;
	(tag) =	ssettag s2;
	_ =	strace s9  }
0x27: {  	s1 =	sld [smem:$0x3FA9]  }
0x28: {  	s2 =	sld [smem:$0x3FAA]  }
0x29: {  	s4 =	sld [smem:$0x3FAC]  }
0x2a: {  	p0 =	seq.s32 s5, $0x0;
	s5 =	sld [smem:$0x3FAD]  }
0x2b: {  	s6 =	sld [smem:$0x3FAE]  }
0x2c: {  	s7 =	sld [smem:$0x3FAF]  }
0x2d: {  	s3 =	simm.s32 $0x108;
	s8 =	sld [smem:$0x3FB0]  }
0x2e: {  	s3 =	simm.s32 @!p0 $0x1082;
	s9 =	sld [smem:$0x3FB1]  }
0x2f: {  	lr =	sadd.s32 s0, s3;
	s0 =	sld [smem:$0x3FA8]  }
0x30: {  	s3 =	sld [smem:$0x3FAB]  }
0x31: {  	[smem:$0x3FB4] =	sst s10  }
0x32: {  	s10 =	sld [smem:$0x3FB2];
	_ =	sdelay $0x3  }
0x33: {  	p0 =	seq.s32 s10, $0x1;
	s10 =	sld [smem:$0x3FB4];
	_ =	sdelay $0x3  }
0x34: {  	[smem:$0x3FB4] =	sst s10  }
0x35: {  	s10 =	sld [smem:$0x3FB3];
	_ =	sdelay $0x3  }
0x36: {  	p1 =	seq.s32 s10, $0x1;
	s10 =	sld [smem:$0x3FB4];
	_ =	sdelay $0x3  }
0x37: {  	[smem:$0x3FB4] =	sst s10  }
0x38: {  	s10 =	sld [smem:$0x3FB5]  }
0x39: {  	_ = 	snop;
	(pc) =	sbr.ind lr, $3  }
0x3a: {  	_ = 	snop  }
0x3b: {  	_ = 	snop  }
0x3c: {  	p2 =	seq.s32 s10, $0x1;
	s10 =	sld [smem:$0x3FB4]  }
0x3d: {  	_ =	shalt  }
0x3e: {  	_ =	shalt  }
0x3f: {  	_ =	shalt  }
0x40: {  	_ =	shalt  }
0x41: {  	_ =	shalt  }
0x42: {  	_ =	shalt  }
0x43: {  	_ =	shalt  }
0x44: {  	_ =	shalt  }
0x45: {  	_ =	shalt  }
0x46: {  	_ =	shalt  }
0x47: {  	_ =	shalt  }
0x48: {  	_ =	shalt  }
0x49: {  	_ =	shalt  }
0x4a: {  	_ =	shalt  }
0x4b: {  	_ =	shalt  }
0x4c: {  	_ =	shalt  }
0x4d: {  	_ =	shalt  }
0x4e: {  	_ =	shalt  }
0x4f: {  	_ =	shalt  }
0x50: {  	_ =	shalt  }
0x51: {  	_ =	shalt  }
0x52: {  	_ =	shalt  }
0x53: {  	_ =	shalt  }
0x54: {  	_ =	shalt  }
0x55: {  	_ =	shalt  }
0x56: {  	_ =	shalt  }
0x57: {  	_ =	shalt  }
0x58: {  	_ =	shalt  }
0x59: {  	_ =	shalt  }
0x5a: {  	_ =	shalt  }
0x5b: {  	_ =	shalt  }
0x5c: {  	_ =	shalt  }
0x5d: {  	_ =	shalt  }
0x5e: {  	_ =	shalt  }
0x5f: {  	_ =	shalt  }
0x60: {  	_ =	shalt  }
0x61: {  	_ =	shalt  }
0x62: {  	_ =	shalt  }
0x63: {  	_ =	shalt  }
0x64: {  	_ =	shalt  }
0x65: {  	_ =	shalt  }
0x66: {  	_ =	shalt  }
0x67: {  	_ =	shalt  }
0x68: {  	_ =	shalt  }
0x69: {  	_ =	shalt  }
0x6a: {  	_ =	shalt  }
0x6b: {  	_ =	shalt  }
0x6c: {  	_ =	shalt  }
0x6d: {  	_ =	shalt  }
0x6e: {  	_ =	shalt  }
0x6f: {  	_ =	shalt  }
0x70: {  	_ =	shalt  }
0x71: {  	_ =	shalt  }
0x72: {  	_ =	shalt  }
0x73: {  	_ =	shalt  }
0x74: {  	_ =	shalt  }
0x75: {  	_ =	shalt  }
0x76: {  	_ =	shalt  }
0x77: {  	_ =	shalt  }
0x78: {  	_ =	shalt  }
0x79: {  	_ =	shalt  }
0x7a: {  	_ =	shalt  }
0x7b: {  	_ =	shalt  }
0x7c: {  	_ =	shalt  }
0x7d: {  	_ =	shalt  }
0x7e: {  	_ =	shalt  }
0x7f: {  	_ =	shalt  }
0x80: {  	_ =	shalt  }
0x81: {  	_ =	shalt  }
0x82: {  	_ =	shalt  }
0x83: {  	_ =	shalt  }
0x84: {  	_ =	shalt  }
0x85: {  	_ =	shalt  }
0x86: {  	_ =	shalt  }
0x87: {  	_ =	shalt  }
.Lfunc_end0:
.L_simem_size_0:
called_computation.3_lowered:
.L_overlay_start_0:
0x88: {  	s2 =	sld [smem:$0x3FD9]  }
0x89: {  	s3 =	sld [smem:$0x3FFE];
	_ =	sdelay $0x1  }
0x8a: {  	s1 =	srdreg.scid  }
0x8b: {  	s0 =	sand.u32 $0x1, s1  }
0x8c: {  	s17 =	sshll.u32 s0, $0xA;
	s2 =	sadd.s32 s3, s2  }
0x8d: {  	s2 =	sadd.s32 s2, s17  }
0x8e: {  	[smem:$0x3FC0] =	sst s2  }
0x8f: {  	_ = 	snop  }
0x90: {  	s2 =	sld [smem:$0x3FD0];
	(tm) =	ssettm $0x1  }
0x91: {  	s18 =	sld [smem:$0x3FFB];
	_ =	sdelay $0x3  }
0x92: {  	_ =	strace s18  }
0x93: {  	s3 =	sld [smem:$0x3FFC];
	_ =	sdelay $0x3  }
0x94: {  	_ =	strace s3  }
0x95: {  	s3 =	sld [smem:$0x3FFD];
	_ =	sdelay $0x3  }
0x96: {  	_ =	strace s3  }
0x97: {  	_ =	strace $0x8FFFFFFF  }
0x98: {  	s19 =	sld [smem:$0x3FDB];
	_ =	sdelay $0x1  }
0x99: {  	s4 =	simm.s32 $_scs_section_size  }
0x9a: {  	s5 =	simm.s32 $_size__tile_overlayer_lowered;
	s6 =	simm.s32 $_tile_overlayer_lowered  }
0x9b: {  	s22 =	simm.s32 $0x1BFF;
	s21 =	sshll.u32 s6, $0x1;
	s3 =	sadd.s32 s4, s19  }
0x9c: {  	s7 =	simm.s32 $0x0;
	s20 =	sshll.u32 s5, $0x1;
	s5 =	sadd.s32 s21, s3  }
0x9d: {  	[timem:s7], [sflag:s22] =	dma.local [hbm:s5], s20  }
0x9e: {  	_ =	swait.ge [sflag:s22], s20  }
0x9f: {  	s4 =	ssub.s32 $0x0, s20;
	[sflag:s22] =	ssyncset.done $0x0  }
0xa0: {  	[sflag:s22] =	ssyncadd.s32 s4;
	_ =	sdelay $0x1  }
0xa1: {  	s23 =	simm.s32 $0x1B8B  }
0xa2: {  	_ =	swait.ge [sflag:s23], $0x1  }
0xa3: {  	[sflag:s23] =	ssyncset.done $0x0  }
0xa4: {  	s25 =	simm.s32 $0x1B8E;
	s24 =	sld [smem:$0x3FFE];
	[sflag:s23] =	ssyncadd.s32 $0xFFFFFFFF  }
0xa5: {  	s26 =	simm.s32 $execute0_lowered;
	[smem:$0x3FD2] =	sst s25  }
0xa6: {  	s5 =	sshll.u32 s26, $0x1;
	_ =	strace $0x8000004C;
	[dreg:$0x1] =	wrdreg $0xFFFFFFFF  }
0xa7: {  	s28 =	simm.s32 $_size_execute0_lowered;
	s3 =	sadd.s32 s3, s5;
	[dreg:$0x0] =	wrdreg $0x0  }
0xa8: {  	s5 =	sshll.u32 s28, $0x1;
	[dreg:$0x2] =	wrdreg s3  }
0xa9: {  	[dreg:$0x3] =	wrdreg s5  }
0xaa: {  	[dreg:$0x4] =	wrdreg $0xC0  }
0xab: {  	_ =	task [dreg:s7], $0x5FFFF  }
0xac: {  	[dreg:$0x1] =	wrdreg $0xFFFFFFFF  }
0xad: {  	[dreg:$0x0] =	wrdreg $0x60  }
0xae: {  	[dreg:$0x2] =	wrdreg s24  }
0xaf: {  	[dreg:$0x3] =	wrdreg s2  }
0xb0: {  	[dreg:$0x4] =	wrdreg $0x29800  }
0xb1: {  	[dreg:$0x5] =	wrdreg $0xA  }
0xb2: {  	_ =	task.clear_ibuf [dreg:s7], $0x6FFFF;
	_ =	strace $0x9000004C  }
0xb3: {  	s29 =	simm.s32 $0xA;
	_ =	strace $0x8000004E  }
0xb4: {  	_ =	swait.ge [sflag:s29], $0x1  }
0xb5: {  	[sflag:s29] =	ssyncadd.s32 $0xFFFFFFFF  }
0xb6: {  	_ =	strace $0x9000004E  }
0xb7: {  	_ =	sfence  }
0xb8: {  	s30 =	sld [smem:$0x0];
	_ =	sdelay $0x2  }
0xb9: {  	s31 =	sshll.u32 s1, $0xD;
	s1 =	sshrl.u32 s1, $0x2  }
0xba: {  	s3 =	sand.u32 $0x4000, s31;
	s1 =	sadd.s32 s1, s30  }
0xbb: {  	s0 =	sor.u32 s3, s0;
	s1 =	sshll.u32 s1, $0x11  }
0xbc: {  	s0 =	sor.u32 s1, s0  }
0xbd: {  	s0 =	sadd.s32 $0x8F2B, s0  }
0xbe: {  	[sflag:s0] =	ssyncadd.remote.s32 $0x1  }
0xbf: {  	_ =	sfence.sel $0xFFFF  }
0xc0: {  	[dreg:$0x0] =	wrdreg $0xFFFFFFFF;
	(pc) =	sbr.abs _section_cstart, $3  }
0xc1: {  	[dreg:$0x1] =	wrdreg $0xFFFFFFFF  }
0xc2: {  	_ =	task.clear_ibuf [dreg:s7], $0x2FFFF;
	_ =	strace $0x9FFFFFFF  }
0xc3: {  	(tm) =	ssettm $0x7FFFFFFF  }
tec
execute0_lowered:
.L_overlay_start_1:
0x0: {  	(tag) =	ssettag $0x1  }
0x1: {  	s6 =	rddreg [dreg:$0x0]  }
0x2: {  	s9 =	rddreg [dreg:$0x1]  }
0x3: {  	s2 =	rddreg [dreg:$0x2]  }
0x4: {  	s0 =	rddreg [dreg:$0x3]  }
0x5: {  	s3 =	simm.s32 $0x0;
	s1 =	stileid.u32;
	s5 =	srdreg.scid  }
0x6: {  	s16 =	simm.s32 $0x50;
	s17 =	simm.s32 $0x100;
	s19 =	simm.s32 $0x1  }
0x7: {  	s20 =	simm.s32 $0x0;
	[smem:$0x7FF] =	sst s3;
	s10 =	smul.u32 $0xA, s1  }
0x8: {  	s4 =	sadd.s32 $0xA6800, s6;
	s7 =	sand.u32 $0x1, s5;
	s8 =	smul.u32 $0x4E000, s1  }
0x9: {  	s5 =	sadd.s32 $0x7C00, s6;
	s15 =	smul.u32 $0x13800, s1;
	p0 =	seq.s32 s1, $0xF  }
0xa: {  	_ =	strace $0x8000004D;
	s12 =	ssub.s32 $0x2, s7;
	s13 =	smul.u32 $0x138800, s7  }
0xb: {  	s18 =	smul.u32 $0x2710, s7;
	s11 =	sadd.s32 s10, s6;
	s14 =	sshrl.u32 s12, $0x1  }
0xc: {  	s6 =	sadd.s32 $0x58600, s6;
	s8 =	sshrl.u32 s8, $0x2;
	s9 =	sadd.s32 s10, s9  }
0xd: {  	s12 =	ssub.s32 s12, s14;
	s14 =	sadd.s32 s8, s2;
	s31 =	sadd.s32 s15, s13  }
0xe: {  	s13 =	sshrl.u32 s13, $0x3;
	s15 =	sadd.s32 $0x124800, s2;
	s10 =	sadd.s32 $0x2600, s11  }
0xf: {  	v0 =	vmov s18;
	s18 =	simm.s32 $0x180;
	s8 =	sshrl.u32 s31, $0x3;
	s13 =	sadd.s32 s6, s13  }
0x10: {  	s11 =	sshrl.u32 @p0 s15, $0x3;
	s15 =	simm.s32 $0x80;
	s6 =	sadd.s32 s6, s8  }
0x11: {  	s7 =	sadd.s32 $0x24900, s13;
	s8 =	smax.u32 s12, $0x1;
	s12 =	sshll.u32 @!p0 s1, $0x6  }
0x12: {  	s13 =	sshrl.u32 @!p0 s14, $0x3;
	s14 =	simm.s32 $0x2;
	s12 =	sor.u32 @!p0 $0x1C02, s12  }
.LBB2_1:
0x13: {  	s21 =	simm.s32 @p0 $0x1FC2  }
0x14: {  	[spmem:s11], [sflag:s21] =	dma.local @p0 [hbm:s5], $0x2800  }
0x15: {  	s21 =	simm.s32 @p0 $0x2  }
0x16: {  	_ =	swait.ge @p0 [sflag:s21], $0x2800  }
0x17: {  	[sflag:s21] =	ssyncset.done @p0 $0x0  }
0x18: {  	[sflag:s21] =	ssyncadd.s32 @p0 $0xFFFFD800;
	s21 =	simm.s32 @!p0 $0x2  }
0x19: {  	[spmem:s13], [sflag:s12] =	dma.local @!p0 [hbm:s5], $0x2700  }
0x1a: {  	_ =	swait.ge @!p0 [sflag:s21], $0x2700  }
0x1b: {  	[sflag:s21] =	ssyncset.done @!p0 $0x0  }
0x1c: {  	[sflag:s21] =	ssyncadd.s32 @!p0 $0xFFFFD900  }
0x1d: {  	s30 =	sadd.s32 $0x0, s9;
	[bflag:$0x0] =	sbarrier.arrive $0xFFFF  }
0x1e: {  	[tilespmem:s3], [sflag:$0x2] =	stream.linear.gather [hbm4b:s30+s3], $0x50, $0x38;
	[tilespmem:$0x16200] =	vst v63  }
0x1f: {  	_ =	swait.ge [sflag:s14], $0x50  }
0x20: {  	[sflag:s14] =	ssyncset.done $0x0  }
0x21: {  	s31 =	sadd.s32 $0x0, s10;
	[sflag:s14] =	ssyncadd.s32 $0xFFFFFFB0  }
0x22: {  	[tilespmem:s15], [sflag:$0x2] =	stream.linear.gather [hbm4b:s31+s3], $0x50, $0x38;
	[tilespmem:$0x16200] =	vst v63  }
0x23: {  	_ =	swait.ge [sflag:s14], $0x50  }
0x24: {  	[sflag:s14] =	ssyncset.done $0x0  }
0x25: {  	[sflag:s14] =	ssyncadd.s32 $0xFFFFFFB0  }
0x26: {  	v1 =	vld [tilespmem:$0x40]  }
0x27: {  	v2 =	vld [tilespmem:$0x20]  }
0x28: {  	v3 =	vld [tilespmem:$0x30]  }
0x29: {  	v4 =	vld [tilespmem:$0x10]  }
0x2a: {  	v5 =	vld [tilespmem:$0x0]  }
0x2b: {  	v1 =	vadd.s32 v0, v1  }
0x2c: {  	v2 =	vadd.s32 v0, v2;
	[tilespmem:$0x140] =	vst v1  }
0x2d: {  	[tilespmem:$0x120] =	vst v2;
	v1 =	vadd.s32 v0, v3  }
0x2e: {  	v2 =	vadd.s32 v0, v4;
	[tilespmem:$0x130] =	vst v1  }
0x2f: {  	v1 =	vadd.s32 v0, v5;
	[tilespmem:$0x110] =	vst v2  }
0x30: {  	[tilespmem:$0x100] =	vst v1  }
0x31: {  	[tilespmem:s18], [sflag:$0x1] =	stream.indirect.gather [hbm4b:s4+s16], $0x80, s17, s16, $0xb8;
	[tilespmem:$0x16200] =	vst v63  }
0x32: {  	_ =	swait.ge [sflag:s19], $0x2800  }
0x33: {  	s21 =	simm.s32 $0xA0;
	[sflag:s19] =	ssyncset.done $0x0  }
.LBB2_2:
0x34: {  	p1 =	sne.s32 s21, $0x4D80  }
0x35: {  	[sflag:s19] =	ssyncadd.s32 $0xFFFFD800;
	s22 =	smov.u32 s21;
	s21 =	sadd.s32 $0xA0, s21  }
0x36: {  	[spmem:s2] =	stream.indirect.scatter.add.f32 [tilespmem:s18], [sflag:$0x2], $0x80, s15, s16, $0xb8;
	[tilespmem:$0x16200] =	vst v63  }
0x37: {  	_ =	swait.ge [sflag:s14], $0x2800  }
0x38: {  	[sflag:s14] =	ssyncset.done $0x0  }
0x39: {  	s23 =	sadd.s32 s22, s9;
	[sflag:s14] =	ssyncadd.s32 $0xFFFFD800  }
0x3a: {  	[tilespmem:s3], [sflag:$0x2] =	stream.linear.gather [hbm4b:s23+s3], $0x50, $0x38;
	[tilespmem:$0x16200] =	vst v63  }
0x3b: {  	_ =	swait.ge [sflag:s14], $0x50  }
0x3c: {  	[sflag:s14] =	ssyncset.done $0x0  }
0x3d: {  	s22 =	sadd.s32 s22, s10;
	[sflag:s14] =	ssyncadd.s32 $0xFFFFFFB0  }
0x3e: {  	[tilespmem:s15], [sflag:$0x2] =	stream.linear.gather [hbm4b:s22+s3], $0x50, $0x38;
	[tilespmem:$0x16200] =	vst v63  }
0x3f: {  	_ =	swait.ge [sflag:s14], $0x50  }
0x40: {  	[sflag:s14] =	ssyncset.done $0x0  }
0x41: {  	[sflag:s14] =	ssyncadd.s32 $0xFFFFFFB0  }
0x42: {  	v1 =	vld [tilespmem:$0x40]  }
0x43: {  	v2 =	vld [tilespmem:$0x20]  }
0x44: {  	v3 =	vld [tilespmem:$0x30]  }
0x45: {  	v4 =	vld [tilespmem:$0x10]  }
0x46: {  	v5 =	vld [tilespmem:$0x0]  }
0x47: {  	v1 =	vadd.s32 v0, v1  }
0x48: {  	v2 =	vadd.s32 v0, v2;
	[tilespmem:$0x140] =	vst v1  }
0x49: {  	[tilespmem:$0x120] =	vst v2;
	v1 =	vadd.s32 v0, v3  }
0x4a: {  	v2 =	vadd.s32 v0, v4;
	[tilespmem:$0x130] =	vst v1  }
.Ltmp0:
0x4b: {  	v1 =	vadd.s32 v0, v5;
	[tilespmem:$0x110] =	vst v2;
	(pc) =	sbr.rel @p1 .LBB2_2-.Ltmp0, $4  }
0x4c: {  	[tilespmem:$0x100] =	vst v1  }
0x4d: {  	[tilespmem:s18], [sflag:$0x1] =	stream.indirect.gather [hbm4b:s4+s16], $0x80, s17, s16, $0xb8;
	[tilespmem:$0x16200] =	vst v63  }
0x4e: {  	_ =	swait.ge [sflag:s19], $0x2800  }
0x4f: {  	[sflag:s19] =	ssyncset.done $0x0  }
0x50: {  	[sflag:s19] =	ssyncadd.s32 $0xFFFFD800  }
0x51: {  	[spmem:s2] =	stream.indirect.scatter.add.f32 [tilespmem:s18], [sflag:$0x2], $0x80, s15, s16, $0xb8;
	[tilespmem:$0x16200] =	vst v63  }
0x52: {  	_ =	swait.ge [sflag:s14], $0x2800  }
0x53: {  	[sflag:s14] =	ssyncset.done $0x0  }
0x54: {  	[sflag:s14] =	ssyncadd.s32 $0xFFFFD800  }
0x55: {  	s21 =	simm.s32 @p0 $0x1FC2;
	[bflag:$0x0] =	sbarrier.arrive $0xFFFF  }
0x56: {  	[hbm:s7], [sflag:s21] =	dma.local @p0 [spmem:s11], $0x2800  }
0x57: {  	s21 =	simm.s32 @p0 $0x2  }
0x58: {  	s20 =	sadd.s32 $0x1, s20;
	_ =	swait.ge @p0 [sflag:s21], $0x2800  }
0x59: {  	p1 =	sne.s32 s20, s8;
	[sflag:s21] =	ssyncset.done @p0 $0x0  }
.Ltmp1:
0x5a: {  	[sflag:s21] =	ssyncadd.s32 @p0 $0xFFFFD800;
	s21 =	simm.s32 @!p0 $0x2;
	(pc) =	sbr.rel @p1 .LBB2_1-.Ltmp1, $4  }
0x5b: {  	[hbm:s6], [sflag:s12] =	dma.local @!p0 [spmem:s13], $0x2700  }
0x5c: {  	_ =	swait.ge @!p0 [sflag:s21], $0x2700  }
0x5d: {  	[sflag:s21] =	ssyncset.done @!p0 $0x0  }
0x5e: {  	[sflag:s21] =	ssyncadd.s32 @!p0 $0xFFFFD900  }
0x5f: {  	_ =	sfence.sel $0x180000  }
0x60: {  	[bflag:$0x0] =	sbarrier.arrive $0xFFFF  }
0x61: {  	p0 =	sne.s32 s1, $0x0;
	_ =	strace $0x9000004D  }
0x62: {  	s0 =	sadd.s32 @!p0 $0x100000, s0;
	[bflag:$0x2] =	sbarrier.arrive $0xFFFF  }
0x63: {  	[sflag:s0] =	ssyncadd.tile.s32 @!p0 $0x1;
	_ =	shalt  }
.Lfunc_end2:
_tile_overlayer_lowered:
.L_overlay_start_2:
0x64: {  	(tag) =	ssettag $0x2  }
0x65: {  	s0 =	rddreg [dreg:$0x0];
	s2 =	stileid.u32  }
0x66: {  	s1 =	rddreg [dreg:$0x1];
	p0 =	sne.s32 s2, $0x0  }
0x67: {  	s3 =	rddreg [dreg:$0x2];
	[bflag:$0x3] =	sbarrier.arrive $0xFFFF;
	s2 =	simm.s32 @!p0 $0x1C02  }
0x68: {  	[timem:s3], [sflag:s2] =	dma.local @!p0 [hbm:s0], s1  }
0x69: {  	s0 =	simm.s32 @!p0 $0x2  }
0x6a: {  	_ =	swait.ge @!p0 [sflag:s0], s1  }
0x6b: {  	s1 =	ssub.s32 @!p0 $0x0, s1;
	[sflag:s0] =	ssyncset.done @!p0 $0x0  }
0x6c: {  	[sflag:s0] =	ssyncadd.s32 @!p0 s1  }
0x6d: {  	[bflag:$0x3] =	sbarrier.arrive $0xFFFF  }
0x6e: {  	_ =	shalt  }

// kernel: kernel.23.cloned.1.call-start
scs
__scs_entry_jumppad:
0x0: {  	(pc) =	sbr.rel $0x88, $3  }
0x1: {  	(tag) =	ssettag $0x0;
	lr =	simm.s32 $0x1  }
0x2: {  	[smem:$0x3F99] =	sst lr;
	_ =	strace $0xD0000000  }
0x3: {  	_ = 	snop  }
0x4: {  	_ = 	snop  }
0x5: {  	_ = 	snop  }
0x6: {  	_ = 	snop  }
0x7: {  	_ = 	snop  }
__scs_overlays_trampoline_lowered:
0x8: {  	[smem:$0x3FA8] =	sst s0  }
0x9: {  	[smem:$0x3FA9] =	sst s1  }
0xa: {  	[smem:$0x3FAA] =	sst s2  }
0xb: {  	[smem:$0x3FAB] =	sst s3  }
0xc: {  	[smem:$0x3FAC] =	sst s4  }
0xd: {  	[smem:$0x3FAD] =	sst s5  }
0xe: {  	[smem:$0x3FAE] =	sst s6  }
0xf: {  	[smem:$0x3FAF] =	sst s7  }
0x10: {  	[smem:$0x3FB0] =	sst s8  }
0x11: {  	[smem:$0x3FB1] =	sst s9;
	s0 =	simm.s32 @!p0 $0x0  }
0x12: {  	s1 =	sld [smem:$0x3F97];
	s0 =	simm.s32 @p0 $0x1  }
0x13: {  	[smem:$0x3FB2] =	sst s0;
	s0 =	simm.s32 @!p1 $0x0  }
0x14: {  	s2 =	sld [smem:$0x3F96];
	s0 =	simm.s32 @p1 $0x1  }
0x15: {  	[smem:$0x3FB3] =	sst s0;
	s0 =	simm.s32 @!p2 $0x0  }
0x16: {  	s3 =	sld [smem:$0x3FDB];
	s0 =	simm.s32 @p2 $0x1  }
0x17: {  	s4 =	simm.s32 $0x1BF5;
	[smem:$0x3FB5] =	sst s0  }
0x18: {  	s0 =	sld [smem:$0x3F98];
	_ =	swait.ge [sflag:s4], $0x0  }
0x19: {  	s7 =	sld [smem:$0x3F99]  }
0x1a: {  	s8 =	sadd.s32 $0xFFFFE003, lr  }
0x1b: {  	s9 =	sadd.s32 $0xFFFFFEF7, lr;
	s5 =	simm.s32 $0xFFFFFFFF;
	p2 =	slt.u32 s8, $0xFFFFF086  }
0x1c: {  	p1 =	slt.u32 s9, $0xF7A;
	s5 =	simm.s32 @!p2 $0x0  }
0x1d: {  	s5 =	simm.s32 @p1 $0x1;
	p0 =	seq.s32 s7, s2  }
0x1e: {  	s7 =	smul.u32 @!p0 $0xF7A, s2;
	p2 =	seq.s32 @!p0 s5, $0x0  }
0x1f: {  	s9 =	smul.u32 $0xF7A, s1;
	s8 =	simm.s32 @!p0 $0x1BF5;
	p2 =	por !p2, p0  }
0x20: {  	[sflag:s8] =	ssyncset.s32 @!p0 $0xFFFFF086;
	s6 =	sadd.s32 @!p0 s3, s7;
	s7 =	simm.s32 @!p0 $0x108  }
0x21: {  	s3 =	sadd.s32 s3, s9;
	s6 =	sadd.s32 @!p0 $0x88, s6;
	s7 =	simm.s32 @p2 $0x1082  }
0x22: {  	[simem:s7], [sflag:s8] =	dma.local @!p0 [hbm:s6], $0xF7A  }
0x23: {  	s9 =	sor.u32 $0xD0000000, s2;
	s6 =	simm.s32 $0x108;
	_ =	swait.ge @!p0 [sflag:s8], $0x0  }
0x24: {  	s3 =	sadd.s32 $0x88, s3;
	s6 =	simm.s32 @!p1 $0x1082;
	[sflag:s4] =	ssyncset.s32 $0xFFFFF086  }
0x25: {  	[simem:s6], [sflag:s4] =	dma.local [hbm:s3], $0xF7A  }
0x26: {  	[smem:$0x3F99] =	sst s1;
	(tag) =	ssettag s2;
	_ =	strace s9  }
0x27: {  	s1 =	sld [smem:$0x3FA9]  }
0x28: {  	s2 =	sld [smem:$0x3FAA]  }
0x29: {  	s4 =	sld [smem:$0x3FAC]  }
0x2a: {  	p0 =	seq.s32 s5, $0x0;
	s5 =	sld [smem:$0x3FAD]  }
0x2b: {  	s6 =	sld [smem:$0x3FAE]  }
0x2c: {  	s7 =	sld [smem:$0x3FAF]  }
0x2d: {  	s3 =	simm.s32 $0x108;
	s8 =	sld [smem:$0x3FB0]  }
0x2e: {  	s3 =	simm.s32 @!p0 $0x1082;
	s9 =	sld [smem:$0x3FB1]  }
0x2f: {  	lr =	sadd.s32 s0, s3;
	s0 =	sld [smem:$0x3FA8]  }
0x30: {  	s3 =	sld [smem:$0x3FAB]  }
0x31: {  	[smem:$0x3FB4] =	sst s10  }
0x32: {  	s10 =	sld [smem:$0x3FB2];
	_ =	sdelay $0x3  }
0x33: {  	p0 =	seq.s32 s10, $0x1;
	s10 =	sld [smem:$0x3FB4];
	_ =	sdelay $0x3  }
0x34: {  	[smem:$0x3FB4] =	sst s10  }
0x35: {  	s10 =	sld [smem:$0x3FB3];
	_ =	sdelay $0x3  }
0x36: {  	p1 =	seq.s32 s10, $0x1;
	s10 =	sld [smem:$0x3FB4];
	_ =	sdelay $0x3  }
0x37: {  	[smem:$0x3FB4] =	sst s10  }
0x38: {  	s10 =	sld [smem:$0x3FB5]  }
0x39: {  	_ = 	snop;
	(pc) =	sbr.ind lr, $3  }
0x3a: {  	_ = 	snop  }
0x3b: {  	_ = 	snop  }
0x3c: {  	p2 =	seq.s32 s10, $0x1;
	s10 =	sld [smem:$0x3FB4]  }
0x3d: {  	_ =	shalt  }
0x3e: {  	_ =	shalt  }
0x3f: {  	_ =	shalt  }
0x40: {  	_ =	shalt  }
0x41: {  	_ =	shalt  }
0x42: {  	_ =	shalt  }
0x43: {  	_ =	shalt  }
0x44: {  	_ =	shalt  }
0x45: {  	_ =	shalt  }
0x46: {  	_ =	shalt  }
0x47: {  	_ =	shalt  }
0x48: {  	_ =	shalt  }
0x49: {  	_ =	shalt  }
0x4a: {  	_ =	shalt  }
0x4b: {  	_ =	shalt  }
0x4c: {  	_ =	shalt  }
0x4d: {  	_ =	shalt  }
0x4e: {  	_ =	shalt  }
0x4f: {  	_ =	shalt  }
0x50: {  	_ =	shalt  }
0x51: {  	_ =	shalt  }
0x52: {  	_ =	shalt  }
0x53: {  	_ =	shalt  }
0x54: {  	_ =	shalt  }
0x55: {  	_ =	shalt  }
0x56: {  	_ =	shalt  }
0x57: {  	_ =	shalt  }
0x58: {  	_ =	shalt  }
0x59: {  	_ =	shalt  }
0x5a: {  	_ =	shalt  }
0x5b: {  	_ =	shalt  }
0x5c: {  	_ =	shalt  }
0x5d: {  	_ =	shalt  }
0x5e: {  	_ =	shalt  }
0x5f: {  	_ =	shalt  }
0x60: {  	_ =	shalt  }
0x61: {  	_ =	shalt  }
0x62: {  	_ =	shalt  }
0x63: {  	_ =	shalt  }
0x64: {  	_ =	shalt  }
0x65: {  	_ =	shalt  }
0x66: {  	_ =	shalt  }
0x67: {  	_ =	shalt  }
0x68: {  	_ =	shalt  }
0x69: {  	_ =	shalt  }
0x6a: {  	_ =	shalt  }
0x6b: {  	_ =	shalt  }
0x6c: {  	_ =	shalt  }
0x6d: {  	_ =	shalt  }
0x6e: {  	_ =	shalt  }
0x6f: {  	_ =	shalt  }
0x70: {  	_ =	shalt  }
0x71: {  	_ =	shalt  }
0x72: {  	_ =	shalt  }
0x73: {  	_ =	shalt  }
0x74: {  	_ =	shalt  }
0x75: {  	_ =	shalt  }
0x76: {  	_ =	shalt  }
0x77: {  	_ =	shalt  }
0x78: {  	_ =	shalt  }
0x79: {  	_ =	shalt  }
0x7a: {  	_ =	shalt  }
0x7b: {  	_ =	shalt  }
0x7c: {  	_ =	shalt  }
0x7d: {  	_ =	shalt  }
0x7e: {  	_ =	shalt  }
0x7f: {  	_ =	shalt  }
0x80: {  	_ =	shalt  }
0x81: {  	_ =	shalt  }
0x82: {  	_ =	shalt  }
0x83: {  	_ =	shalt  }
0x84: {  	_ =	shalt  }
0x85: {  	_ =	shalt  }
0x86: {  	_ =	shalt  }
0x87: {  	_ =	shalt  }
.Lfunc_end0:
.L_simem_size_0:
called_computation.4_lowered:
.L_overlay_start_0:
0x88: {  	s2 =	sld [smem:$0x3FD9]  }
0x89: {  	s3 =	sld [smem:$0x3FFE];
	_ =	sdelay $0x1  }
0x8a: {  	s1 =	srdreg.scid  }
0x8b: {  	s0 =	sand.u32 $0x1, s1  }
0x8c: {  	s17 =	sshll.u32 s0, $0xA;
	s2 =	sadd.s32 s3, s2  }
0x8d: {  	s2 =	sadd.s32 s2, s17  }
0x8e: {  	[smem:$0x3FC0] =	sst s2  }
0x8f: {  	_ = 	snop  }
0x90: {  	s2 =	sld [smem:$0x3FD0];
	(tm) =	ssettm $0x1  }
0x91: {  	s18 =	sld [smem:$0x3FFB];
	_ =	sdelay $0x3  }
0x92: {  	_ =	strace s18  }
0x93: {  	s3 =	sld [smem:$0x3FFC];
	_ =	sdelay $0x3  }
0x94: {  	_ =	strace s3  }
0x95: {  	s3 =	sld [smem:$0x3FFD];
	_ =	sdelay $0x3  }
0x96: {  	_ =	strace s3  }
0x97: {  	_ =	strace $0x8FFFFFFF  }
0x98: {  	s19 =	sld [smem:$0x3FDB];
	_ =	sdelay $0x1  }
0x99: {  	s4 =	simm.s32 $_scs_section_size  }
0x9a: {  	s5 =	simm.s32 $_size__tile_overlayer_lowered;
	s6 =	simm.s32 $_tile_overlayer_lowered  }
0x9b: {  	s22 =	simm.s32 $0x1BFF;
	s21 =	sshll.u32 s6, $0x1;
	s3 =	sadd.s32 s4, s19  }
0x9c: {  	s7 =	simm.s32 $0x0;
	s20 =	sshll.u32 s5, $0x1;
	s5 =	sadd.s32 s21, s3  }
0x9d: {  	[timem:s7], [sflag:s22] =	dma.local [hbm:s5], s20  }
0x9e: {  	_ =	swait.ge [sflag:s22], s20  }
0x9f: {  	s4 =	ssub.s32 $0x0, s20;
	[sflag:s22] =	ssyncset.done $0x0  }
0xa0: {  	[sflag:s22] =	ssyncadd.s32 s4;
	_ =	sdelay $0x1  }
0xa1: {  	s23 =	simm.s32 $0x1B8B  }
0xa2: {  	_ =	swait.ge [sflag:s23], $0x1  }
0xa3: {  	[sflag:s23] =	ssyncset.done $0x0  }
0xa4: {  	s25 =	simm.s32 $0x1B8E;
	s24 =	sld [smem:$0x3FFE];
	[sflag:s23] =	ssyncadd.s32 $0xFFFFFFFF  }
0xa5: {  	s26 =	simm.s32 $execute0_lowered;
	[smem:$0x3FD2] =	sst s25  }
0xa6: {  	s5 =	sshll.u32 s26, $0x1;
	_ =	strace $0x80000052;
	[dreg:$0x1] =	wrdreg $0xFFFFFFFF  }
0xa7: {  	s28 =	simm.s32 $_size_execute0_lowered;
	s3 =	sadd.s32 s3, s5;
	[dreg:$0x0] =	wrdreg $0x0  }
0xa8: {  	s5 =	sshll.u32 s28, $0x1;
	[dreg:$0x2] =	wrdreg s3  }
0xa9: {  	[dreg:$0x3] =	wrdreg s5  }
0xaa: {  	[dreg:$0x4] =	wrdreg $0xC0  }
0xab: {  	_ =	task [dreg:s7], $0x5FFFF  }
0xac: {  	[dreg:$0x1] =	wrdreg $0xFFFFFFFF  }
0xad: {  	[dreg:$0x0] =	wrdreg $0x60  }
0xae: {  	[dreg:$0x2] =	wrdreg s24  }
0xaf: {  	[dreg:$0x3] =	wrdreg s2  }
0xb0: {  	[dreg:$0x4] =	wrdreg $0x29000  }
0xb1: {  	[dreg:$0x5] =	wrdreg $0x9  }
0xb2: {  	_ =	task.clear_ibuf [dreg:s7], $0x6FFFF;
	_ =	strace $0x90000052  }
0xb3: {  	s29 =	simm.s32 $0x9;
	_ =	strace $0x80000054  }
0xb4: {  	_ =	swait.ge [sflag:s29], $0x1  }
0xb5: {  	[sflag:s29] =	ssyncadd.s32 $0xFFFFFFFF  }
0xb6: {  	_ =	strace $0x90000054  }
0xb7: {  	_ =	sfence  }
0xb8: {  	s30 =	sld [smem:$0x0];
	_ =	sdelay $0x2  }
0xb9: {  	s31 =	sshll.u32 s1, $0xD;
	s1 =	sshrl.u32 s1, $0x2  }
0xba: {  	s3 =	sand.u32 $0x4000, s31;
	s1 =	sadd.s32 s1, s30  }
0xbb: {  	s0 =	sor.u32 s3, s0;
	s1 =	sshll.u32 s1, $0x11  }
0xbc: {  	s0 =	sor.u32 s1, s0  }
0xbd: {  	s0 =	sadd.s32 $0x8F2B, s0  }
0xbe: {  	[sflag:s0] =	ssyncadd.remote.s32 $0x1  }
0xbf: {  	_ =	sfence.sel $0xFFFF  }
0xc0: {  	[dreg:$0x0] =	wrdreg $0xFFFFFFFF;
	(pc) =	sbr.abs _section_cstart, $3  }
0xc1: {  	[dreg:$0x1] =	wrdreg $0xFFFFFFFF  }
0xc2: {  	_ =	task.clear_ibuf [dreg:s7], $0x2FFFF;
	_ =	strace $0x9FFFFFFF  }
0xc3: {  	(tm) =	ssettm $0x7FFFFFFF  }
tec
execute0_lowered:
.L_overlay_start_1:
0x0: {  	(tag) =	ssettag $0x1  }
0x1: {  	s6 =	rddreg [dreg:$0x0]  }
0x2: {  	s11 =	rddreg [dreg:$0x1]  }
0x3: {  	s1 =	rddreg [dreg:$0x2]  }
0x4: {  	s0 =	rddreg [dreg:$0x3];
	s2 =	simm.s32 $0x0  }
0x5: {  	s5 =	srdreg.scid;
	s3 =	stileid.u32;
	s18 =	simm.s32 $0x50  }
0x6: {  	s19 =	simm.s32 $0x100;
	s20 =	simm.s32 $0x1;
	s8 =	smul.u32 $0x4E000, s3  }
0x7: {  	[smem:$0x7FF] =	sst s2;
	s4 =	sadd.s32 $0xA400, s6;
	s10 =	smul.u32 $0x50, s3  }
0x8: {  	s21 =	sand.u32 $0x1, s5;
	s12 =	sadd.s32 $0x2600, s6;
	s30 =	smul.u32 $0x13800, s3  }
0x9: {  	s5 =	sadd.s32 $0x7C00, s6;
	s16 =	sadd.s32 $0x124800, s1;
	s31 =	smul.u32 $0xA, s3  }
0xa: {  	s13 =	sadd.s32 $0x31600, s6;
	p0 =	seq.s32 s3, $0xF;
	s26 =	smul.u32 $0x138800, s21  }
0xb: {  	_ =	strace $0x80000053;
	s7 =	ssub.s32 $0x2, s21;
	s17 =	smul.u32 $0xA0, s21  }
0xc: {  	p1 =	sne.s32 s21, $0x0;
	s21 =	simm.s32 $0x0;
	s9 =	sshrl.u32 s7, $0x1  }
0xd: {  	s28 =	sshrl.u32 s8, $0x2;
	s29 =	sshrl.u32 s10, $0x3;
	s14 =	ssub.s32 s7, s9  }
0xe: {  	s15 =	sadd.s32 s28, s1;
	s7 =	sadd.s32 $0x4D80, s29;
	s8 =	sadd.s32 s30, s26  }
0xf: {  	s9 =	sshrl.u32 s26, $0x3;
	s6 =	sadd.s32 s11, s7;
	s7 =	sadd.s32 s12, s7  }
0x10: {  	s8 =	sshrl.u32 s8, $0x3;
	s9 =	sadd.s32 s13, s9;
	s10 =	smax.u32 s14, $0x1  }
0x11: {  	s11 =	sadd.s32 s17, s11;
	s12 =	sadd.s32 s17, s12;
	s14 =	sshll.u32 @!p0 s3, $0x6  }
0x12: {  	s15 =	sshrl.u32 @!p0 s15, $0x3;
	s17 =	simm.s32 $0x80;
	s8 =	sadd.s32 s13, s8  }
0x13: {  	s9 =	sadd.s32 $0x24900, s9;
	s11 =	sadd.s32 s31, s11;
	s12 =	sadd.s32 s31, s12  }
0x14: {  	s13 =	sshrl.u32 @p0 s16, $0x3;
	s14 =	sor.u32 @!p0 $0x1C02, s14;
	s16 =	simm.s32 $0x2  }
.LBB2_1:
0x15: {  	s22 =	simm.s32 @p0 $0x1FC2  }
0x16: {  	[spmem:s13], [sflag:s22] =	dma.local @p0 [hbm:s5], $0x2800  }
0x17: {  	s22 =	simm.s32 @p0 $0x2  }
0x18: {  	_ =	swait.ge @p0 [sflag:s22], $0x2800  }
0x19: {  	[sflag:s22] =	ssyncset.done @p0 $0x0  }
0x1a: {  	[sflag:s22] =	ssyncadd.s32 @p0 $0xFFFFD800;
	s22 =	simm.s32 @!p0 $0x2  }
0x1b: {  	[spmem:s15], [sflag:s14] =	dma.local @!p0 [hbm:s5], $0x2700  }
0x1c: {  	_ =	swait.ge @!p0 [sflag:s22], $0x2700  }
0x1d: {  	[sflag:s22] =	ssyncset.done @!p0 $0x0  }
0x1e: {  	[sflag:s22] =	ssyncadd.s32 @!p0 $0xFFFFD900  }
0x1f: {  	s30 =	sadd.s32 $0x0, s11;
	[bflag:$0x0] =	sbarrier.arrive $0xFFFF  }
0x20: {  	[tilespmem:s2], [sflag:$0x2] =	stream.linear.gather [hbm4b:s30+s2], $0x50, $0x38;
	[tilespmem:$0x16180] =	vst v63  }
0x21: {  	_ =	swait.ge [sflag:s16], $0x50  }
0x22: {  	[sflag:s16] =	ssyncset.done $0x0  }
0x23: {  	s31 =	sadd.s32 $0x0, s12;
	[sflag:s16] =	ssyncadd.s32 $0xFFFFFFB0  }
0x24: {  	[tilespmem:s17], [sflag:$0x2] =	stream.linear.gather [hbm4b:s31+s2], $0x50, $0x38;
	[tilespmem:$0x16180] =	vst v63  }
0x25: {  	_ =	swait.ge [sflag:s16], $0x50  }
0x26: {  	[sflag:s16] =	ssyncset.done $0x0  }
0x27: {  	[sflag:s16] =	ssyncadd.s32 $0xFFFFFFB0  }
0x28: {  	[tilespmem:s19], [sflag:$0x1] =	stream.indirect.gather [hbm4b:s4+s18], $0x80, s2, s18, $0xb8;
	[tilespmem:$0x16180] =	vst v63  }
0x29: {  	_ =	swait.ge [sflag:s20], $0x2800  }
0x2a: {  	[sflag:s20] =	ssyncset.done $0x0  }
0x2b: {  	[sflag:s20] =	ssyncadd.s32 $0xFFFFD800  }
0x2c: {  	[spmem:s1] =	stream.indirect.scatter.add.f32 [tilespmem:s19], [sflag:$0x2], $0x80, s17, s18, $0xb8;
	[tilespmem:$0x16180] =	vst v63  }
0x2d: {  	_ =	swait.ge [sflag:s16], $0x2800  }
0x2e: {  	s23 =	simm.s32 $0x280;
	s22 =	simm.s32 $0x140;
	[sflag:s16] =	ssyncset.done $0x0  }
.LBB2_2:
0x2f: {  	s24 =	sadd.s32 s22, s11  }
0x30: {  	[sflag:s16] =	ssyncadd.s32 $0xFFFFD800;
	s25 =	smov.u32 s23;
	s26 =	sadd.s32 $0x140, s23  }
0x31: {  	[tilespmem:s2], [sflag:$0x2] =	stream.linear.gather [hbm4b:s24+s2], $0x50, $0x38;
	[tilespmem:$0x16180] =	vst v63  }
0x32: {  	p2 =	sne.s32 s23, $0x4C40;
	_ =	swait.ge [sflag:s16], $0x50  }
0x33: {  	[sflag:s16] =	ssyncset.done $0x0  }
0x34: {  	s23 =	sadd.s32 s22, s12;
	s22 =	smov.u32 s25;
	[sflag:s16] =	ssyncadd.s32 $0xFFFFFFB0  }
0x35: {  	[tilespmem:s17], [sflag:$0x2] =	stream.linear.gather [hbm4b:s23+s2], $0x50, $0x38;
	[tilespmem:$0x16180] =	vst v63  }
0x36: {  	_ =	swait.ge [sflag:s16], $0x50  }
0x37: {  	[sflag:s16] =	ssyncset.done $0x0  }
0x38: {  	[sflag:s16] =	ssyncadd.s32 $0xFFFFFFB0  }
0x39: {  	[tilespmem:s19], [sflag:$0x1] =	stream.indirect.gather [hbm4b:s4+s18], $0x80, s2, s18, $0xb8;
	[tilespmem:$0x16180] =	vst v63  }
0x3a: {  	_ =	swait.ge [sflag:s20], $0x2800  }
.Ltmp0:
0x3b: {  	[sflag:s20] =	ssyncset.done $0x0;
	(pc) =	sbr.rel @p2 .LBB2_2-.Ltmp0, $4  }
0x3c: {  	[sflag:s20] =	ssyncadd.s32 $0xFFFFD800  }
0x3d: {  	[spmem:s1] =	stream.indirect.scatter.add.f32 [tilespmem:s19], [sflag:$0x2], $0x80, s17, s18, $0xb8;
	[tilespmem:$0x16180] =	vst v63  }
0x3e: {  	_ =	swait.ge [sflag:s16], $0x2800  }
0x3f: {  	s23 =	smov.u32 s26;
	[sflag:s16] =	ssyncset.done $0x0  }
0x40: {  	s23 =	sadd.s32 s22, s11;
	[sflag:s16] =	ssyncadd.s32 $0xFFFFD800  }
0x41: {  	[tilespmem:s2], [sflag:$0x2] =	stream.linear.gather [hbm4b:s23+s2], $0x50, $0x38;
	[tilespmem:$0x16180] =	vst v63  }
0x42: {  	_ =	swait.ge [sflag:s16], $0x50  }
0x43: {  	[sflag:s16] =	ssyncset.done $0x0  }
0x44: {  	s31 =	sadd.s32 s22, s12;
	[sflag:s16] =	ssyncadd.s32 $0xFFFFFFB0  }
0x45: {  	[tilespmem:s17], [sflag:$0x2] =	stream.linear.gather [hbm4b:s31+s2], $0x50, $0x38;
	[tilespmem:$0x16180] =	vst v63  }
0x46: {  	_ =	swait.ge [sflag:s16], $0x50  }
0x47: {  	[sflag:s16] =	ssyncset.done $0x0  }
0x48: {  	[sflag:s16] =	ssyncadd.s32 $0xFFFFFFB0  }
0x49: {  	[tilespmem:s19], [sflag:$0x1] =	stream.indirect.gather [hbm4b:s4+s18], $0x80, s2, s18, $0xb8;
	[tilespmem:$0x16180] =	vst v63  }
0x4a: {  	_ =	swait.ge [sflag:s20], $0x2800  }
0x4b: {  	[sflag:s20] =	ssyncset.done $0x0  }
0x4c: {  	[sflag:s20] =	ssyncadd.s32 $0xFFFFD800  }
0x4d: {  	[spmem:s1] =	stream.indirect.scatter.add.f32 [tilespmem:s19], [sflag:$0x2], $0x80, s17, s18, $0xb8;
	[tilespmem:$0x16180] =	vst v63  }
0x4e: {  	_ =	swait.ge [sflag:s16], $0x2800  }
0x4f: {  	[sflag:s16] =	ssyncset.done $0x0  }
0x50: {  	s22 =	simm.s32 @!p1 $0x0;
	s23 =	simm.s32 @!p1 $0x2;
	[sflag:s16] =	ssyncadd.s32 $0xFFFFD800  }
0x51: {  	[tilespmem:s22], [sflag:$0x2] =	stream.linear.gather @!p1 [hbm4b:s6+s22], $0x50, $0x38;
	[tilespmem:$0x16180] =	vst v63  }
0x52: {  	_ =	swait.ge @!p1 [sflag:s23], $0x50  }
0x53: {  	[sflag:s23] =	ssyncset.done @!p1 $0x0  }
0x54: {  	s24 =	simm.s32 @!p1 $0x80;
	[sflag:s23] =	ssyncadd.s32 @!p1 $0xFFFFFFB0  }
0x55: {  	[tilespmem:s24], [sflag:$0x2] =	stream.linear.gather @!p1 [hbm4b:s7+s22], $0x50, $0x38;
	[tilespmem:$0x16180] =	vst v63  }
0x56: {  	_ =	swait.ge @!p1 [sflag:s23], $0x50  }
0x57: {  	[sflag:s23] =	ssyncset.done @!p1 $0x0  }
0x58: {  	s25 =	simm.s32 @!p1 $0x50;
	s26 =	simm.s32 @!p1 $0x100;
	[sflag:s23] =	ssyncadd.s32 @!p1 $0xFFFFFFB0  }
0x59: {  	[tilespmem:s26], [sflag:$0x1] =	stream.indirect.gather @!p1 [hbm4b:s4+s25], $0x80, s22, s25, $0xb8;
	[tilespmem:$0x16180] =	vst v63  }
0x5a: {  	s22 =	simm.s32 @!p1 $0x1  }
0x5b: {  	_ =	swait.ge @!p1 [sflag:s22], $0x2800  }
0x5c: {  	[sflag:s22] =	ssyncset.done @!p1 $0x0  }
0x5d: {  	[sflag:s22] =	ssyncadd.s32 @!p1 $0xFFFFD800  }
0x5e: {  	[spmem:s1] =	stream.indirect.scatter.add.f32 @!p1 [tilespmem:s26], [sflag:$0x2], $0x80, s24, s25, $0xb8;
	[tilespmem:$0x16180] =	vst v63  }
0x5f: {  	_ =	swait.ge @!p1 [sflag:s23], $0x2800  }
0x60: {  	[sflag:s23] =	ssyncset.done @!p1 $0x0  }
0x61: {  	[sflag:s23] =	ssyncadd.s32 @!p1 $0xFFFFD800  }
0x62: {  	s22 =	simm.s32 @p0 $0x1FC2;
	[bflag:$0x0] =	sbarrier.arrive $0xFFFF  }
0x63: {  	[hbm:s9], [sflag:s22] =	dma.local @p0 [spmem:s13], $0x2800  }
0x64: {  	s22 =	simm.s32 @p0 $0x2  }
0x65: {  	s21 =	sadd.s32 $0x1, s21;
	_ =	swait.ge @p0 [sflag:s22], $0x2800  }
0x66: {  	p2 =	sne.s32 s21, s10;
	[sflag:s22] =	ssyncset.done @p0 $0x0  }
.Ltmp1:
0x67: {  	[sflag:s22] =	ssyncadd.s32 @p0 $0xFFFFD800;
	s22 =	simm.s32 @!p0 $0x2;
	(pc) =	sbr.rel @p2 .LBB2_1-.Ltmp1, $4  }
0x68: {  	[hbm:s8], [sflag:s14] =	dma.local @!p0 [spmem:s15], $0x2700  }
0x69: {  	_ =	swait.ge @!p0 [sflag:s22], $0x2700  }
0x6a: {  	[sflag:s22] =	ssyncset.done @!p0 $0x0  }
0x6b: {  	[sflag:s22] =	ssyncadd.s32 @!p0 $0xFFFFD900  }
0x6c: {  	_ =	sfence.sel $0x180000  }
0x6d: {  	[bflag:$0x0] =	sbarrier.arrive $0xFFFF  }
0x6e: {  	p0 =	sne.s32 s3, $0x0;
	_ =	strace $0x90000053  }
0x6f: {  	s0 =	sadd.s32 @!p0 $0x100000, s0;
	[bflag:$0x2] =	sbarrier.arrive $0xFFFF  }
0x70: {  	[sflag:s0] =	ssyncadd.tile.s32 @!p0 $0x1;
	_ =	shalt  }
.Lfunc_end2:
_tile_overlayer_lowered:
.L_overlay_start_2:
0x71: {  	(tag) =	ssettag $0x2  }
0x72: {  	s0 =	rddreg [dreg:$0x0];
	s2 =	stileid.u32  }
0x73: {  	s1 =	rddreg [dreg:$0x1];
	p0 =	sne.s32 s2, $0x0  }
0x74: {  	s3 =	rddreg [dreg:$0x2];
	[bflag:$0x3] =	sbarrier.arrive $0xFFFF;
	s2 =	simm.s32 @!p0 $0x1C02  }
0x75: {  	[timem:s3], [sflag:s2] =	dma.local @!p0 [hbm:s0], s1  }
0x76: {  	s0 =	simm.s32 @!p0 $0x2  }
0x77: {  	_ =	swait.ge @!p0 [sflag:s0], s1  }
0x78: {  	s1 =	ssub.s32 @!p0 $0x0, s1;
	[sflag:s0] =	ssyncset.done @!p0 $0x0  }
0x79: {  	[sflag:s0] =	ssyncadd.s32 @!p0 s1  }
0x7a: {  	[bflag:$0x3] =	sbarrier.arrive $0xFFFF  }
0x7b: {  	_ =	shalt  }

</sc_bundles>
